<compile_context>
chip_gen: v7x
topology: tpu7x:2x2x1
jax: 0.10.2.dev20260603
libtpu: 0.0.44.dev20260713+nightly
codegen_flags: <defaults>
</compile_context>

<pallas_src>
import functools

import jax
import jax.numpy as jnp
from jax import lax
from jax.experimental import pallas as pl
from jax.experimental.pallas import tpu as pltpu
from jax.experimental.pallas import tpu_sc as plsc

F = 1024
M = 3
L = 16
CH = F // L
NC = 2
NS = 16
NW = NC * NS
NR = 32


def kernel(x, modes, gamma, beta):
    B = x.shape[0]
    rows_per_w = B // NW
    nblk = rows_per_w // NR
    modes = modes.astype(jnp.int32)

    mesh = plsc.VectorSubcoreMesh(core_axis_name="c", subcore_axis_name="s")

    @functools.partial(
        pl.kernel,
        mesh=mesh,
        out_type=jax.ShapeDtypeStruct((B, F), jnp.float32),
        scratch_types=[
            pltpu.VMEM((rows_per_w,), jnp.int32),
            pltpu.VMEM((M, F), jnp.float32),
            pltpu.VMEM((M, F), jnp.float32),
            pltpu.VMEM((NR, F), jnp.float32),
        ],
    )
    def run(x_hbm, modes_hbm, gamma_hbm, beta_hbm, out_hbm,
            modes_v, g_v, b_v, xb):
        wid = lax.axis_index("s") * NC + lax.axis_index("c")
        row0 = wid * rows_per_w
        pltpu.sync_copy(modes_hbm.at[pl.ds(row0, rows_per_w)], modes_v)
        pltpu.sync_copy(gamma_hbm, g_v)
        pltpu.sync_copy(beta_hbm, b_v)

        def block_body(blk, _):
            rbase = row0 + blk * NR
            pltpu.sync_copy(x_hbm.at[pl.ds(rbase, NR)], xb)

            def group_body(g16, _):
                mvec = modes_v[pl.ds(blk * NR + g16 * L, L)]
                for i in range(L):
                    row = g16 * L + i
                    m = mvec[i]

                    def ch_body(j, _, row=row, m=m):
                        sl = pl.ds(j * L, L)
                        xv = xb[row, sl]
                        gv = g_v[m, sl]
                        bv = b_v[m, sl]
                        xb[row, sl] = gv * xv + bv
                        return 0

                    lax.fori_loop(0, CH, ch_body, 0, unroll=4)
                return 0

            lax.fori_loop(0, NR // L, group_body, 0)
            pltpu.sync_copy(xb, out_hbm.at[pl.ds(rbase, NR)])
            return 0

        lax.fori_loop(0, nblk, block_body, 0)

    return run(x, modes, gamma, beta)

# --- scband reference (transcript-rebuilt; emitter-appended) ---
"""Pipeline reference for scband-mode-specific-normalization-88484916232328 (READ-ONLY COPY).

The authoritative reference and input builder live on the scoring server;
editing this copy changes nothing except your own understanding.
"""

import jax, jax.numpy as jnp
import numpy as np

NUM_FEATURES = 1024
NUM_MODES = 3
BATCH = 16384


def setup_inputs(seed: int = 0) -> dict:
    key = jax.random.key(seed)
    k1, k2 = jax.random.split(key, 2)
    x = jax.random.normal(k1, (BATCH, NUM_FEATURES), dtype=jnp.float32)
    modes = jax.random.randint(k2, (BATCH,), 0, NUM_MODES, dtype=jnp.int64 if jax.config.jax_enable_x64 else jnp.int32)
    gamma = jnp.ones((NUM_MODES, NUM_FEATURES), dtype=jnp.float32)
    beta = jnp.zeros((NUM_MODES, NUM_FEATURES), dtype=jnp.float32)
    return {"x": x, "modes": modes, "gamma": gamma, "beta": beta}


def reference(x, modes, gamma, beta):
    # gather per-row mode parameters, then affine transform
    gamma_selected = jnp.take(gamma, modes, axis=0)  # [B, F]
    beta_selected = jnp.take(beta, modes, axis=0)    # [B, F]
    normalized = gamma_selected * x + beta_selected
    return normalized

if __name__ == "__main__":
    import jax
    _d = setup_inputs()
    print(jax.jit(kernel)(*tuple(_d.values())))

</pallas_src>

<mosaic_0001>
#map = affine_map<(d0, d1) -> (0, 0)>
#map1 = affine_map<(d0, d1) -> (0)>
module attributes {stable_mosaic.version = 14 : i64} {
  func.func @run(%arg0: i32, %arg1: i32, %arg2: memref<16384x1024xf32, #tpu.memory_space<hbm>>, %arg3: memref<16384xi32, #tpu.memory_space<hbm>>, %arg4: memref<3x1024xf32, #tpu.memory_space<hbm>>, %arg5: memref<3x1024xf32, #tpu.memory_space<hbm>>, %arg6: memref<16384x1024xf32, #tpu.memory_space<hbm>>, %arg7: memref<512xi32, #tpu.memory_space<vmem>>, %arg8: memref<3x1024xf32, #tpu.memory_space<vmem>>, %arg9: memref<3x1024xf32, #tpu.memory_space<vmem>>, %arg10: memref<32x1024xf32, #tpu.memory_space<vmem>>) attributes {dimension_semantics = [#tpu.dimension_semantics<core_parallel>, #tpu.dimension_semantics<subcore_parallel>], iteration_bounds = array<i64: 2, 16>, scalar_prefetch = 0 : i64, scratch_operands = 4 : i64, tpu.core_type = #tpu.core_type<sc_vector_subcore>, window_params = [{transform_indices = #map}, {transform_indices = #map1}, {transform_indices = #map}, {transform_indices = #map}, {transform_indices = #map}]} {
    %mul3A = arith.constant 2 : i32
    %mul3A_0 = arith.muli %arg1, %mul3A : i32
    %add3A = arith.addi %mul3A_0, %arg0 : i32
    %mul3A_1 = arith.constant 512 : i32
    %mul3A_2 = arith.muli %add3A, %mul3A_1 : i32
    "tpu.region"() ({
      %run_scoped3A = tpu.sem_alloc : memref<!tpu.dma_semaphore, #tpu.memory_space<semaphore_mem>>
      %dma_start3A = tpu.memref_slice %arg3[%mul3A_2] : memref<16384xi32, #tpu.memory_space<hbm>> -> memref<512xi32, #tpu.memory_space<hbm>>
      %dma_start3A_9 = tpu.memref_slice %arg3[%mul3A_2] : memref<16384xi32, #tpu.memory_space<hbm>> -> memref<512xi32, #tpu.memory_space<hbm>>
      tpu.enqueue_dma source(%dma_start3A_9 : memref<512xi32, #tpu.memory_space<hbm>>) target(%arg7 : memref<512xi32, #tpu.memory_space<vmem>>) target_semaphore(%run_scoped3A : memref<!tpu.dma_semaphore, #tpu.memory_space<semaphore_mem>>)
      %dma_wait3A = tpu.memref_slice %arg3[%mul3A_2] : memref<16384xi32, #tpu.memory_space<hbm>> -> memref<512xi32, #tpu.memory_space<hbm>>
      %dma_wait3A_10 = tpu.memref_slice %arg3[%mul3A_2] : memref<16384xi32, #tpu.memory_space<hbm>> -> memref<512xi32, #tpu.memory_space<hbm>>
      tpu.wait_dma2 semaphore(%run_scoped3A : memref<!tpu.dma_semaphore, #tpu.memory_space<semaphore_mem>>) src(%dma_wait3A_10 : memref<512xi32, #tpu.memory_space<hbm>>) dst(%arg7 : memref<512xi32, #tpu.memory_space<vmem>>)
      tpu.yield
    }) : () -> ()
    "tpu.region"() ({
      %run_scoped3A = tpu.sem_alloc : memref<!tpu.dma_semaphore, #tpu.memory_space<semaphore_mem>>
      tpu.enqueue_dma source(%arg4 : memref<3x1024xf32, #tpu.memory_space<hbm>>) target(%arg8 : memref<3x1024xf32, #tpu.memory_space<vmem>>) target_semaphore(%run_scoped3A : memref<!tpu.dma_semaphore, #tpu.memory_space<semaphore_mem>>)
      tpu.wait_dma2 semaphore(%run_scoped3A : memref<!tpu.dma_semaphore, #tpu.memory_space<semaphore_mem>>) src(%arg4 : memref<3x1024xf32, #tpu.memory_space<hbm>>) dst(%arg8 : memref<3x1024xf32, #tpu.memory_space<vmem>>)
      tpu.yield
    }) : () -> ()
    "tpu.region"() ({
      %run_scoped3A = tpu.sem_alloc : memref<!tpu.dma_semaphore, #tpu.memory_space<semaphore_mem>>
      tpu.enqueue_dma source(%arg5 : memref<3x1024xf32, #tpu.memory_space<hbm>>) target(%arg9 : memref<3x1024xf32, #tpu.memory_space<vmem>>) target_semaphore(%run_scoped3A : memref<!tpu.dma_semaphore, #tpu.memory_space<semaphore_mem>>)
      tpu.wait_dma2 semaphore(%run_scoped3A : memref<!tpu.dma_semaphore, #tpu.memory_space<semaphore_mem>>) src(%arg5 : memref<3x1024xf32, #tpu.memory_space<hbm>>) dst(%arg9 : memref<3x1024xf32, #tpu.memory_space<vmem>>)
      tpu.yield
    }) : () -> ()
    %scan3A = arith.constant 0 : i32
    %scan3A_3 = arith.constant 0 : i32
    %scan3A_4 = arith.constant 16 : i32
    %scan3A_5 = arith.addi %scan3A_3, %scan3A_4 : i32
    %scan3A_6 = arith.constant 1 : i32
    %scan3A_7 = scf.for %scan3A_9 = %scan3A_3 to %scan3A_5 step %scan3A_6 iter_args(%scan3A_10 = %scan3A) -> (i32)  : i32 {
      %mul3A_11 = arith.constant 32 : i32
      %mul3A_12 = arith.muli %scan3A_9, %mul3A_11 : i32
      %add3A_13 = arith.addi %mul3A_2, %mul3A_12 : i32
      "tpu.region"() ({
        %run_scoped3A = tpu.sem_alloc : memref<!tpu.dma_semaphore, #tpu.memory_space<semaphore_mem>>
        %dma_start3A = arith.constant 0 : i32
        %dma_start3A_22 = tpu.memref_slice %arg2[%add3A_13, %dma_start3A] : memref<16384x1024xf32, #tpu.memory_space<hbm>> -> memref<32x1024xf32, #tpu.memory_space<hbm>>
        %dma_start3A_23 = arith.constant 0 : i32
        %dma_start3A_24 = tpu.memref_slice %arg2[%add3A_13, %dma_start3A_23] : memref<16384x1024xf32, #tpu.memory_space<hbm>> -> memref<32x1024xf32, #tpu.memory_space<hbm>>
        tpu.enqueue_dma source(%dma_start3A_24 : memref<32x1024xf32, #tpu.memory_space<hbm>>) target(%arg10 : memref<32x1024xf32, #tpu.memory_space<vmem>>) target_semaphore(%run_scoped3A : memref<!tpu.dma_semaphore, #tpu.memory_space<semaphore_mem>>)
        %dma_wait3A = arith.constant 0 : i32
        %dma_wait3A_25 = tpu.memref_slice %arg2[%add3A_13, %dma_wait3A] : memref<16384x1024xf32, #tpu.memory_space<hbm>> -> memref<32x1024xf32, #tpu.memory_space<hbm>>
        %dma_wait3A_26 = arith.constant 0 : i32
        %dma_wait3A_27 = tpu.memref_slice %arg2[%add3A_13, %dma_wait3A_26] : memref<16384x1024xf32, #tpu.memory_space<hbm>> -> memref<32x1024xf32, #tpu.memory_space<hbm>>
        tpu.wait_dma2 semaphore(%run_scoped3A : memref<!tpu.dma_semaphore, #tpu.memory_space<semaphore_mem>>) src(%dma_wait3A_27 : memref<32x1024xf32, #tpu.memory_space<hbm>>) dst(%arg10 : memref<32x1024xf32, #tpu.memory_space<vmem>>)
        tpu.yield
      }) : () -> ()
      %scan3A_14 = arith.constant 0 : i32
      %scan3A_15 = arith.constant 0 : i32
      %scan3A_16 = arith.constant 2 : i32
      %scan3A_17 = arith.addi %scan3A_15, %scan3A_16 : i32
      %scan3A_18 = arith.constant 1 : i32
      %scan3A_19 = scf.for %scan3A_22 = %scan3A_15 to %scan3A_17 step %scan3A_18 iter_args(%scan3A_23 = %scan3A_14) -> (i32)  : i32 {
        %mul3A_24 = arith.constant 32 : i32
        %mul3A_25 = arith.muli %scan3A_9, %mul3A_24 : i32
        %mul3A_26 = arith.constant 16 : i32
        %mul3A_27 = arith.muli %scan3A_22, %mul3A_26 : i32
        %add3A_28 = arith.addi %mul3A_25, %mul3A_27 : i32
        %get3A = arith.index_cast %add3A_28 : i32 to index
        %get3A_29 = tpu.vector_load %arg7[%get3A] {strides = array<i32>} : memref<512xi32, #tpu.memory_space<vmem>>, vector<16xi32>,
        %get3A_30 = vector.shape_cast %get3A_29 : vector<16xi32> to vector<16xi32>
        %mul3A_31 = arith.constant 16 : i32
        %mul3A_32 = arith.muli %scan3A_22, %mul3A_31 : i32
        %add3A_33 = arith.constant 0 : i32
        %add3A_34 = arith.addi %mul3A_32, %add3A_33 : i32
        %slice3A = vector.extract_strided_slice %get3A_30 {offsets = [0], sizes = [1], strides = [1]} : vector<16xi32> to vector<1xi32>
        %squeeze3A = vector.extract %slice3A[0] : i32 from vector<1xi32>
        %scan3A_35 = arith.constant 0 : i32
        %scan3A_36 = arith.constant 0 : i32
        %scan3A_37 = arith.constant 64 : i32
        %scan3A_38 = arith.addi %scan3A_36, %scan3A_37 : i32
        %scan3A_39 = arith.constant 4 : i32
        %scan3A_40 = scf.for %scan3A_238 = %scan3A_36 to %scan3A_38 step %scan3A_39 iter_args(%scan3A_239 = %scan3A_35) -> (i32)  : i32 {
          %mul3A_240 = arith.constant 16 : i32
          %mul3A_241 = arith.muli %scan3A_238, %mul3A_240 : i32
          %get3A_242 = arith.index_cast %add3A_34 : i32 to index
          %get3A_243 = arith.index_cast %mul3A_241 : i32 to index
          %get3A_244 = tpu.vector_load %arg10[%get3A_242, %get3A_243] {strides = array<i32>} : memref<32x1024xf32, #tpu.memory_space<vmem>>, vector<1x16xf32>,
          %get3A_245 = vector.shape_cast %get3A_244 : vector<1x16xf32> to vector<16xf32>
          %get3A_246 = arith.index_cast %squeeze3A : i32 to index
          %get3A_247 = arith.index_cast %mul3A_241 : i32 to index
          %get3A_248 = tpu.vector_load %arg8[%get3A_246, %get3A_247] {strides = array<i32>} : memref<3x1024xf32, #tpu.memory_space<vmem>>, vector<1x16xf32>,
          %get3A_249 = vector.shape_cast %get3A_248 : vector<1x16xf32> to vector<16xf32>
          %get3A_250 = arith.index_cast %squeeze3A : i32 to index
          %get3A_251 = arith.index_cast %mul3A_241 : i32 to index
          %get3A_252 = tpu.vector_load %arg9[%get3A_250, %get3A_251] {strides = array<i32>} : memref<3x1024xf32, #tpu.memory_space<vmem>>, vector<1x16xf32>,
          %get3A_253 = vector.shape_cast %get3A_252 : vector<1x16xf32> to vector<16xf32>
          %mul3A_254 = arith.mulf %get3A_249, %get3A_245 : vector<16xf32>
          %add3A_255 = arith.addf %mul3A_254, %get3A_253 : vector<16xf32>
          %swap3A = arith.index_cast %add3A_34 : i32 to index
          %swap3A_256 = arith.index_cast %mul3A_241 : i32 to index
          %swap3A_257 = tpu.vector_load %arg10[%swap3A, %swap3A_256] {strides = array<i32>} : memref<32x1024xf32, #tpu.memory_space<vmem>>, vector<1x16xf32>,
          %swap3A_258 = vector.shape_cast %swap3A_257 : vector<1x16xf32> to vector<16xf32>
          %swap3A_259 = vector.shape_cast %add3A_255 : vector<16xf32> to vector<1x16xf32>
          tpu.vector_store %arg10[%swap3A, %swap3A_256], %swap3A_259 {strides = array<i32>} : memref<32x1024xf32, #tpu.memory_space<vmem>>, vector<1x16xf32>,
          %scan3A_260 = arith.constant 0 : i32
          %scan3A_261 = arith.constant 1 : i32
          %scan3A_262 = arith.addi %scan3A_238, %scan3A_261 : i32
          %mul3A_263 = arith.constant 16 : i32
          %mul3A_264 = arith.muli %scan3A_262, %mul3A_263 : i32
          %get3A_265 = arith.index_cast %add3A_34 : i32 to index
          %get3A_266 = arith.index_cast %mul3A_264 : i32 to index
          %get3A_267 = tpu.vector_load %arg10[%get3A_265, %get3A_266] {strides = array<i32>} : memref<32x1024xf32, #tpu.memory_space<vmem>>, vector<1x16xf32>,
          %get3A_268 = vector.shape_cast %get3A_267 : vector<1x16xf32> to vector<16xf32>
          %get3A_269 = arith.index_cast %squeeze3A : i32 to index
          %get3A_270 = arith.index_cast %mul3A_264 : i32 to index
          %get3A_271 = tpu.vector_load %arg8[%get3A_269, %get3A_270] {strides = array<i32>} : memref<3x1024xf32, #tpu.memory_space<vmem>>, vector<1x16xf32>,
          %get3A_272 = vector.shape_cast %get3A_271 : vector<1x16xf32> to vector<16xf32>
          %get3A_273 = arith.index_cast %squeeze3A : i32 to index
          %get3A_274 = arith.index_cast %mul3A_264 : i32 to index
          %get3A_275 = tpu.vector_load %arg9[%get3A_273, %get3A_274] {strides = array<i32>} : memref<3x1024xf32, #tpu.memory_space<vmem>>, vector<1x16xf32>,
          %get3A_276 = vector.shape_cast %get3A_275 : vector<1x16xf32> to vector<16xf32>
          %mul3A_277 = arith.mulf %get3A_272, %get3A_268 : vector<16xf32>
          %add3A_278 = arith.addf %mul3A_277, %get3A_276 : vector<16xf32>
          %swap3A_279 = arith.index_cast %add3A_34 : i32 to index
          %swap3A_280 = arith.index_cast %mul3A_264 : i32 to index
          %swap3A_281 = tpu.vector_load %arg10[%swap3A_279, %swap3A_280] {strides = array<i32>} : memref<32x1024xf32, #tpu.memory_space<vmem>>, vector<1x16xf32>,
          %swap3A_282 = vector.shape_cast %swap3A_281 : vector<1x16xf32> to vector<16xf32>
          %swap3A_283 = vector.shape_cast %add3A_278 : vector<16xf32> to vector<1x16xf32>
          tpu.vector_store %arg10[%swap3A_279, %swap3A_280], %swap3A_283 {strides = array<i32>} : memref<32x1024xf32, #tpu.memory_space<vmem>>, vector<1x16xf32>,
          %scan3A_284 = arith.constant 0 : i32
          %scan3A_285 = arith.constant 2 : i32
          %scan3A_286 = arith.addi %scan3A_238, %scan3A_285 : i32
          %mul3A_287 = arith.constant 16 : i32
          %mul3A_288 = arith.muli %scan3A_286, %mul3A_287 : i32
          %get3A_289 = arith.index_cast %add3A_34 : i32 to index
          %get3A_290 = arith.index_cast %mul3A_288 : i32 to index
          %get3A_291 = tpu.vector_load %arg10[%get3A_289, %get3A_290] {strides = array<i32>} : memref<32x1024xf32, #tpu.memory_space<vmem>>, vector<1x16xf32>,
          %get3A_292 = vector.shape_cast %get3A_291 : vector<1x16xf32> to vector<16xf32>
          %get3A_293 = arith.index_cast %squeeze3A : i32 to index
          %get3A_294 = arith.index_cast %mul3A_288 : i32 to index
          %get3A_295 = tpu.vector_load %arg8[%get3A_293, %get3A_294] {strides = array<i32>} : memref<3x1024xf32, #tpu.memory_space<vmem>>, vector<1x16xf32>,
          %get3A_296 = vector.shape_cast %get3A_295 : vector<1x16xf32> to vector<16xf32>
          %get3A_297 = arith.index_cast %squeeze3A : i32 to index
          %get3A_298 = arith.index_cast %mul3A_288 : i32 to index
          %get3A_299 = tpu.vector_load %arg9[%get3A_297, %get3A_298] {strides = array<i32>} : memref<3x1024xf32, #tpu.memory_space<vmem>>, vector<1x16xf32>,
          %get3A_300 = vector.shape_cast %get3A_299 : vector<1x16xf32> to vector<16xf32>
          %mul3A_301 = arith.mulf %get3A_296, %get3A_292 : vector<16xf32>
          %add3A_302 = arith.addf %mul3A_301, %get3A_300 : vector<16xf32>
          %swap3A_303 = arith.index_cast %add3A_34 : i32 to index
          %swap3A_304 = arith.index_cast %mul3A_288 : i32 to index
          %swap3A_305 = tpu.vector_load %arg10[%swap3A_303, %swap3A_304] {strides = array<i32>} : memref<32x1024xf32, #tpu.memory_space<vmem>>, vector<1x16xf32>,
          %swap3A_306 = vector.shape_cast %swap3A_305 : vector<1x16xf32> to vector<16xf32>
          %swap3A_307 = vector.shape_cast %add3A_302 : vector<16xf32> to vector<1x16xf32>
          tpu.vector_store %arg10[%swap3A_303, %swap3A_304], %swap3A_307 {strides = array<i32>} : memref<32x1024xf32, #tpu.memory_space<vmem>>, vector<1x16xf32>,
          %scan3A_308 = arith.constant 0 : i32
          %scan3A_309 = arith.constant 3 : i32
          %scan3A_310 = arith.addi %scan3A_238, %scan3A_309 : i32
          %mul3A_311 = arith.constant 16 : i32
          %mul3A_312 = arith.muli %scan3A_310, %mul3A_311 : i32
          %get3A_313 = arith.index_cast %add3A_34 : i32 to index
          %get3A_314 = arith.index_cast %mul3A_312 : i32 to index
          %get3A_315 = tpu.vector_load %arg10[%get3A_313, %get3A_314] {strides = array<i32>} : memref<32x1024xf32, #tpu.memory_space<vmem>>, vector<1x16xf32>,
          %get3A_316 = vector.shape_cast %get3A_315 : vector<1x16xf32> to vector<16xf32>
          %get3A_317 = arith.index_cast %squeeze3A : i32 to index
          %get3A_318 = arith.index_cast %mul3A_312 : i32 to index
          %get3A_319 = tpu.vector_load %arg8[%get3A_317, %get3A_318] {strides = array<i32>} : memref<3x1024xf32, #tpu.memory_space<vmem>>, vector<1x16xf32>,
          %get3A_320 = vector.shape_cast %get3A_319 : vector<1x16xf32> to vector<16xf32>
          %get3A_321 = arith.index_cast %squeeze3A : i32 to index
          %get3A_322 = arith.index_cast %mul3A_312 : i32 to index
          %get3A_323 = tpu.vector_load %arg9[%get3A_321, %get3A_322] {strides = array<i32>} : memref<3x1024xf32, #tpu.memory_space<vmem>>, vector<1x16xf32>,
          %get3A_324 = vector.shape_cast %get3A_323 : vector<1x16xf32> to vector<16xf32>
          %mul3A_325 = arith.mulf %get3A_320, %get3A_316 : vector<16xf32>
          %add3A_326 = arith.addf %mul3A_325, %get3A_324 : vector<16xf32>
          %swap3A_327 = arith.index_cast %add3A_34 : i32 to index
          %swap3A_328 = arith.index_cast %mul3A_312 : i32 to index
          %swap3A_329 = tpu.vector_load %arg10[%swap3A_327, %swap3A_328] {strides = array<i32>} : memref<32x1024xf32, #tpu.memory_space<vmem>>, vector<1x16xf32>,
          %swap3A_330 = vector.shape_cast %swap3A_329 : vector<1x16xf32> to vector<16xf32>
          %swap3A_331 = vector.shape_cast %add3A_326 : vector<16xf32> to vector<1x16xf32>
          tpu.vector_store %arg10[%swap3A_327, %swap3A_328], %swap3A_331 {strides = array<i32>} : memref<32x1024xf32, #tpu.memory_space<vmem>>, vector<1x16xf32>,
          %scan3A_332 = arith.constant 0 : i32
          scf.yield %scan3A_332 : i32
        }
        %scan3A_41 = arith.constant 64 : i32
        %mul3A_42 = arith.constant 16 : i32
        %mul3A_43 = arith.muli %scan3A_22, %mul3A_42 : i32
        %add3A_44 = arith.constant 1 : i32
        %add3A_45 = arith.addi %mul3A_43, %add3A_44 : i32
        %slice3A_46 = vector.extract_strided_slice %get3A_30 {offsets = [1], sizes = [1], strides = [1]} : vector<16xi32> to vector<1xi32>
        %squeeze3A_47 = vector.extract %slice3A_46[0] : i32 from vector<1xi32>
        %scan3A_48 = arith.constant 0 : i32
        %scan3A_49 = arith.constant 0 : i32
        %scan3A_50 = arith.constant 64 : i32
        %scan3A_51 = arith.addi %scan3A_49, %scan3A_50 : i32
        %scan3A_52 = arith.constant 4 : i32
        %scan3A_53 = scf.for %scan3A_238 = %scan3A_49 to %scan3A_51 step %scan3A_52 iter_args(%scan3A_239 = %scan3A_48) -> (i32)  : i32 {
          %mul3A_240 = arith.constant 16 : i32
          %mul3A_241 = arith.muli %scan3A_238, %mul3A_240 : i32
          %get3A_242 = arith.index_cast %add3A_45 : i32 to index
          %get3A_243 = arith.index_cast %mul3A_241 : i32 to index
          %get3A_244 = tpu.vector_load %arg10[%get3A_242, %get3A_243] {strides = array<i32>} : memref<32x1024xf32, #tpu.memory_space<vmem>>, vector<1x16xf32>,
          %get3A_245 = vector.shape_cast %get3A_244 : vector<1x16xf32> to vector<16xf32>
          %get3A_246 = arith.index_cast %squeeze3A_47 : i32 to index
          %get3A_247 = arith.index_cast %mul3A_241 : i32 to index
          %get3A_248 = tpu.vector_load %arg8[%get3A_246, %get3A_247] {strides = array<i32>} : memref<3x1024xf32, #tpu.memory_space<vmem>>, vector<1x16xf32>,
          %get3A_249 = vector.shape_cast %get3A_248 : vector<1x16xf32> to vector<16xf32>
          %get3A_250 = arith.index_cast %squeeze3A_47 : i32 to index
          %get3A_251 = arith.index_cast %mul3A_241 : i32 to index
          %get3A_252 = tpu.vector_load %arg9[%get3A_250, %get3A_251] {strides = array<i32>} : memref<3x1024xf32, #tpu.memory_space<vmem>>, vector<1x16xf32>,
          %get3A_253 = vector.shape_cast %get3A_252 : vector<1x16xf32> to vector<16xf32>
          %mul3A_254 = arith.mulf %get3A_249, %get3A_245 : vector<16xf32>
          %add3A_255 = arith.addf %mul3A_254, %get3A_253 : vector<16xf32>
          %swap3A = arith.index_cast %add3A_45 : i32 to index
          %swap3A_256 = arith.index_cast %mul3A_241 : i32 to index
          %swap3A_257 = tpu.vector_load %arg10[%swap3A, %swap3A_256] {strides = array<i32>} : memref<32x1024xf32, #tpu.memory_space<vmem>>, vector<1x16xf32>,
          %swap3A_258 = vector.shape_cast %swap3A_257 : vector<1x16xf32> to vector<16xf32>
          %swap3A_259 = vector.shape_cast %add3A_255 : vector<16xf32> to vector<1x16xf32>
          tpu.vector_store %arg10[%swap3A, %swap3A_256], %swap3A_259 {strides = array<i32>} : memref<32x1024xf32, #tpu.memory_space<vmem>>, vector<1x16xf32>,
          %scan3A_260 = arith.constant 0 : i32
          %scan3A_261 = arith.constant 1 : i32
          %scan3A_262 = arith.addi %scan3A_238, %scan3A_261 : i32
          %mul3A_263 = arith.constant 16 : i32
          %mul3A_264 = arith.muli %scan3A_262, %mul3A_263 : i32
          %get3A_265 = arith.index_cast %add3A_45 : i32 to index
          %get3A_266 = arith.index_cast %mul3A_264 : i32 to index
          %get3A_267 = tpu.vector_load %arg10[%get3A_265, %get3A_266] {strides = array<i32>} : memref<32x1024xf32, #tpu.memory_space<vmem>>, vector<1x16xf32>,
          %get3A_268 = vector.shape_cast %get3A_267 : vector<1x16xf32> to vector<16xf32>
          %get3A_269 = arith.index_cast %squeeze3A_47 : i32 to index
          %get3A_270 = arith.index_cast %mul3A_264 : i32 to index
          %get3A_271 = tpu.vector_load %arg8[%get3A_269, %get3A_270] {strides = array<i32>} : memref<3x1024xf32, #tpu.memory_space<vmem>>, vector<1x16xf32>,
          %get3A_272 = vector.shape_cast %get3A_271 : vector<1x16xf32> to vector<16xf32>
          %get3A_273 = arith.index_cast %squeeze3A_47 : i32 to index
          %get3A_274 = arith.index_cast %mul3A_264 : i32 to index
          %get3A_275 = tpu.vector_load %arg9[%get3A_273, %get3A_274] {strides = array<i32>} : memref<3x1024xf32, #tpu.memory_space<vmem>>, vector<1x16xf32>,
          %get3A_276 = vector.shape_cast %get3A_275 : vector<1x16xf32> to vector<16xf32>
          %mul3A_277 = arith.mulf %get3A_272, %get3A_268 : vector<16xf32>
          %add3A_278 = arith.addf %mul3A_277, %get3A_276 : vector<16xf32>
          %swap3A_279 = arith.index_cast %add3A_45 : i32 to index
          %swap3A_280 = arith.index_cast %mul3A_264 : i32 to index
          %swap3A_281 = tpu.vector_load %arg10[%swap3A_279, %swap3A_280] {strides = array<i32>} : memref<32x1024xf32, #tpu.memory_space<vmem>>, vector<1x16xf32>,
          %swap3A_282 = vector.shape_cast %swap3A_281 : vector<1x16xf32> to vector<16xf32>
          %swap3A_283 = vector.shape_cast %add3A_278 : vector<16xf32> to vector<1x16xf32>
          tpu.vector_store %arg10[%swap3A_279, %swap3A_280], %swap3A_283 {strides = array<i32>} : memref<32x1024xf32, #tpu.memory_space<vmem>>, vector<1x16xf32>,
          %scan3A_284 = arith.constant 0 : i32
          %scan3A_285 = arith.constant 2 : i32
          %scan3A_286 = arith.addi %scan3A_238, %scan3A_285 : i32
          %mul3A_287 = arith.constant 16 : i32
          %mul3A_288 = arith.muli %scan3A_286, %mul3A_287 : i32
          %get3A_289 = arith.index_cast %add3A_45 : i32 to index
          %get3A_290 = arith.index_cast %mul3A_288 : i32 to index
          %get3A_291 = tpu.vector_load %arg10[%get3A_289, %get3A_290] {strides = array<i32>} : memref<32x1024xf32, #tpu.memory_space<vmem>>, vector<1x16xf32>,
          %get3A_292 = vector.shape_cast %get3A_291 : vector<1x16xf32> to vector<16xf32>
          %get3A_293 = arith.index_cast %squeeze3A_47 : i32 to index
          %get3A_294 = arith.index_cast %mul3A_288 : i32 to index
          %get3A_295 = tpu.vector_load %arg8[%get3A_293, %get3A_294] {strides = array<i32>} : memref<3x1024xf32, #tpu.memory_space<vmem>>, vector<1x16xf32>,
          %get3A_296 = vector.shape_cast %get3A_295 : vector<1x16xf32> to vector<16xf32>
          %get3A_297 = arith.index_cast %squeeze3A_47 : i32 to index
          %get3A_298 = arith.index_cast %mul3A_288 : i32 to index
          %get3A_299 = tpu.vector_load %arg9[%get3A_297, %get3A_298] {strides = array<i32>} : memref<3x1024xf32, #tpu.memory_space<vmem>>, vector<1x16xf32>,
          %get3A_300 = vector.shape_cast %get3A_299 : vector<1x16xf32> to vector<16xf32>
          %mul3A_301 = arith.mulf %get3A_296, %get3A_292 : vector<16xf32>
          %add3A_302 = arith.addf %mul3A_301, %get3A_300 : vector<16xf32>
          %swap3A_303 = arith.index_cast %add3A_45 : i32 to index
          %swap3A_304 = arith.index_cast %mul3A_288 : i32 to index
          %swap3A_305 = tpu.vector_load %arg10[%swap3A_303, %swap3A_304] {strides = array<i32>} : memref<32x1024xf32, #tpu.memory_space<vmem>>, vector<1x16xf32>,
          %swap3A_306 = vector.shape_cast %swap3A_305 : vector<1x16xf32> to vector<16xf32>
          %swap3A_307 = vector.shape_cast %add3A_302 : vector<16xf32> to vector<1x16xf32>
          tpu.vector_store %arg10[%swap3A_303, %swap3A_304], %swap3A_307 {strides = array<i32>} : memref<32x1024xf32, #tpu.memory_space<vmem>>, vector<1x16xf32>,
          %scan3A_308 = arith.constant 0 : i32
          %scan3A_309 = arith.constant 3 : i32
          %scan3A_310 = arith.addi %scan3A_238, %scan3A_309 : i32
          %mul3A_311 = arith.constant 16 : i32
          %mul3A_312 = arith.muli %scan3A_310, %mul3A_311 : i32
          %get3A_313 = arith.index_cast %add3A_45 : i32 to index
          %get3A_314 = arith.index_cast %mul3A_312 : i32 to index
          %get3A_315 = tpu.vector_load %arg10[%get3A_313, %get3A_314] {strides = array<i32>} : memref<32x1024xf32, #tpu.memory_space<vmem>>, vector<1x16xf32>,
          %get3A_316 = vector.shape_cast %get3A_315 : vector<1x16xf32> to vector<16xf32>
          %get3A_317 = arith.index_cast %squeeze3A_47 : i32 to index
          %get3A_318 = arith.index_cast %mul3A_312 : i32 to index
          %get3A_319 = tpu.vector_load %arg8[%get3A_317, %get3A_318] {strides = array<i32>} : memref<3x1024xf32, #tpu.memory_space<vmem>>, vector<1x16xf32>,
          %get3A_320 = vector.shape_cast %get3A_319 : vector<1x16xf32> to vector<16xf32>
          %get3A_321 = arith.index_cast %squeeze3A_47 : i32 to index
          %get3A_322 = arith.index_cast %mul3A_312 : i32 to index
          %get3A_323 = tpu.vector_load %arg9[%get3A_321, %get3A_322] {strides = array<i32>} : memref<3x1024xf32, #tpu.memory_space<vmem>>, vector<1x16xf32>,
          %get3A_324 = vector.shape_cast %get3A_323 : vector<1x16xf32> to vector<16xf32>
          %mul3A_325 = arith.mulf %get3A_320, %get3A_316 : vector<16xf32>
          %add3A_326 = arith.addf %mul3A_325, %get3A_324 : vector<16xf32>
          %swap3A_327 = arith.index_cast %add3A_45 : i32 to index
          %swap3A_328 = arith.index_cast %mul3A_312 : i32 to index
          %swap3A_329 = tpu.vector_load %arg10[%swap3A_327, %swap3A_328] {strides = array<i32>} : memref<32x1024xf32, #tpu.memory_space<vmem>>, vector<1x16xf32>,
          %swap3A_330 = vector.shape_cast %swap3A_329 : vector<1x16xf32> to vector<16xf32>
          %swap3A_331 = vector.shape_cast %add3A_326 : vector<16xf32> to vector<1x16xf32>
          tpu.vector_store %arg10[%swap3A_327, %swap3A_328], %swap3A_331 {strides = array<i32>} : memref<32x1024xf32, #tpu.memory_space<vmem>>, vector<1x16xf32>,
          %scan3A_332 = arith.constant 0 : i32
          scf.yield %scan3A_332 : i32
        }
        %scan3A_54 = arith.constant 64 : i32
        %mul3A_55 = arith.constant 16 : i32
        %mul3A_56 = arith.muli %scan3A_22, %mul3A_55 : i32
        %add3A_57 = arith.constant 2 : i32
        %add3A_58 = arith.addi %mul3A_56, %add3A_57 : i32
        %slice3A_59 = vector.extract_strided_slice %get3A_30 {offsets = [2], sizes = [1], strides = [1]} : vector<16xi32> to vector<1xi32>
        %squeeze3A_60 = vector.extract %slice3A_59[0] : i32 from vector<1xi32>
        %scan3A_61 = arith.constant 0 : i32
        %scan3A_62 = arith.constant 0 : i32
        %scan3A_63 = arith.constant 64 : i32
        %scan3A_64 = arith.addi %scan3A_62, %scan3A_63 : i32
        %scan3A_65 = arith.constant 4 : i32
        %scan3A_66 = scf.for %scan3A_238 = %scan3A_62 to %scan3A_64 step %scan3A_65 iter_args(%scan3A_239 = %scan3A_61) -> (i32)  : i32 {
          %mul3A_240 = arith.constant 16 : i32
          %mul3A_241 = arith.muli %scan3A_238, %mul3A_240 : i32
          %get3A_242 = arith.index_cast %add3A_58 : i32 to index
          %get3A_243 = arith.index_cast %mul3A_241 : i32 to index
          %get3A_244 = tpu.vector_load %arg10[%get3A_242, %get3A_243] {strides = array<i32>} : memref<32x1024xf32, #tpu.memory_space<vmem>>, vector<1x16xf32>,
          %get3A_245 = vector.shape_cast %get3A_244 : vector<1x16xf32> to vector<16xf32>
          %get3A_246 = arith.index_cast %squeeze3A_60 : i32 to index
          %get3A_247 = arith.index_cast %mul3A_241 : i32 to index
          %get3A_248 = tpu.vector_load %arg8[%get3A_246, %get3A_247] {strides = array<i32>} : memref<3x1024xf32, #tpu.memory_space<vmem>>, vector<1x16xf32>,
          %get3A_249 = vector.shape_cast %get3A_248 : vector<1x16xf32> to vector<16xf32>
          %get3A_250 = arith.index_cast %squeeze3A_60 : i32 to index
          %get3A_251 = arith.index_cast %mul3A_241 : i32 to index
          %get3A_252 = tpu.vector_load %arg9[%get3A_250, %get3A_251] {strides = array<i32>} : memref<3x1024xf32, #tpu.memory_space<vmem>>, vector<1x16xf32>,
          %get3A_253 = vector.shape_cast %get3A_252 : vector<1x16xf32> to vector<16xf32>
          %mul3A_254 = arith.mulf %get3A_249, %get3A_245 : vector<16xf32>
          %add3A_255 = arith.addf %mul3A_254, %get3A_253 : vector<16xf32>
          %swap3A = arith.index_cast %add3A_58 : i32 to index
          %swap3A_256 = arith.index_cast %mul3A_241 : i32 to index
          %swap3A_257 = tpu.vector_load %arg10[%swap3A, %swap3A_256] {strides = array<i32>} : memref<32x1024xf32, #tpu.memory_space<vmem>>, vector<1x16xf32>,
          %swap3A_258 = vector.shape_cast %swap3A_257 : vector<1x16xf32> to vector<16xf32>
          %swap3A_259 = vector.shape_cast %add3A_255 : vector<16xf32> to vector<1x16xf32>
          tpu.vector_store %arg10[%swap3A, %swap3A_256], %swap3A_259 {strides = array<i32>} : memref<32x1024xf32, #tpu.memory_space<vmem>>, vector<1x16xf32>,
          %scan3A_260 = arith.constant 0 : i32
          %scan3A_261 = arith.constant 1 : i32
          %scan3A_262 = arith.addi %scan3A_238, %scan3A_261 : i32
          %mul3A_263 = arith.constant 16 : i32
          %mul3A_264 = arith.muli %scan3A_262, %mul3A_263 : i32
          %get3A_265 = arith.index_cast %add3A_58 : i32 to index
          %get3A_266 = arith.index_cast %mul3A_264 : i32 to index
          %get3A_267 = tpu.vector_load %arg10[%get3A_265, %get3A_266] {strides = array<i32>} : memref<32x1024xf32, #tpu.memory_space<vmem>>, vector<1x16xf32>,
          %get3A_268 = vector.shape_cast %get3A_267 : vector<1x16xf32> to vector<16xf32>
          %get3A_269 = arith.index_cast %squeeze3A_60 : i32 to index
          %get3A_270 = arith.index_cast %mul3A_264 : i32 to index
          %get3A_271 = tpu.vector_load %arg8[%get3A_269, %get3A_270] {strides = array<i32>} : memref<3x1024xf32, #tpu.memory_space<vmem>>, vector<1x16xf32>,
          %get3A_272 = vector.shape_cast %get3A_271 : vector<1x16xf32> to vector<16xf32>
          %get3A_273 = arith.index_cast %squeeze3A_60 : i32 to index
          %get3A_274 = arith.index_cast %mul3A_264 : i32 to index
          %get3A_275 = tpu.vector_load %arg9[%get3A_273, %get3A_274] {strides = array<i32>} : memref<3x1024xf32, #tpu.memory_space<vmem>>, vector<1x16xf32>,
          %get3A_276 = vector.shape_cast %get3A_275 : vector<1x16xf32> to vector<16xf32>
          %mul3A_277 = arith.mulf %get3A_272, %get3A_268 : vector<16xf32>
          %add3A_278 = arith.addf %mul3A_277, %get3A_276 : vector<16xf32>
          %swap3A_279 = arith.index_cast %add3A_58 : i32 to index
          %swap3A_280 = arith.index_cast %mul3A_264 : i32 to index
          %swap3A_281 = tpu.vector_load %arg10[%swap3A_279, %swap3A_280] {strides = array<i32>} : memref<32x1024xf32, #tpu.memory_space<vmem>>, vector<1x16xf32>,
          %swap3A_282 = vector.shape_cast %swap3A_281 : vector<1x16xf32> to vector<16xf32>
          %swap3A_283 = vector.shape_cast %add3A_278 : vector<16xf32> to vector<1x16xf32>
          tpu.vector_store %arg10[%swap3A_279, %swap3A_280], %swap3A_283 {strides = array<i32>} : memref<32x1024xf32, #tpu.memory_space<vmem>>, vector<1x16xf32>,
          %scan3A_284 = arith.constant 0 : i32
          %scan3A_285 = arith.constant 2 : i32
          %scan3A_286 = arith.addi %scan3A_238, %scan3A_285 : i32
          %mul3A_287 = arith.constant 16 : i32
          %mul3A_288 = arith.muli %scan3A_286, %mul3A_287 : i32
          %get3A_289 = arith.index_cast %add3A_58 : i32 to index
          %get3A_290 = arith.index_cast %mul3A_288 : i32 to index
          %get3A_291 = tpu.vector_load %arg10[%get3A_289, %get3A_290] {strides = array<i32>} : memref<32x1024xf32, #tpu.memory_space<vmem>>, vector<1x16xf32>,
          %get3A_292 = vector.shape_cast %get3A_291 : vector<1x16xf32> to vector<16xf32>
          %get3A_293 = arith.index_cast %squeeze3A_60 : i32 to index
          %get3A_294 = arith.index_cast %mul3A_288 : i32 to index
          %get3A_295 = tpu.vector_load %arg8[%get3A_293, %get3A_294] {strides = array<i32>} : memref<3x1024xf32, #tpu.memory_space<vmem>>, vector<1x16xf32>,
          %get3A_296 = vector.shape_cast %get3A_295 : vector<1x16xf32> to vector<16xf32>
          %get3A_297 = arith.index_cast %squeeze3A_60 : i32 to index
          %get3A_298 = arith.index_cast %mul3A_288 : i32 to index
          %get3A_299 = tpu.vector_load %arg9[%get3A_297, %get3A_298] {strides = array<i32>} : memref<3x1024xf32, #tpu.memory_space<vmem>>, vector<1x16xf32>,
          %get3A_300 = vector.shape_cast %get3A_299 : vector<1x16xf32> to vector<16xf32>
          %mul3A_301 = arith.mulf %get3A_296, %get3A_292 : vector<16xf32>
          %add3A_302 = arith.addf %mul3A_301, %get3A_300 : vector<16xf32>
          %swap3A_303 = arith.index_cast %add3A_58 : i32 to index
          %swap3A_304 = arith.index_cast %mul3A_288 : i32 to index
          %swap3A_305 = tpu.vector_load %arg10[%swap3A_303, %swap3A_304] {strides = array<i32>} : memref<32x1024xf32, #tpu.memory_space<vmem>>, vector<1x16xf32>,
          %swap3A_306 = vector.shape_cast %swap3A_305 : vector<1x16xf32> to vector<16xf32>
          %swap3A_307 = vector.shape_cast %add3A_302 : vector<16xf32> to vector<1x16xf32>
          tpu.vector_store %arg10[%swap3A_303, %swap3A_304], %swap3A_307 {strides = array<i32>} : memref<32x1024xf32, #tpu.memory_space<vmem>>, vector<1x16xf32>,
          %scan3A_308 = arith.constant 0 : i32
          %scan3A_309 = arith.constant 3 : i32
          %scan3A_310 = arith.addi %scan3A_238, %scan3A_309 : i32
          %mul3A_311 = arith.constant 16 : i32
          %mul3A_312 = arith.muli %scan3A_310, %mul3A_311 : i32
          %get3A_313 = arith.index_cast %add3A_58 : i32 to index
          %get3A_314 = arith.index_cast %mul3A_312 : i32 to index
          %get3A_315 = tpu.vector_load %arg10[%get3A_313, %get3A_314] {strides = array<i32>} : memref<32x1024xf32, #tpu.memory_space<vmem>>, vector<1x16xf32>,
          %get3A_316 = vector.shape_cast %get3A_315 : vector<1x16xf32> to vector<16xf32>
          %get3A_317 = arith.index_cast %squeeze3A_60 : i32 to index
          %get3A_318 = arith.index_cast %mul3A_312 : i32 to index
          %get3A_319 = tpu.vector_load %arg8[%get3A_317, %get3A_318] {strides = array<i32>} : memref<3x1024xf32, #tpu.memory_space<vmem>>, vector<1x16xf32>,
          %get3A_320 = vector.shape_cast %get3A_319 : vector<1x16xf32> to vector<16xf32>
          %get3A_321 = arith.index_cast %squeeze3A_60 : i32 to index
          %get3A_322 = arith.index_cast %mul3A_312 : i32 to index
          %get3A_323 = tpu.vector_load %arg9[%get3A_321, %get3A_322] {strides = array<i32>} : memref<3x1024xf32, #tpu.memory_space<vmem>>, vector<1x16xf32>,
          %get3A_324 = vector.shape_cast %get3A_323 : vector<1x16xf32> to vector<16xf32>
          %mul3A_325 = arith.mulf %get3A_320, %get3A_316 : vector<16xf32>
          %add3A_326 = arith.addf %mul3A_325, %get3A_324 : vector<16xf32>
          %swap3A_327 = arith.index_cast %add3A_58 : i32 to index
          %swap3A_328 = arith.index_cast %mul3A_312 : i32 to index
          %swap3A_329 = tpu.vector_load %arg10[%swap3A_327, %swap3A_328] {strides = array<i32>} : memref<32x1024xf32, #tpu.memory_space<vmem>>, vector<1x16xf32>,
          %swap3A_330 = vector.shape_cast %swap3A_329 : vector<1x16xf32> to vector<16xf32>
          %swap3A_331 = vector.shape_cast %add3A_326 : vector<16xf32> to vector<1x16xf32>
          tpu.vector_store %arg10[%swap3A_327, %swap3A_328], %swap3A_331 {strides = array<i32>} : memref<32x1024xf32, #tpu.memory_space<vmem>>, vector<1x16xf32>,
          %scan3A_332 = arith.constant 0 : i32
          scf.yield %scan3A_332 : i32
        }
        %scan3A_67 = arith.constant 64 : i32
        %mul3A_68 = arith.constant 16 : i32
        %mul3A_69 = arith.muli %scan3A_22, %mul3A_68 : i32
        %add3A_70 = arith.constant 3 : i32
        %add3A_71 = arith.addi %mul3A_69, %add3A_70 : i32
        %slice3A_72 = vector.extract_strided_slice %get3A_30 {offsets = [3], sizes = [1], strides = [1]} : vector<16xi32> to vector<1xi32>
        %squeeze3A_73 = vector.extract %slice3A_72[0] : i32 from vector<1xi32>
        %scan3A_74 = arith.constant 0 : i32
        %scan3A_75 = arith.constant 0 : i32
        %scan3A_76 = arith.constant 64 : i32
        %scan3A_77 = arith.addi %scan3A_75, %scan3A_76 : i32
        %scan3A_78 = arith.constant 4 : i32
        %scan3A_79 = scf.for %scan3A_238 = %scan3A_75 to %scan3A_77 step %scan3A_78 iter_args(%scan3A_239 = %scan3A_74) -> (i32)  : i32 {
          %mul3A_240 = arith.constant 16 : i32
          %mul3A_241 = arith.muli %scan3A_238, %mul3A_240 : i32
          %get3A_242 = arith.index_cast %add3A_71 : i32 to index
          %get3A_243 = arith.index_cast %mul3A_241 : i32 to index
          %get3A_244 = tpu.vector_load %arg10[%get3A_242, %get3A_243] {strides = array<i32>} : memref<32x1024xf32, #tpu.memory_space<vmem>>, vector<1x16xf32>,
          %get3A_245 = vector.shape_cast %get3A_244 : vector<1x16xf32> to vector<16xf32>
          %get3A_246 = arith.index_cast %squeeze3A_73 : i32 to index
          %get3A_247 = arith.index_cast %mul3A_241 : i32 to index
          %get3A_248 = tpu.vector_load %arg8[%get3A_246, %get3A_247] {strides = array<i32>} : memref<3x1024xf32, #tpu.memory_space<vmem>>, vector<1x16xf32>,
          %get3A_249 = vector.shape_cast %get3A_248 : vector<1x16xf32> to vector<16xf32>
          %get3A_250 = arith.index_cast %squeeze3A_73 : i32 to index
          %get3A_251 = arith.index_cast %mul3A_241 : i32 to index
          %get3A_252 = tpu.vector_load %arg9[%get3A_250, %get3A_251] {strides = array<i32>} : memref<3x1024xf32, #tpu.memory_space<vmem>>, vector<1x16xf32>,
          %get3A_253 = vector.shape_cast %get3A_252 : vector<1x16xf32> to vector<16xf32>
          %mul3A_254 = arith.mulf %get3A_249, %get3A_245 : vector<16xf32>
          %add3A_255 = arith.addf %mul3A_254, %get3A_253 : vector<16xf32>
          %swap3A = arith.index_cast %add3A_71 : i32 to index
          %swap3A_256 = arith.index_cast %mul3A_241 : i32 to index
          %swap3A_257 = tpu.vector_load %arg10[%swap3A, %swap3A_256] {strides = array<i32>} : memref<32x1024xf32, #tpu.memory_space<vmem>>, vector<1x16xf32>,
          %swap3A_258 = vector.shape_cast %swap3A_257 : vector<1x16xf32> to vector<16xf32>
          %swap3A_259 = vector.shape_cast %add3A_255 : vector<16xf32> to vector<1x16xf32>
          tpu.vector_store %arg10[%swap3A, %swap3A_256], %swap3A_259 {strides = array<i32>} : memref<32x1024xf32, #tpu.memory_space<vmem>>, vector<1x16xf32>,
          %scan3A_260 = arith.constant 0 : i32
          %scan3A_261 = arith.constant 1 : i32
          %scan3A_262 = arith.addi %scan3A_238, %scan3A_261 : i32
          %mul3A_263 = arith.constant 16 : i32
          %mul3A_264 = arith.muli %scan3A_262, %mul3A_263 : i32
          %get3A_265 = arith.index_cast %add3A_71 : i32 to index
          %get3A_266 = arith.index_cast %mul3A_264 : i32 to index
          %get3A_267 = tpu.vector_load %arg10[%get3A_265, %get3A_266] {strides = array<i32>} : memref<32x1024xf32, #tpu.memory_space<vmem>>, vector<1x16xf32>,
          %get3A_268 = vector.shape_cast %get3A_267 : vector<1x16xf32> to vector<16xf32>
          %get3A_269 = arith.index_cast %squeeze3A_73 : i32 to index
          %get3A_270 = arith.index_cast %mul3A_264 : i32 to index
          %get3A_271 = tpu.vector_load %arg8[%get3A_269, %get3A_270] {strides = array<i32>} : memref<3x1024xf32, #tpu.memory_space<vmem>>, vector<1x16xf32>,
          %get3A_272 = vector.shape_cast %get3A_271 : vector<1x16xf32> to vector<16xf32>
          %get3A_273 = arith.index_cast %squeeze3A_73 : i32 to index
          %get3A_274 = arith.index_cast %mul3A_264 : i32 to index
          %get3A_275 = tpu.vector_load %arg9[%get3A_273, %get3A_274] {strides = array<i32>} : memref<3x1024xf32, #tpu.memory_space<vmem>>, vector<1x16xf32>,
          %get3A_276 = vector.shape_cast %get3A_275 : vector<1x16xf32> to vector<16xf32>
          %mul3A_277 = arith.mulf %get3A_272, %get3A_268 : vector<16xf32>
          %add3A_278 = arith.addf %mul3A_277, %get3A_276 : vector<16xf32>
          %swap3A_279 = arith.index_cast %add3A_71 : i32 to index
          %swap3A_280 = arith.index_cast %mul3A_264 : i32 to index
          %swap3A_281 = tpu.vector_load %arg10[%swap3A_279, %swap3A_280] {strides = array<i32>} : memref<32x1024xf32, #tpu.memory_space<vmem>>, vector<1x16xf32>,
          %swap3A_282 = vector.shape_cast %swap3A_281 : vector<1x16xf32> to vector<16xf32>
          %swap3A_283 = vector.shape_cast %add3A_278 : vector<16xf32> to vector<1x16xf32>
          tpu.vector_store %arg10[%swap3A_279, %swap3A_280], %swap3A_283 {strides = array<i32>} : memref<32x1024xf32, #tpu.memory_space<vmem>>, vector<1x16xf32>,
          %scan3A_284 = arith.constant 0 : i32
          %scan3A_285 = arith.constant 2 : i32
          %scan3A_286 = arith.addi %scan3A_238, %scan3A_285 : i32
          %mul3A_287 = arith.constant 16 : i32
          %mul3A_288 = arith.muli %scan3A_286, %mul3A_287 : i32
          %get3A_289 = arith.index_cast %add3A_71 : i32 to index
          %get3A_290 = arith.index_cast %mul3A_288 : i32 to index
          %get3A_291 = tpu.vector_load %arg10[%get3A_289, %get3A_290] {strides = array<i32>} : memref<32x1024xf32, #tpu.memory_space<vmem>>, vector<1x16xf32>,
          %get3A_292 = vector.shape_cast %get3A_291 : vector<1x16xf32> to vector<16xf32>
          %get3A_293 = arith.index_cast %squeeze3A_73 : i32 to index
          %get3A_294 = arith.index_cast %mul3A_288 : i32 to index
          %get3A_295 = tpu.vector_load %arg8[%get3A_293, %get3A_294] {strides = array<i32>} : memref<3x1024xf32, #tpu.memory_space<vmem>>, vector<1x16xf32>,
          %get3A_296 = vector.shape_cast %get3A_295 : vector<1x16xf32> to vector<16xf32>
          %get3A_297 = arith.index_cast %squeeze3A_73 : i32 to index
          %get3A_298 = arith.index_cast %mul3A_288 : i32 to index
          %get3A_299 = tpu.vector_load %arg9[%get3A_297, %get3A_298] {strides = array<i32>} : memref<3x1024xf32, #tpu.memory_space<vmem>>, vector<1x16xf32>,
          %get3A_300 = vector.shape_cast %get3A_299 : vector<1x16xf32> to vector<16xf32>
          %mul3A_301 = arith.mulf %get3A_296, %get3A_292 : vector<16xf32>
          %add3A_302 = arith.addf %mul3A_301, %get3A_300 : vector<16xf32>
          %swap3A_303 = arith.index_cast %add3A_71 : i32 to index
          %swap3A_304 = arith.index_cast %mul3A_288 : i32 to index
          %swap3A_305 = tpu.vector_load %arg10[%swap3A_303, %swap3A_304] {strides = array<i32>} : memref<32x1024xf32, #tpu.memory_space<vmem>>, vector<1x16xf32>,
          %swap3A_306 = vector.shape_cast %swap3A_305 : vector<1x16xf32> to vector<16xf32>
          %swap3A_307 = vector.shape_cast %add3A_302 : vector<16xf32> to vector<1x16xf32>
          tpu.vector_store %arg10[%swap3A_303, %swap3A_304], %swap3A_307 {strides = array<i32>} : memref<32x1024xf32, #tpu.memory_space<vmem>>, vector<1x16xf32>,
          %scan3A_308 = arith.constant 0 : i32
          %scan3A_309 = arith.constant 3 : i32
          %scan3A_310 = arith.addi %scan3A_238, %scan3A_309 : i32
          %mul3A_311 = arith.constant 16 : i32
          %mul3A_312 = arith.muli %scan3A_310, %mul3A_311 : i32
          %get3A_313 = arith.index_cast %add3A_71 : i32 to index
          %get3A_314 = arith.index_cast %mul3A_312 : i32 to index
          %get3A_315 = tpu.vector_load %arg10[%get3A_313, %get3A_314] {strides = array<i32>} : memref<32x1024xf32, #tpu.memory_space<vmem>>, vector<1x16xf32>,
          %get3A_316 = vector.shape_cast %get3A_315 : vector<1x16xf32> to vector<16xf32>
          %get3A_317 = arith.index_cast %squeeze3A_73 : i32 to index
          %get3A_318 = arith.index_cast %mul3A_312 : i32 to index
          %get3A_319 = tpu.vector_load %arg8[%get3A_317, %get3A_318] {strides = array<i32>} : memref<3x1024xf32, #tpu.memory_space<vmem>>, vector<1x16xf32>,
          %get3A_320 = vector.shape_cast %get3A_319 : vector<1x16xf32> to vector<16xf32>
          %get3A_321 = arith.index_cast %squeeze3A_73 : i32 to index
          %get3A_322 = arith.index_cast %mul3A_312 : i32 to index
          %get3A_323 = tpu.vector_load %arg9[%get3A_321, %get3A_322] {strides = array<i32>} : memref<3x1024xf32, #tpu.memory_space<vmem>>, vector<1x16xf32>,
          %get3A_324 = vector.shape_cast %get3A_323 : vector<1x16xf32> to vector<16xf32>
          %mul3A_325 = arith.mulf %get3A_320, %get3A_316 : vector<16xf32>
          %add3A_326 = arith.addf %mul3A_325, %get3A_324 : vector<16xf32>
          %swap3A_327 = arith.index_cast %add3A_71 : i32 to index
          %swap3A_328 = arith.index_cast %mul3A_312 : i32 to index
          %swap3A_329 = tpu.vector_load %arg10[%swap3A_327, %swap3A_328] {strides = array<i32>} : memref<32x1024xf32, #tpu.memory_space<vmem>>, vector<1x16xf32>,
          %swap3A_330 = vector.shape_cast %swap3A_329 : vector<1x16xf32> to vector<16xf32>
          %swap3A_331 = vector.shape_cast %add3A_326 : vector<16xf32> to vector<1x16xf32>
          tpu.vector_store %arg10[%swap3A_327, %swap3A_328], %swap3A_331 {strides = array<i32>} : memref<32x1024xf32, #tpu.memory_space<vmem>>, vector<1x16xf32>,
          %scan3A_332 = arith.constant 0 : i32
          scf.yield %scan3A_332 : i32
        }
        %scan3A_80 = arith.constant 64 : i32
        %mul3A_81 = arith.constant 16 : i32
        %mul3A_82 = arith.muli %scan3A_22, %mul3A_81 : i32
        %add3A_83 = arith.constant 4 : i32
        %add3A_84 = arith.addi %mul3A_82, %add3A_83 : i32
        %slice3A_85 = vector.extract_strided_slice %get3A_30 {offsets = [4], sizes = [1], strides = [1]} : vector<16xi32> to vector<1xi32>
        %squeeze3A_86 = vector.extract %slice3A_85[0] : i32 from vector<1xi32>
        %scan3A_87 = arith.constant 0 : i32
        %scan3A_88 = arith.constant 0 : i32
        %scan3A_89 = arith.constant 64 : i32
        %scan3A_90 = arith.addi %scan3A_88, %scan3A_89 : i32
        %scan3A_91 = arith.constant 4 : i32
        %scan3A_92 = scf.for %scan3A_238 = %scan3A_88 to %scan3A_90 step %scan3A_91 iter_args(%scan3A_239 = %scan3A_87) -> (i32)  : i32 {
          %mul3A_240 = arith.constant 16 : i32
          %mul3A_241 = arith.muli %scan3A_238, %mul3A_240 : i32
          %get3A_242 = arith.index_cast %add3A_84 : i32 to index
          %get3A_243 = arith.index_cast %mul3A_241 : i32 to index
          %get3A_244 = tpu.vector_load %arg10[%get3A_242, %get3A_243] {strides = array<i32>} : memref<32x1024xf32, #tpu.memory_space<vmem>>, vector<1x16xf32>,
          %get3A_245 = vector.shape_cast %get3A_244 : vector<1x16xf32> to vector<16xf32>
          %get3A_246 = arith.index_cast %squeeze3A_86 : i32 to index
          %get3A_247 = arith.index_cast %mul3A_241 : i32 to index
          %get3A_248 = tpu.vector_load %arg8[%get3A_246, %get3A_247] {strides = array<i32>} : memref<3x1024xf32, #tpu.memory_space<vmem>>, vector<1x16xf32>,
          %get3A_249 = vector.shape_cast %get3A_248 : vector<1x16xf32> to vector<16xf32>
          %get3A_250 = arith.index_cast %squeeze3A_86 : i32 to index
          %get3A_251 = arith.index_cast %mul3A_241 : i32 to index
          %get3A_252 = tpu.vector_load %arg9[%get3A_250, %get3A_251] {strides = array<i32>} : memref<3x1024xf32, #tpu.memory_space<vmem>>, vector<1x16xf32>,
          %get3A_253 = vector.shape_cast %get3A_252 : vector<1x16xf32> to vector<16xf32>
          %mul3A_254 = arith.mulf %get3A_249, %get3A_245 : vector<16xf32>
          %add3A_255 = arith.addf %mul3A_254, %get3A_253 : vector<16xf32>
          %swap3A = arith.index_cast %add3A_84 : i32 to index
          %swap3A_256 = arith.index_cast %mul3A_241 : i32 to index
          %swap3A_257 = tpu.vector_load %arg10[%swap3A, %swap3A_256] {strides = array<i32>} : memref<32x1024xf32, #tpu.memory_space<vmem>>, vector<1x16xf32>,
          %swap3A_258 = vector.shape_cast %swap3A_257 : vector<1x16xf32> to vector<16xf32>
          %swap3A_259 = vector.shape_cast %add3A_255 : vector<16xf32> to vector<1x16xf32>
          tpu.vector_store %arg10[%swap3A, %swap3A_256], %swap3A_259 {strides = array<i32>} : memref<32x1024xf32, #tpu.memory_space<vmem>>, vector<1x16xf32>,
          %scan3A_260 = arith.constant 0 : i32
          %scan3A_261 = arith.constant 1 : i32
          %scan3A_262 = arith.addi %scan3A_238, %scan3A_261 : i32
          %mul3A_263 = arith.constant 16 : i32
          %mul3A_264 = arith.muli %scan3A_262, %mul3A_263 : i32
          %get3A_265 = arith.index_cast %add3A_84 : i32 to index
          %get3A_266 = arith.index_cast %mul3A_264 : i32 to index
          %get3A_267 = tpu.vector_load %arg10[%get3A_265, %get3A_266] {strides = array<i32>} : memref<32x1024xf32, #tpu.memory_space<vmem>>, vector<1x16xf32>,
          %get3A_268 = vector.shape_cast %get3A_267 : vector<1x16xf32> to vector<16xf32>
          %get3A_269 = arith.index_cast %squeeze3A_86 : i32 to index
          %get3A_270 = arith.index_cast %mul3A_264 : i32 to index
          %get3A_271 = tpu.vector_load %arg8[%get3A_269, %get3A_270] {strides = array<i32>} : memref<3x1024xf32, #tpu.memory_space<vmem>>, vector<1x16xf32>,
          %get3A_272 = vector.shape_cast %get3A_271 : vector<1x16xf32> to vector<16xf32>
          %get3A_273 = arith.index_cast %squeeze3A_86 : i32 to index
          %get3A_274 = arith.index_cast %mul3A_264 : i32 to index
          %get3A_275 = tpu.vector_load %arg9[%get3A_273, %get3A_274] {strides = array<i32>} : memref<3x1024xf32, #tpu.memory_space<vmem>>, vector<1x16xf32>,
          %get3A_276 = vector.shape_cast %get3A_275 : vector<1x16xf32> to vector<16xf32>
          %mul3A_277 = arith.mulf %get3A_272, %get3A_268 : vector<16xf32>
          %add3A_278 = arith.addf %mul3A_277, %get3A_276 : vector<16xf32>
          %swap3A_279 = arith.index_cast %add3A_84 : i32 to index
          %swap3A_280 = arith.index_cast %mul3A_264 : i32 to index
          %swap3A_281 = tpu.vector_load %arg10[%swap3A_279, %swap3A_280] {strides = array<i32>} : memref<32x1024xf32, #tpu.memory_space<vmem>>, vector<1x16xf32>,
          %swap3A_282 = vector.shape_cast %swap3A_281 : vector<1x16xf32> to vector<16xf32>
          %swap3A_283 = vector.shape_cast %add3A_278 : vector<16xf32> to vector<1x16xf32>
          tpu.vector_store %arg10[%swap3A_279, %swap3A_280], %swap3A_283 {strides = array<i32>} : memref<32x1024xf32, #tpu.memory_space<vmem>>, vector<1x16xf32>,
          %scan3A_284 = arith.constant 0 : i32
          %scan3A_285 = arith.constant 2 : i32
          %scan3A_286 = arith.addi %scan3A_238, %scan3A_285 : i32
          %mul3A_287 = arith.constant 16 : i32
          %mul3A_288 = arith.muli %scan3A_286, %mul3A_287 : i32
          %get3A_289 = arith.index_cast %add3A_84 : i32 to index
          %get3A_290 = arith.index_cast %mul3A_288 : i32 to index
          %get3A_291 = tpu.vector_load %arg10[%get3A_289, %get3A_290] {strides = array<i32>} : memref<32x1024xf32, #tpu.memory_space<vmem>>, vector<1x16xf32>,
          %get3A_292 = vector.shape_cast %get3A_291 : vector<1x16xf32> to vector<16xf32>
          %get3A_293 = arith.index_cast %squeeze3A_86 : i32 to index
          %get3A_294 = arith.index_cast %mul3A_288 : i32 to index
          %get3A_295 = tpu.vector_load %arg8[%get3A_293, %get3A_294] {strides = array<i32>} : memref<3x1024xf32, #tpu.memory_space<vmem>>, vector<1x16xf32>,
          %get3A_296 = vector.shape_cast %get3A_295 : vector<1x16xf32> to vector<16xf32>
          %get3A_297 = arith.index_cast %squeeze3A_86 : i32 to index
          %get3A_298 = arith.index_cast %mul3A_288 : i32 to index
          %get3A_299 = tpu.vector_load %arg9[%get3A_297, %get3A_298] {strides = array<i32>} : memref<3x1024xf32, #tpu.memory_space<vmem>>, vector<1x16xf32>,
          %get3A_300 = vector.shape_cast %get3A_299 : vector<1x16xf32> to vector<16xf32>
          %mul3A_301 = arith.mulf %get3A_296, %get3A_292 : vector<16xf32>
          %add3A_302 = arith.addf %mul3A_301, %get3A_300 : vector<16xf32>
          %swap3A_303 = arith.index_cast %add3A_84 : i32 to index
          %swap3A_304 = arith.index_cast %mul3A_288 : i32 to index
          %swap3A_305 = tpu.vector_load %arg10[%swap3A_303, %swap3A_304] {strides = array<i32>} : memref<32x1024xf32, #tpu.memory_space<vmem>>, vector<1x16xf32>,
          %swap3A_306 = vector.shape_cast %swap3A_305 : vector<1x16xf32> to vector<16xf32>
          %swap3A_307 = vector.shape_cast %add3A_302 : vector<16xf32> to vector<1x16xf32>
          tpu.vector_store %arg10[%swap3A_303, %swap3A_304], %swap3A_307 {strides = array<i32>} : memref<32x1024xf32, #tpu.memory_space<vmem>>, vector<1x16xf32>,
          %scan3A_308 = arith.constant 0 : i32
          %scan3A_309 = arith.constant 3 : i32
          %scan3A_310 = arith.addi %scan3A_238, %scan3A_309 : i32
          %mul3A_311 = arith.constant 16 : i32
          %mul3A_312 = arith.muli %scan3A_310, %mul3A_311 : i32
          %get3A_313 = arith.index_cast %add3A_84 : i32 to index
          %get3A_314 = arith.index_cast %mul3A_312 : i32 to index
          %get3A_315 = tpu.vector_load %arg10[%get3A_313, %get3A_314] {strides = array<i32>} : memref<32x1024xf32, #tpu.memory_space<vmem>>, vector<1x16xf32>,
          %get3A_316 = vector.shape_cast %get3A_315 : vector<1x16xf32> to vector<16xf32>
          %get3A_317 = arith.index_cast %squeeze3A_86 : i32 to index
          %get3A_318 = arith.index_cast %mul3A_312 : i32 to index
          %get3A_319 = tpu.vector_load %arg8[%get3A_317, %get3A_318] {strides = array<i32>} : memref<3x1024xf32, #tpu.memory_space<vmem>>, vector<1x16xf32>,
          %get3A_320 = vector.shape_cast %get3A_319 : vector<1x16xf32> to vector<16xf32>
          %get3A_321 = arith.index_cast %squeeze3A_86 : i32 to index
          %get3A_322 = arith.index_cast %mul3A_312 : i32 to index
          %get3A_323 = tpu.vector_load %arg9[%get3A_321, %get3A_322] {strides = array<i32>} : memref<3x1024xf32, #tpu.memory_space<vmem>>, vector<1x16xf32>,
          %get3A_324 = vector.shape_cast %get3A_323 : vector<1x16xf32> to vector<16xf32>
          %mul3A_325 = arith.mulf %get3A_320, %get3A_316 : vector<16xf32>
          %add3A_326 = arith.addf %mul3A_325, %get3A_324 : vector<16xf32>
          %swap3A_327 = arith.index_cast %add3A_84 : i32 to index
          %swap3A_328 = arith.index_cast %mul3A_312 : i32 to index
          %swap3A_329 = tpu.vector_load %arg10[%swap3A_327, %swap3A_328] {strides = array<i32>} : memref<32x1024xf32, #tpu.memory_space<vmem>>, vector<1x16xf32>,
          %swap3A_330 = vector.shape_cast %swap3A_329 : vector<1x16xf32> to vector<16xf32>
          %swap3A_331 = vector.shape_cast %add3A_326 : vector<16xf32> to vector<1x16xf32>
          tpu.vector_store %arg10[%swap3A_327, %swap3A_328], %swap3A_331 {strides = array<i32>} : memref<32x1024xf32, #tpu.memory_space<vmem>>, vector<1x16xf32>,
          %scan3A_332 = arith.constant 0 : i32
          scf.yield %scan3A_332 : i32
        }
        %scan3A_93 = arith.constant 64 : i32
        %mul3A_94 = arith.constant 16 : i32
        %mul3A_95 = arith.muli %scan3A_22, %mul3A_94 : i32
        %add3A_96 = arith.constant 5 : i32
        %add3A_97 = arith.addi %mul3A_95, %add3A_96 : i32
        %slice3A_98 = vector.extract_strided_slice %get3A_30 {offsets = [5], sizes = [1], strides = [1]} : vector<16xi32> to vector<1xi32>
        %squeeze3A_99 = vector.extract %slice3A_98[0] : i32 from vector<1xi32>
        %scan3A_100 = arith.constant 0 : i32
        %scan3A_101 = arith.constant 0 : i32
        %scan3A_102 = arith.constant 64 : i32
        %scan3A_103 = arith.addi %scan3A_101, %scan3A_102 : i32
        %scan3A_104 = arith.constant 4 : i32
        %scan3A_105 = scf.for %scan3A_238 = %scan3A_101 to %scan3A_103 step %scan3A_104 iter_args(%scan3A_239 = %scan3A_100) -> (i32)  : i32 {
          %mul3A_240 = arith.constant 16 : i32
          %mul3A_241 = arith.muli %scan3A_238, %mul3A_240 : i32
          %get3A_242 = arith.index_cast %add3A_97 : i32 to index
          %get3A_243 = arith.index_cast %mul3A_241 : i32 to index
          %get3A_244 = tpu.vector_load %arg10[%get3A_242, %get3A_243] {strides = array<i32>} : memref<32x1024xf32, #tpu.memory_space<vmem>>, vector<1x16xf32>,
          %get3A_245 = vector.shape_cast %get3A_244 : vector<1x16xf32> to vector<16xf32>
          %get3A_246 = arith.index_cast %squeeze3A_99 : i32 to index
          %get3A_247 = arith.index_cast %mul3A_241 : i32 to index
          %get3A_248 = tpu.vector_load %arg8[%get3A_246, %get3A_247] {strides = array<i32>} : memref<3x1024xf32, #tpu.memory_space<vmem>>, vector<1x16xf32>,
          %get3A_249 = vector.shape_cast %get3A_248 : vector<1x16xf32> to vector<16xf32>
          %get3A_250 = arith.index_cast %squeeze3A_99 : i32 to index
          %get3A_251 = arith.index_cast %mul3A_241 : i32 to index
          %get3A_252 = tpu.vector_load %arg9[%get3A_250, %get3A_251] {strides = array<i32>} : memref<3x1024xf32, #tpu.memory_space<vmem>>, vector<1x16xf32>,
          %get3A_253 = vector.shape_cast %get3A_252 : vector<1x16xf32> to vector<16xf32>
          %mul3A_254 = arith.mulf %get3A_249, %get3A_245 : vector<16xf32>
          %add3A_255 = arith.addf %mul3A_254, %get3A_253 : vector<16xf32>
          %swap3A = arith.index_cast %add3A_97 : i32 to index
          %swap3A_256 = arith.index_cast %mul3A_241 : i32 to index
          %swap3A_257 = tpu.vector_load %arg10[%swap3A, %swap3A_256] {strides = array<i32>} : memref<32x1024xf32, #tpu.memory_space<vmem>>, vector<1x16xf32>,
          %swap3A_258 = vector.shape_cast %swap3A_257 : vector<1x16xf32> to vector<16xf32>
          %swap3A_259 = vector.shape_cast %add3A_255 : vector<16xf32> to vector<1x16xf32>
          tpu.vector_store %arg10[%swap3A, %swap3A_256], %swap3A_259 {strides = array<i32>} : memref<32x1024xf32, #tpu.memory_space<vmem>>, vector<1x16xf32>,
          %scan3A_260 = arith.constant 0 : i32
          %scan3A_261 = arith.constant 1 : i32
          %scan3A_262 = arith.addi %scan3A_238, %scan3A_261 : i32
          %mul3A_263 = arith.constant 16 : i32
          %mul3A_264 = arith.muli %scan3A_262, %mul3A_263 : i32
          %get3A_265 = arith.index_cast %add3A_97 : i32 to index
          %get3A_266 = arith.index_cast %mul3A_264 : i32 to index
          %get3A_267 = tpu.vector_load %arg10[%get3A_265, %get3A_266] {strides = array<i32>} : memref<32x1024xf32, #tpu.memory_space<vmem>>, vector<1x16xf32>,
          %get3A_268 = vector.shape_cast %get3A_267 : vector<1x16xf32> to vector<16xf32>
          %get3A_269 = arith.index_cast %squeeze3A_99 : i32 to index
          %get3A_270 = arith.index_cast %mul3A_264 : i32 to index
          %get3A_271 = tpu.vector_load %arg8[%get3A_269, %get3A_270] {strides = array<i32>} : memref<3x1024xf32, #tpu.memory_space<vmem>>, vector<1x16xf32>,
          %get3A_272 = vector.shape_cast %get3A_271 : vector<1x16xf32> to vector<16xf32>
          %get3A_273 = arith.index_cast %squeeze3A_99 : i32 to index
          %get3A_274 = arith.index_cast %mul3A_264 : i32 to index
          %get3A_275 = tpu.vector_load %arg9[%get3A_273, %get3A_274] {strides = array<i32>} : memref<3x1024xf32, #tpu.memory_space<vmem>>, vector<1x16xf32>,
          %get3A_276 = vector.shape_cast %get3A_275 : vector<1x16xf32> to vector<16xf32>
          %mul3A_277 = arith.mulf %get3A_272, %get3A_268 : vector<16xf32>
          %add3A_278 = arith.addf %mul3A_277, %get3A_276 : vector<16xf32>
          %swap3A_279 = arith.index_cast %add3A_97 : i32 to index
          %swap3A_280 = arith.index_cast %mul3A_264 : i32 to index
          %swap3A_281 = tpu.vector_load %arg10[%swap3A_279, %swap3A_280] {strides = array<i32>} : memref<32x1024xf32, #tpu.memory_space<vmem>>, vector<1x16xf32>,
          %swap3A_282 = vector.shape_cast %swap3A_281 : vector<1x16xf32> to vector<16xf32>
          %swap3A_283 = vector.shape_cast %add3A_278 : vector<16xf32> to vector<1x16xf32>
          tpu.vector_store %arg10[%swap3A_279, %swap3A_280], %swap3A_283 {strides = array<i32>} : memref<32x1024xf32, #tpu.memory_space<vmem>>, vector<1x16xf32>,
          %scan3A_284 = arith.constant 0 : i32
          %scan3A_285 = arith.constant 2 : i32
          %scan3A_286 = arith.addi %scan3A_238, %scan3A_285 : i32
          %mul3A_287 = arith.constant 16 : i32
          %mul3A_288 = arith.muli %scan3A_286, %mul3A_287 : i32
          %get3A_289 = arith.index_cast %add3A_97 : i32 to index
          %get3A_290 = arith.index_cast %mul3A_288 : i32 to index
          %get3A_291 = tpu.vector_load %arg10[%get3A_289, %get3A_290] {strides = array<i32>} : memref<32x1024xf32, #tpu.memory_space<vmem>>, vector<1x16xf32>,
          %get3A_292 = vector.shape_cast %get3A_291 : vector<1x16xf32> to vector<16xf32>
          %get3A_293 = arith.index_cast %squeeze3A_99 : i32 to index
          %get3A_294 = arith.index_cast %mul3A_288 : i32 to index
          %get3A_295 = tpu.vector_load %arg8[%get3A_293, %get3A_294] {strides = array<i32>} : memref<3x1024xf32, #tpu.memory_space<vmem>>, vector<1x16xf32>,
          %get3A_296 = vector.shape_cast %get3A_295 : vector<1x16xf32> to vector<16xf32>
          %get3A_297 = arith.index_cast %squeeze3A_99 : i32 to index
          %get3A_298 = arith.index_cast %mul3A_288 : i32 to index
          %get3A_299 = tpu.vector_load %arg9[%get3A_297, %get3A_298] {strides = array<i32>} : memref<3x1024xf32, #tpu.memory_space<vmem>>, vector<1x16xf32>,
          %get3A_300 = vector.shape_cast %get3A_299 : vector<1x16xf32> to vector<16xf32>
          %mul3A_301 = arith.mulf %get3A_296, %get3A_292 : vector<16xf32>
          %add3A_302 = arith.addf %mul3A_301, %get3A_300 : vector<16xf32>
          %swap3A_303 = arith.index_cast %add3A_97 : i32 to index
          %swap3A_304 = arith.index_cast %mul3A_288 : i32 to index
          %swap3A_305 = tpu.vector_load %arg10[%swap3A_303, %swap3A_304] {strides = array<i32>} : memref<32x1024xf32, #tpu.memory_space<vmem>>, vector<1x16xf32>,
          %swap3A_306 = vector.shape_cast %swap3A_305 : vector<1x16xf32> to vector<16xf32>
          %swap3A_307 = vector.shape_cast %add3A_302 : vector<16xf32> to vector<1x16xf32>
          tpu.vector_store %arg10[%swap3A_303, %swap3A_304], %swap3A_307 {strides = array<i32>} : memref<32x1024xf32, #tpu.memory_space<vmem>>, vector<1x16xf32>,
          %scan3A_308 = arith.constant 0 : i32
          %scan3A_309 = arith.constant 3 : i32
          %scan3A_310 = arith.addi %scan3A_238, %scan3A_309 : i32
          %mul3A_311 = arith.constant 16 : i32
          %mul3A_312 = arith.muli %scan3A_310, %mul3A_311 : i32
          %get3A_313 = arith.index_cast %add3A_97 : i32 to index
          %get3A_314 = arith.index_cast %mul3A_312 : i32 to index
          %get3A_315 = tpu.vector_load %arg10[%get3A_313, %get3A_314] {strides = array<i32>} : memref<32x1024xf32, #tpu.memory_space<vmem>>, vector<1x16xf32>,
          %get3A_316 = vector.shape_cast %get3A_315 : vector<1x16xf32> to vector<16xf32>
          %get3A_317 = arith.index_cast %squeeze3A_99 : i32 to index
          %get3A_318 = arith.index_cast %mul3A_312 : i32 to index
          %get3A_319 = tpu.vector_load %arg8[%get3A_317, %get3A_318] {strides = array<i32>} : memref<3x1024xf32, #tpu.memory_space<vmem>>, vector<1x16xf32>,
          %get3A_320 = vector.shape_cast %get3A_319 : vector<1x16xf32> to vector<16xf32>
          %get3A_321 = arith.index_cast %squeeze3A_99 : i32 to index
          %get3A_322 = arith.index_cast %mul3A_312 : i32 to index
          %get3A_323 = tpu.vector_load %arg9[%get3A_321, %get3A_322] {strides = array<i32>} : memref<3x1024xf32, #tpu.memory_space<vmem>>, vector<1x16xf32>,
          %get3A_324 = vector.shape_cast %get3A_323 : vector<1x16xf32> to vector<16xf32>
          %mul3A_325 = arith.mulf %get3A_320, %get3A_316 : vector<16xf32>
          %add3A_326 = arith.addf %mul3A_325, %get3A_324 : vector<16xf32>
          %swap3A_327 = arith.index_cast %add3A_97 : i32 to index
          %swap3A_328 = arith.index_cast %mul3A_312 : i32 to index
          %swap3A_329 = tpu.vector_load %arg10[%swap3A_327, %swap3A_328] {strides = array<i32>} : memref<32x1024xf32, #tpu.memory_space<vmem>>, vector<1x16xf32>,
          %swap3A_330 = vector.shape_cast %swap3A_329 : vector<1x16xf32> to vector<16xf32>
          %swap3A_331 = vector.shape_cast %add3A_326 : vector<16xf32> to vector<1x16xf32>
          tpu.vector_store %arg10[%swap3A_327, %swap3A_328], %swap3A_331 {strides = array<i32>} : memref<32x1024xf32, #tpu.memory_space<vmem>>, vector<1x16xf32>,
          %scan3A_332 = arith.constant 0 : i32
          scf.yield %scan3A_332 : i32
        }
        %scan3A_106 = arith.constant 64 : i32
        %mul3A_107 = arith.constant 16 : i32
        %mul3A_108 = arith.muli %scan3A_22, %mul3A_107 : i32
        %add3A_109 = arith.constant 6 : i32
        %add3A_110 = arith.addi %mul3A_108, %add3A_109 : i32
        %slice3A_111 = vector.extract_strided_slice %get3A_30 {offsets = [6], sizes = [1], strides = [1]} : vector<16xi32> to vector<1xi32>
        %squeeze3A_112 = vector.extract %slice3A_111[0] : i32 from vector<1xi32>
        %scan3A_113 = arith.constant 0 : i32
        %scan3A_114 = arith.constant 0 : i32
        %scan3A_115 = arith.constant 64 : i32
        %scan3A_116 = arith.addi %scan3A_114, %scan3A_115 : i32
        %scan3A_117 = arith.constant 4 : i32
        %scan3A_118 = scf.for %scan3A_238 = %scan3A_114 to %scan3A_116 step %scan3A_117 iter_args(%scan3A_239 = %scan3A_113) -> (i32)  : i32 {
          %mul3A_240 = arith.constant 16 : i32
          %mul3A_241 = arith.muli %scan3A_238, %mul3A_240 : i32
          %get3A_242 = arith.index_cast %add3A_110 : i32 to index
          %get3A_243 = arith.index_cast %mul3A_241 : i32 to index
          %get3A_244 = tpu.vector_load %arg10[%get3A_242, %get3A_243] {strides = array<i32>} : memref<32x1024xf32, #tpu.memory_space<vmem>>, vector<1x16xf32>,
          %get3A_245 = vector.shape_cast %get3A_244 : vector<1x16xf32> to vector<16xf32>
          %get3A_246 = arith.index_cast %squeeze3A_112 : i32 to index
          %get3A_247 = arith.index_cast %mul3A_241 : i32 to index
          %get3A_248 = tpu.vector_load %arg8[%get3A_246, %get3A_247] {strides = array<i32>} : memref<3x1024xf32, #tpu.memory_space<vmem>>, vector<1x16xf32>,
          %get3A_249 = vector.shape_cast %get3A_248 : vector<1x16xf32> to vector<16xf32>
          %get3A_250 = arith.index_cast %squeeze3A_112 : i32 to index
          %get3A_251 = arith.index_cast %mul3A_241 : i32 to index
          %get3A_252 = tpu.vector_load %arg9[%get3A_250, %get3A_251] {strides = array<i32>} : memref<3x1024xf32, #tpu.memory_space<vmem>>, vector<1x16xf32>,
          %get3A_253 = vector.shape_cast %get3A_252 : vector<1x16xf32> to vector<16xf32>
          %mul3A_254 = arith.mulf %get3A_249, %get3A_245 : vector<16xf32>
          %add3A_255 = arith.addf %mul3A_254, %get3A_253 : vector<16xf32>
          %swap3A = arith.index_cast %add3A_110 : i32 to index
          %swap3A_256 = arith.index_cast %mul3A_241 : i32 to index
          %swap3A_257 = tpu.vector_load %arg10[%swap3A, %swap3A_256] {strides = array<i32>} : memref<32x1024xf32, #tpu.memory_space<vmem>>, vector<1x16xf32>,
          %swap3A_258 = vector.shape_cast %swap3A_257 : vector<1x16xf32> to vector<16xf32>
          %swap3A_259 = vector.shape_cast %add3A_255 : vector<16xf32> to vector<1x16xf32>
          tpu.vector_store %arg10[%swap3A, %swap3A_256], %swap3A_259 {strides = array<i32>} : memref<32x1024xf32, #tpu.memory_space<vmem>>, vector<1x16xf32>,
          %scan3A_260 = arith.constant 0 : i32
          %scan3A_261 = arith.constant 1 : i32
          %scan3A_262 = arith.addi %scan3A_238, %scan3A_261 : i32
          %mul3A_263 = arith.constant 16 : i32
          %mul3A_264 = arith.muli %scan3A_262, %mul3A_263 : i32
          %get3A_265 = arith.index_cast %add3A_110 : i32 to index
          %get3A_266 = arith.index_cast %mul3A_264 : i32 to index
          %get3A_267 = tpu.vector_load %arg10[%get3A_265, %get3A_266] {strides = array<i32>} : memref<32x1024xf32, #tpu.memory_space<vmem>>, vector<1x16xf32>,
          %get3A_268 = vector.shape_cast %get3A_267 : vector<1x16xf32> to vector<16xf32>
          %get3A_269 = arith.index_cast %squeeze3A_112 : i32 to index
          %get3A_270 = arith.index_cast %mul3A_264 : i32 to index
          %get3A_271 = tpu.vector_load %arg8[%get3A_269, %get3A_270] {strides = array<i32>} : memref<3x1024xf32, #tpu.memory_space<vmem>>, vector<1x16xf32>,
          %get3A_272 = vector.shape_cast %get3A_271 : vector<1x16xf32> to vector<16xf32>
          %get3A_273 = arith.index_cast %squeeze3A_112 : i32 to index
          %get3A_274 = arith.index_cast %mul3A_264 : i32 to index
          %get3A_275 = tpu.vector_load %arg9[%get3A_273, %get3A_274] {strides = array<i32>} : memref<3x1024xf32, #tpu.memory_space<vmem>>, vector<1x16xf32>,
          %get3A_276 = vector.shape_cast %get3A_275 : vector<1x16xf32> to vector<16xf32>
          %mul3A_277 = arith.mulf %get3A_272, %get3A_268 : vector<16xf32>
          %add3A_278 = arith.addf %mul3A_277, %get3A_276 : vector<16xf32>
          %swap3A_279 = arith.index_cast %add3A_110 : i32 to index
          %swap3A_280 = arith.index_cast %mul3A_264 : i32 to index
          %swap3A_281 = tpu.vector_load %arg10[%swap3A_279, %swap3A_280] {strides = array<i32>} : memref<32x1024xf32, #tpu.memory_space<vmem>>, vector<1x16xf32>,
          %swap3A_282 = vector.shape_cast %swap3A_281 : vector<1x16xf32> to vector<16xf32>
          %swap3A_283 = vector.shape_cast %add3A_278 : vector<16xf32> to vector<1x16xf32>
          tpu.vector_store %arg10[%swap3A_279, %swap3A_280], %swap3A_283 {strides = array<i32>} : memref<32x1024xf32, #tpu.memory_space<vmem>>, vector<1x16xf32>,
          %scan3A_284 = arith.constant 0 : i32
          %scan3A_285 = arith.constant 2 : i32
          %scan3A_286 = arith.addi %scan3A_238, %scan3A_285 : i32
          %mul3A_287 = arith.constant 16 : i32
          %mul3A_288 = arith.muli %scan3A_286, %mul3A_287 : i32
          %get3A_289 = arith.index_cast %add3A_110 : i32 to index
          %get3A_290 = arith.index_cast %mul3A_288 : i32 to index
          %get3A_291 = tpu.vector_load %arg10[%get3A_289, %get3A_290] {strides = array<i32>} : memref<32x1024xf32, #tpu.memory_space<vmem>>, vector<1x16xf32>,
          %get3A_292 = vector.shape_cast %get3A_291 : vector<1x16xf32> to vector<16xf32>
          %get3A_293 = arith.index_cast %squeeze3A_112 : i32 to index
          %get3A_294 = arith.index_cast %mul3A_288 : i32 to index
          %get3A_295 = tpu.vector_load %arg8[%get3A_293, %get3A_294] {strides = array<i32>} : memref<3x1024xf32, #tpu.memory_space<vmem>>, vector<1x16xf32>,
          %get3A_296 = vector.shape_cast %get3A_295 : vector<1x16xf32> to vector<16xf32>
          %get3A_297 = arith.index_cast %squeeze3A_112 : i32 to index
          %get3A_298 = arith.index_cast %mul3A_288 : i32 to index
          %get3A_299 = tpu.vector_load %arg9[%get3A_297, %get3A_298] {strides = array<i32>} : memref<3x1024xf32, #tpu.memory_space<vmem>>, vector<1x16xf32>,
          %get3A_300 = vector.shape_cast %get3A_299 : vector<1x16xf32> to vector<16xf32>
          %mul3A_301 = arith.mulf %get3A_296, %get3A_292 : vector<16xf32>
          %add3A_302 = arith.addf %mul3A_301, %get3A_300 : vector<16xf32>
          %swap3A_303 = arith.index_cast %add3A_110 : i32 to index
          %swap3A_304 = arith.index_cast %mul3A_288 : i32 to index
          %swap3A_305 = tpu.vector_load %arg10[%swap3A_303, %swap3A_304] {strides = array<i32>} : memref<32x1024xf32, #tpu.memory_space<vmem>>, vector<1x16xf32>,
          %swap3A_306 = vector.shape_cast %swap3A_305 : vector<1x16xf32> to vector<16xf32>
          %swap3A_307 = vector.shape_cast %add3A_302 : vector<16xf32> to vector<1x16xf32>
          tpu.vector_store %arg10[%swap3A_303, %swap3A_304], %swap3A_307 {strides = array<i32>} : memref<32x1024xf32, #tpu.memory_space<vmem>>, vector<1x16xf32>,
          %scan3A_308 = arith.constant 0 : i32
          %scan3A_309 = arith.constant 3 : i32
          %scan3A_310 = arith.addi %scan3A_238, %scan3A_309 : i32
          %mul3A_311 = arith.constant 16 : i32
          %mul3A_312 = arith.muli %scan3A_310, %mul3A_311 : i32
          %get3A_313 = arith.index_cast %add3A_110 : i32 to index
          %get3A_314 = arith.index_cast %mul3A_312 : i32 to index
          %get3A_315 = tpu.vector_load %arg10[%get3A_313, %get3A_314] {strides = array<i32>} : memref<32x1024xf32, #tpu.memory_space<vmem>>, vector<1x16xf32>,
          %get3A_316 = vector.shape_cast %get3A_315 : vector<1x16xf32> to vector<16xf32>
          %get3A_317 = arith.index_cast %squeeze3A_112 : i32 to index
          %get3A_318 = arith.index_cast %mul3A_312 : i32 to index
          %get3A_319 = tpu.vector_load %arg8[%get3A_317, %get3A_318] {strides = array<i32>} : memref<3x1024xf32, #tpu.memory_space<vmem>>, vector<1x16xf32>,
          %get3A_320 = vector.shape_cast %get3A_319 : vector<1x16xf32> to vector<16xf32>
          %get3A_321 = arith.index_cast %squeeze3A_112 : i32 to index
          %get3A_322 = arith.index_cast %mul3A_312 : i32 to index
          %get3A_323 = tpu.vector_load %arg9[%get3A_321, %get3A_322] {strides = array<i32>} : memref<3x1024xf32, #tpu.memory_space<vmem>>, vector<1x16xf32>,
          %get3A_324 = vector.shape_cast %get3A_323 : vector<1x16xf32> to vector<16xf32>
          %mul3A_325 = arith.mulf %get3A_320, %get3A_316 : vector<16xf32>
          %add3A_326 = arith.addf %mul3A_325, %get3A_324 : vector<16xf32>
          %swap3A_327 = arith.index_cast %add3A_110 : i32 to index
          %swap3A_328 = arith.index_cast %mul3A_312 : i32 to index
          %swap3A_329 = tpu.vector_load %arg10[%swap3A_327, %swap3A_328] {strides = array<i32>} : memref<32x1024xf32, #tpu.memory_space<vmem>>, vector<1x16xf32>,
          %swap3A_330 = vector.shape_cast %swap3A_329 : vector<1x16xf32> to vector<16xf32>
          %swap3A_331 = vector.shape_cast %add3A_326 : vector<16xf32> to vector<1x16xf32>
          tpu.vector_store %arg10[%swap3A_327, %swap3A_328], %swap3A_331 {strides = array<i32>} : memref<32x1024xf32, #tpu.memory_space<vmem>>, vector<1x16xf32>,
          %scan3A_332 = arith.constant 0 : i32
          scf.yield %scan3A_332 : i32
        }
        %scan3A_119 = arith.constant 64 : i32
        %mul3A_120 = arith.constant 16 : i32
        %mul3A_121 = arith.muli %scan3A_22, %mul3A_120 : i32
        %add3A_122 = arith.constant 7 : i32
        %add3A_123 = arith.addi %mul3A_121, %add3A_122 : i32
        %slice3A_124 = vector.extract_strided_slice %get3A_30 {offsets = [7], sizes = [1], strides = [1]} : vector<16xi32> to vector<1xi32>
        %squeeze3A_125 = vector.extract %slice3A_124[0] : i32 from vector<1xi32>
        %scan3A_126 = arith.constant 0 : i32
        %scan3A_127 = arith.constant 0 : i32
        %scan3A_128 = arith.constant 64 : i32
        %scan3A_129 = arith.addi %scan3A_127, %scan3A_128 : i32
        %scan3A_130 = arith.constant 4 : i32
        %scan3A_131 = scf.for %scan3A_238 = %scan3A_127 to %scan3A_129 step %scan3A_130 iter_args(%scan3A_239 = %scan3A_126) -> (i32)  : i32 {
          %mul3A_240 = arith.constant 16 : i32
          %mul3A_241 = arith.muli %scan3A_238, %mul3A_240 : i32
          %get3A_242 = arith.index_cast %add3A_123 : i32 to index
          %get3A_243 = arith.index_cast %mul3A_241 : i32 to index
          %get3A_244 = tpu.vector_load %arg10[%get3A_242, %get3A_243] {strides = array<i32>} : memref<32x1024xf32, #tpu.memory_space<vmem>>, vector<1x16xf32>,
          %get3A_245 = vector.shape_cast %get3A_244 : vector<1x16xf32> to vector<16xf32>
          %get3A_246 = arith.index_cast %squeeze3A_125 : i32 to index
          %get3A_247 = arith.index_cast %mul3A_241 : i32 to index
          %get3A_248 = tpu.vector_load %arg8[%get3A_246, %get3A_247] {strides = array<i32>} : memref<3x1024xf32, #tpu.memory_space<vmem>>, vector<1x16xf32>,
          %get3A_249 = vector.shape_cast %get3A_248 : vector<1x16xf32> to vector<16xf32>
          %get3A_250 = arith.index_cast %squeeze3A_125 : i32 to index
          %get3A_251 = arith.index_cast %mul3A_241 : i32 to index
          %get3A_252 = tpu.vector_load %arg9[%get3A_250, %get3A_251] {strides = array<i32>} : memref<3x1024xf32, #tpu.memory_space<vmem>>, vector<1x16xf32>,
          %get3A_253 = vector.shape_cast %get3A_252 : vector<1x16xf32> to vector<16xf32>
          %mul3A_254 = arith.mulf %get3A_249, %get3A_245 : vector<16xf32>
          %add3A_255 = arith.addf %mul3A_254, %get3A_253 : vector<16xf32>
          %swap3A = arith.index_cast %add3A_123 : i32 to index
          %swap3A_256 = arith.index_cast %mul3A_241 : i32 to index
          %swap3A_257 = tpu.vector_load %arg10[%swap3A, %swap3A_256] {strides = array<i32>} : memref<32x1024xf32, #tpu.memory_space<vmem>>, vector<1x16xf32>,
          %swap3A_258 = vector.shape_cast %swap3A_257 : vector<1x16xf32> to vector<16xf32>
          %swap3A_259 = vector.shape_cast %add3A_255 : vector<16xf32> to vector<1x16xf32>
          tpu.vector_store %arg10[%swap3A, %swap3A_256], %swap3A_259 {strides = array<i32>} : memref<32x1024xf32, #tpu.memory_space<vmem>>, vector<1x16xf32>,
          %scan3A_260 = arith.constant 0 : i32
          %scan3A_261 = arith.constant 1 : i32
          %scan3A_262 = arith.addi %scan3A_238, %scan3A_261 : i32
          %mul3A_263 = arith.constant 16 : i32
          %mul3A_264 = arith.muli %scan3A_262, %mul3A_263 : i32
          %get3A_265 = arith.index_cast %add3A_123 : i32 to index
          %get3A_266 = arith.index_cast %mul3A_264 : i32 to index
          %get3A_267 = tpu.vector_load %arg10[%get3A_265, %get3A_266] {strides = array<i32>} : memref<32x1024xf32, #tpu.memory_space<vmem>>, vector<1x16xf32>,
          %get3A_268 = vector.shape_cast %get3A_267 : vector<1x16xf32> to vector<16xf32>
          %get3A_269 = arith.index_cast %squeeze3A_125 : i32 to index
          %get3A_270 = arith.index_cast %mul3A_264 : i32 to index
          %get3A_271 = tpu.vector_load %arg8[%get3A_269, %get3A_270] {strides = array<i32>} : memref<3x1024xf32, #tpu.memory_space<vmem>>, vector<1x16xf32>,
          %get3A_272 = vector.shape_cast %get3A_271 : vector<1x16xf32> to vector<16xf32>
          %get3A_273 = arith.index_cast %squeeze3A_125 : i32 to index
          %get3A_274 = arith.index_cast %mul3A_264 : i32 to index
          %get3A_275 = tpu.vector_load %arg9[%get3A_273, %get3A_274] {strides = array<i32>} : memref<3x1024xf32, #tpu.memory_space<vmem>>, vector<1x16xf32>,
          %get3A_276 = vector.shape_cast %get3A_275 : vector<1x16xf32> to vector<16xf32>
          %mul3A_277 = arith.mulf %get3A_272, %get3A_268 : vector<16xf32>
          %add3A_278 = arith.addf %mul3A_277, %get3A_276 : vector<16xf32>
          %swap3A_279 = arith.index_cast %add3A_123 : i32 to index
          %swap3A_280 = arith.index_cast %mul3A_264 : i32 to index
          %swap3A_281 = tpu.vector_load %arg10[%swap3A_279, %swap3A_280] {strides = array<i32>} : memref<32x1024xf32, #tpu.memory_space<vmem>>, vector<1x16xf32>,
          %swap3A_282 = vector.shape_cast %swap3A_281 : vector<1x16xf32> to vector<16xf32>
          %swap3A_283 = vector.shape_cast %add3A_278 : vector<16xf32> to vector<1x16xf32>
          tpu.vector_store %arg10[%swap3A_279, %swap3A_280], %swap3A_283 {strides = array<i32>} : memref<32x1024xf32, #tpu.memory_space<vmem>>, vector<1x16xf32>,
          %scan3A_284 = arith.constant 0 : i32
          %scan3A_285 = arith.constant 2 : i32
          %scan3A_286 = arith.addi %scan3A_238, %scan3A_285 : i32
          %mul3A_287 = arith.constant 16 : i32
          %mul3A_288 = arith.muli %scan3A_286, %mul3A_287 : i32
          %get3A_289 = arith.index_cast %add3A_123 : i32 to index
          %get3A_290 = arith.index_cast %mul3A_288 : i32 to index
          %get3A_291 = tpu.vector_load %arg10[%get3A_289, %get3A_290] {strides = array<i32>} : memref<32x1024xf32, #tpu.memory_space<vmem>>, vector<1x16xf32>,
          %get3A_292 = vector.shape_cast %get3A_291 : vector<1x16xf32> to vector<16xf32>
          %get3A_293 = arith.index_cast %squeeze3A_125 : i32 to index
          %get3A_294 = arith.index_cast %mul3A_288 : i32 to index
          %get3A_295 = tpu.vector_load %arg8[%get3A_293, %get3A_294] {strides = array<i32>} : memref<3x1024xf32, #tpu.memory_space<vmem>>, vector<1x16xf32>,
          %get3A_296 = vector.shape_cast %get3A_295 : vector<1x16xf32> to vector<16xf32>
          %get3A_297 = arith.index_cast %squeeze3A_125 : i32 to index
          %get3A_298 = arith.index_cast %mul3A_288 : i32 to index
          %get3A_299 = tpu.vector_load %arg9[%get3A_297, %get3A_298] {strides = array<i32>} : memref<3x1024xf32, #tpu.memory_space<vmem>>, vector<1x16xf32>,
          %get3A_300 = vector.shape_cast %get3A_299 : vector<1x16xf32> to vector<16xf32>
          %mul3A_301 = arith.mulf %get3A_296, %get3A_292 : vector<16xf32>
          %add3A_302 = arith.addf %mul3A_301, %get3A_300 : vector<16xf32>
          %swap3A_303 = arith.index_cast %add3A_123 : i32 to index
          %swap3A_304 = arith.index_cast %mul3A_288 : i32 to index
          %swap3A_305 = tpu.vector_load %arg10[%swap3A_303, %swap3A_304] {strides = array<i32>} : memref<32x1024xf32, #tpu.memory_space<vmem>>, vector<1x16xf32>,
          %swap3A_306 = vector.shape_cast %swap3A_305 : vector<1x16xf32> to vector<16xf32>
          %swap3A_307 = vector.shape_cast %add3A_302 : vector<16xf32> to vector<1x16xf32>
          tpu.vector_store %arg10[%swap3A_303, %swap3A_304], %swap3A_307 {strides = array<i32>} : memref<32x1024xf32, #tpu.memory_space<vmem>>, vector<1x16xf32>,
          %scan3A_308 = arith.constant 0 : i32
          %scan3A_309 = arith.constant 3 : i32
          %scan3A_310 = arith.addi %scan3A_238, %scan3A_309 : i32
          %mul3A_311 = arith.constant 16 : i32
          %mul3A_312 = arith.muli %scan3A_310, %mul3A_311 : i32
          %get3A_313 = arith.index_cast %add3A_123 : i32 to index
          %get3A_314 = arith.index_cast %mul3A_312 : i32 to index
          %get3A_315 = tpu.vector_load %arg10[%get3A_313, %get3A_314] {strides = array<i32>} : memref<32x1024xf32, #tpu.memory_space<vmem>>, vector<1x16xf32>,
          %get3A_316 = vector.shape_cast %get3A_315 : vector<1x16xf32> to vector<16xf32>
          %get3A_317 = arith.index_cast %squeeze3A_125 : i32 to index
          %get3A_318 = arith.index_cast %mul3A_312 : i32 to index
          %get3A_319 = tpu.vector_load %arg8[%get3A_317, %get3A_318] {strides = array<i32>} : memref<3x1024xf32, #tpu.memory_space<vmem>>, vector<1x16xf32>,
          %get3A_320 = vector.shape_cast %get3A_319 : vector<1x16xf32> to vector<16xf32>
          %get3A_321 = arith.index_cast %squeeze3A_125 : i32 to index
          %get3A_322 = arith.index_cast %mul3A_312 : i32 to index
          %get3A_323 = tpu.vector_load %arg9[%get3A_321, %get3A_322] {strides = array<i32>} : memref<3x1024xf32, #tpu.memory_space<vmem>>, vector<1x16xf32>,
          %get3A_324 = vector.shape_cast %get3A_323 : vector<1x16xf32> to vector<16xf32>
          %mul3A_325 = arith.mulf %get3A_320, %get3A_316 : vector<16xf32>
          %add3A_326 = arith.addf %mul3A_325, %get3A_324 : vector<16xf32>
          %swap3A_327 = arith.index_cast %add3A_123 : i32 to index
          %swap3A_328 = arith.index_cast %mul3A_312 : i32 to index
          %swap3A_329 = tpu.vector_load %arg10[%swap3A_327, %swap3A_328] {strides = array<i32>} : memref<32x1024xf32, #tpu.memory_space<vmem>>, vector<1x16xf32>,
          %swap3A_330 = vector.shape_cast %swap3A_329 : vector<1x16xf32> to vector<16xf32>
          %swap3A_331 = vector.shape_cast %add3A_326 : vector<16xf32> to vector<1x16xf32>
          tpu.vector_store %arg10[%swap3A_327, %swap3A_328], %swap3A_331 {strides = array<i32>} : memref<32x1024xf32, #tpu.memory_space<vmem>>, vector<1x16xf32>,
          %scan3A_332 = arith.constant 0 : i32
          scf.yield %scan3A_332 : i32
        }
        %scan3A_132 = arith.constant 64 : i32
        %mul3A_133 = arith.constant 16 : i32
        %mul3A_134 = arith.muli %scan3A_22, %mul3A_133 : i32
        %add3A_135 = arith.constant 8 : i32
        %add3A_136 = arith.addi %mul3A_134, %add3A_135 : i32
        %slice3A_137 = vector.extract_strided_slice %get3A_30 {offsets = [8], sizes = [1], strides = [1]} : vector<16xi32> to vector<1xi32>
        %squeeze3A_138 = vector.extract %slice3A_137[0] : i32 from vector<1xi32>
        %scan3A_139 = arith.constant 0 : i32
        %scan3A_140 = arith.constant 0 : i32
        %scan3A_141 = arith.constant 64 : i32
        %scan3A_142 = arith.addi %scan3A_140, %scan3A_141 : i32
        %scan3A_143 = arith.constant 4 : i32
        %scan3A_144 = scf.for %scan3A_238 = %scan3A_140 to %scan3A_142 step %scan3A_143 iter_args(%scan3A_239 = %scan3A_139) -> (i32)  : i32 {
          %mul3A_240 = arith.constant 16 : i32
          %mul3A_241 = arith.muli %scan3A_238, %mul3A_240 : i32
          %get3A_242 = arith.index_cast %add3A_136 : i32 to index
          %get3A_243 = arith.index_cast %mul3A_241 : i32 to index
          %get3A_244 = tpu.vector_load %arg10[%get3A_242, %get3A_243] {strides = array<i32>} : memref<32x1024xf32, #tpu.memory_space<vmem>>, vector<1x16xf32>,
          %get3A_245 = vector.shape_cast %get3A_244 : vector<1x16xf32> to vector<16xf32>
          %get3A_246 = arith.index_cast %squeeze3A_138 : i32 to index
          %get3A_247 = arith.index_cast %mul3A_241 : i32 to index
          %get3A_248 = tpu.vector_load %arg8[%get3A_246, %get3A_247] {strides = array<i32>} : memref<3x1024xf32, #tpu.memory_space<vmem>>, vector<1x16xf32>,
          %get3A_249 = vector.shape_cast %get3A_248 : vector<1x16xf32> to vector<16xf32>
          %get3A_250 = arith.index_cast %squeeze3A_138 : i32 to index
          %get3A_251 = arith.index_cast %mul3A_241 : i32 to index
          %get3A_252 = tpu.vector_load %arg9[%get3A_250, %get3A_251] {strides = array<i32>} : memref<3x1024xf32, #tpu.memory_space<vmem>>, vector<1x16xf32>,
          %get3A_253 = vector.shape_cast %get3A_252 : vector<1x16xf32> to vector<16xf32>
          %mul3A_254 = arith.mulf %get3A_249, %get3A_245 : vector<16xf32>
          %add3A_255 = arith.addf %mul3A_254, %get3A_253 : vector<16xf32>
          %swap3A = arith.index_cast %add3A_136 : i32 to index
          %swap3A_256 = arith.index_cast %mul3A_241 : i32 to index
          %swap3A_257 = tpu.vector_load %arg10[%swap3A, %swap3A_256] {strides = array<i32>} : memref<32x1024xf32, #tpu.memory_space<vmem>>, vector<1x16xf32>,
          %swap3A_258 = vector.shape_cast %swap3A_257 : vector<1x16xf32> to vector<16xf32>
          %swap3A_259 = vector.shape_cast %add3A_255 : vector<16xf32> to vector<1x16xf32>
          tpu.vector_store %arg10[%swap3A, %swap3A_256], %swap3A_259 {strides = array<i32>} : memref<32x1024xf32, #tpu.memory_space<vmem>>, vector<1x16xf32>,
          %scan3A_260 = arith.constant 0 : i32
          %scan3A_261 = arith.constant 1 : i32
          %scan3A_262 = arith.addi %scan3A_238, %scan3A_261 : i32
          %mul3A_263 = arith.constant 16 : i32
          %mul3A_264 = arith.muli %scan3A_262, %mul3A_263 : i32
          %get3A_265 = arith.index_cast %add3A_136 : i32 to index
          %get3A_266 = arith.index_cast %mul3A_264 : i32 to index
          %get3A_267 = tpu.vector_load %arg10[%get3A_265, %get3A_266] {strides = array<i32>} : memref<32x1024xf32, #tpu.memory_space<vmem>>, vector<1x16xf32>,
          %get3A_268 = vector.shape_cast %get3A_267 : vector<1x16xf32> to vector<16xf32>
          %get3A_269 = arith.index_cast %squeeze3A_138 : i32 to index
          %get3A_270 = arith.index_cast %mul3A_264 : i32 to index
          %get3A_271 = tpu.vector_load %arg8[%get3A_269, %get3A_270] {strides = array<i32>} : memref<3x1024xf32, #tpu.memory_space<vmem>>, vector<1x16xf32>,
          %get3A_272 = vector.shape_cast %get3A_271 : vector<1x16xf32> to vector<16xf32>
          %get3A_273 = arith.index_cast %squeeze3A_138 : i32 to index
          %get3A_274 = arith.index_cast %mul3A_264 : i32 to index
          %get3A_275 = tpu.vector_load %arg9[%get3A_273, %get3A_274] {strides = array<i32>} : memref<3x1024xf32, #tpu.memory_space<vmem>>, vector<1x16xf32>,
          %get3A_276 = vector.shape_cast %get3A_275 : vector<1x16xf32> to vector<16xf32>
          %mul3A_277 = arith.mulf %get3A_272, %get3A_268 : vector<16xf32>
          %add3A_278 = arith.addf %mul3A_277, %get3A_276 : vector<16xf32>
          %swap3A_279 = arith.index_cast %add3A_136 : i32 to index
          %swap3A_280 = arith.index_cast %mul3A_264 : i32 to index
          %swap3A_281 = tpu.vector_load %arg10[%swap3A_279, %swap3A_280] {strides = array<i32>} : memref<32x1024xf32, #tpu.memory_space<vmem>>, vector<1x16xf32>,
          %swap3A_282 = vector.shape_cast %swap3A_281 : vector<1x16xf32> to vector<16xf32>
          %swap3A_283 = vector.shape_cast %add3A_278 : vector<16xf32> to vector<1x16xf32>
          tpu.vector_store %arg10[%swap3A_279, %swap3A_280], %swap3A_283 {strides = array<i32>} : memref<32x1024xf32, #tpu.memory_space<vmem>>, vector<1x16xf32>,
          %scan3A_284 = arith.constant 0 : i32
          %scan3A_285 = arith.constant 2 : i32
          %scan3A_286 = arith.addi %scan3A_238, %scan3A_285 : i32
          %mul3A_287 = arith.constant 16 : i32
          %mul3A_288 = arith.muli %scan3A_286, %mul3A_287 : i32
          %get3A_289 = arith.index_cast %add3A_136 : i32 to index
          %get3A_290 = arith.index_cast %mul3A_288 : i32 to index
          %get3A_291 = tpu.vector_load %arg10[%get3A_289, %get3A_290] {strides = array<i32>} : memref<32x1024xf32, #tpu.memory_space<vmem>>, vector<1x16xf32>,
          %get3A_292 = vector.shape_cast %get3A_291 : vector<1x16xf32> to vector<16xf32>
          %get3A_293 = arith.index_cast %squeeze3A_138 : i32 to index
          %get3A_294 = arith.index_cast %mul3A_288 : i32 to index
          %get3A_295 = tpu.vector_load %arg8[%get3A_293, %get3A_294] {strides = array<i32>} : memref<3x1024xf32, #tpu.memory_space<vmem>>, vector<1x16xf32>,
          %get3A_296 = vector.shape_cast %get3A_295 : vector<1x16xf32> to vector<16xf32>
          %get3A_297 = arith.index_cast %squeeze3A_138 : i32 to index
          %get3A_298 = arith.index_cast %mul3A_288 : i32 to index
          %get3A_299 = tpu.vector_load %arg9[%get3A_297, %get3A_298] {strides = array<i32>} : memref<3x1024xf32, #tpu.memory_space<vmem>>, vector<1x16xf32>,
          %get3A_300 = vector.shape_cast %get3A_299 : vector<1x16xf32> to vector<16xf32>
          %mul3A_301 = arith.mulf %get3A_296, %get3A_292 : vector<16xf32>
          %add3A_302 = arith.addf %mul3A_301, %get3A_300 : vector<16xf32>
          %swap3A_303 = arith.index_cast %add3A_136 : i32 to index
          %swap3A_304 = arith.index_cast %mul3A_288 : i32 to index
          %swap3A_305 = tpu.vector_load %arg10[%swap3A_303, %swap3A_304] {strides = array<i32>} : memref<32x1024xf32, #tpu.memory_space<vmem>>, vector<1x16xf32>,
          %swap3A_306 = vector.shape_cast %swap3A_305 : vector<1x16xf32> to vector<16xf32>
          %swap3A_307 = vector.shape_cast %add3A_302 : vector<16xf32> to vector<1x16xf32>
          tpu.vector_store %arg10[%swap3A_303, %swap3A_304], %swap3A_307 {strides = array<i32>} : memref<32x1024xf32, #tpu.memory_space<vmem>>, vector<1x16xf32>,
          %scan3A_308 = arith.constant 0 : i32
          %scan3A_309 = arith.constant 3 : i32
          %scan3A_310 = arith.addi %scan3A_238, %scan3A_309 : i32
          %mul3A_311 = arith.constant 16 : i32
          %mul3A_312 = arith.muli %scan3A_310, %mul3A_311 : i32
          %get3A_313 = arith.index_cast %add3A_136 : i32 to index
          %get3A_314 = arith.index_cast %mul3A_312 : i32 to index
          %get3A_315 = tpu.vector_load %arg10[%get3A_313, %get3A_314] {strides = array<i32>} : memref<32x1024xf32, #tpu.memory_space<vmem>>, vector<1x16xf32>,
          %get3A_316 = vector.shape_cast %get3A_315 : vector<1x16xf32> to vector<16xf32>
          %get3A_317 = arith.index_cast %squeeze3A_138 : i32 to index
          %get3A_318 = arith.index_cast %mul3A_312 : i32 to index
          %get3A_319 = tpu.vector_load %arg8[%get3A_317, %get3A_318] {strides = array<i32>} : memref<3x1024xf32, #tpu.memory_space<vmem>>, vector<1x16xf32>,
          %get3A_320 = vector.shape_cast %get3A_319 : vector<1x16xf32> to vector<16xf32>
          %get3A_321 = arith.index_cast %squeeze3A_138 : i32 to index
          %get3A_322 = arith.index_cast %mul3A_312 : i32 to index
          %get3A_323 = tpu.vector_load %arg9[%get3A_321, %get3A_322] {strides = array<i32>} : memref<3x1024xf32, #tpu.memory_space<vmem>>, vector<1x16xf32>,
          %get3A_324 = vector.shape_cast %get3A_323 : vector<1x16xf32> to vector<16xf32>
          %mul3A_325 = arith.mulf %get3A_320, %get3A_316 : vector<16xf32>
          %add3A_326 = arith.addf %mul3A_325, %get3A_324 : vector<16xf32>
          %swap3A_327 = arith.index_cast %add3A_136 : i32 to index
          %swap3A_328 = arith.index_cast %mul3A_312 : i32 to index
          %swap3A_329 = tpu.vector_load %arg10[%swap3A_327, %swap3A_328] {strides = array<i32>} : memref<32x1024xf32, #tpu.memory_space<vmem>>, vector<1x16xf32>,
          %swap3A_330 = vector.shape_cast %swap3A_329 : vector<1x16xf32> to vector<16xf32>
          %swap3A_331 = vector.shape_cast %add3A_326 : vector<16xf32> to vector<1x16xf32>
          tpu.vector_store %arg10[%swap3A_327, %swap3A_328], %swap3A_331 {strides = array<i32>} : memref<32x1024xf32, #tpu.memory_space<vmem>>, vector<1x16xf32>,
          %scan3A_332 = arith.constant 0 : i32
          scf.yield %scan3A_332 : i32
        }
        %scan3A_145 = arith.constant 64 : i32
        %mul3A_146 = arith.constant 16 : i32
        %mul3A_147 = arith.muli %scan3A_22, %mul3A_146 : i32
        %add3A_148 = arith.constant 9 : i32
        %add3A_149 = arith.addi %mul3A_147, %add3A_148 : i32
        %slice3A_150 = vector.extract_strided_slice %get3A_30 {offsets = [9], sizes = [1], strides = [1]} : vector<16xi32> to vector<1xi32>
        %squeeze3A_151 = vector.extract %slice3A_150[0] : i32 from vector<1xi32>
        %scan3A_152 = arith.constant 0 : i32
        %scan3A_153 = arith.constant 0 : i32
        %scan3A_154 = arith.constant 64 : i32
        %scan3A_155 = arith.addi %scan3A_153, %scan3A_154 : i32
        %scan3A_156 = arith.constant 4 : i32
        %scan3A_157 = scf.for %scan3A_238 = %scan3A_153 to %scan3A_155 step %scan3A_156 iter_args(%scan3A_239 = %scan3A_152) -> (i32)  : i32 {
          %mul3A_240 = arith.constant 16 : i32
          %mul3A_241 = arith.muli %scan3A_238, %mul3A_240 : i32
          %get3A_242 = arith.index_cast %add3A_149 : i32 to index
          %get3A_243 = arith.index_cast %mul3A_241 : i32 to index
          %get3A_244 = tpu.vector_load %arg10[%get3A_242, %get3A_243] {strides = array<i32>} : memref<32x1024xf32, #tpu.memory_space<vmem>>, vector<1x16xf32>,
          %get3A_245 = vector.shape_cast %get3A_244 : vector<1x16xf32> to vector<16xf32>
          %get3A_246 = arith.index_cast %squeeze3A_151 : i32 to index
          %get3A_247 = arith.index_cast %mul3A_241 : i32 to index
          %get3A_248 = tpu.vector_load %arg8[%get3A_246, %get3A_247] {strides = array<i32>} : memref<3x1024xf32, #tpu.memory_space<vmem>>, vector<1x16xf32>,
          %get3A_249 = vector.shape_cast %get3A_248 : vector<1x16xf32> to vector<16xf32>
          %get3A_250 = arith.index_cast %squeeze3A_151 : i32 to index
          %get3A_251 = arith.index_cast %mul3A_241 : i32 to index
          %get3A_252 = tpu.vector_load %arg9[%get3A_250, %get3A_251] {strides = array<i32>} : memref<3x1024xf32, #tpu.memory_space<vmem>>, vector<1x16xf32>,
          %get3A_253 = vector.shape_cast %get3A_252 : vector<1x16xf32> to vector<16xf32>
          %mul3A_254 = arith.mulf %get3A_249, %get3A_245 : vector<16xf32>
          %add3A_255 = arith.addf %mul3A_254, %get3A_253 : vector<16xf32>
          %swap3A = arith.index_cast %add3A_149 : i32 to index
          %swap3A_256 = arith.index_cast %mul3A_241 : i32 to index
          %swap3A_257 = tpu.vector_load %arg10[%swap3A, %swap3A_256] {strides = array<i32>} : memref<32x1024xf32, #tpu.memory_space<vmem>>, vector<1x16xf32>,
          %swap3A_258 = vector.shape_cast %swap3A_257 : vector<1x16xf32> to vector<16xf32>
          %swap3A_259 = vector.shape_cast %add3A_255 : vector<16xf32> to vector<1x16xf32>
          tpu.vector_store %arg10[%swap3A, %swap3A_256], %swap3A_259 {strides = array<i32>} : memref<32x1024xf32, #tpu.memory_space<vmem>>, vector<1x16xf32>,
          %scan3A_260 = arith.constant 0 : i32
          %scan3A_261 = arith.constant 1 : i32
          %scan3A_262 = arith.addi %scan3A_238, %scan3A_261 : i32
          %mul3A_263 = arith.constant 16 : i32
          %mul3A_264 = arith.muli %scan3A_262, %mul3A_263 : i32
          %get3A_265 = arith.index_cast %add3A_149 : i32 to index
          %get3A_266 = arith.index_cast %mul3A_264 : i32 to index
          %get3A_267 = tpu.vector_load %arg10[%get3A_265, %get3A_266] {strides = array<i32>} : memref<32x1024xf32, #tpu.memory_space<vmem>>, vector<1x16xf32>,
          %get3A_268 = vector.shape_cast %get3A_267 : vector<1x16xf32> to vector<16xf32>
          %get3A_269 = arith.index_cast %squeeze3A_151 : i32 to index
          %get3A_270 = arith.index_cast %mul3A_264 : i32 to index
          %get3A_271 = tpu.vector_load %arg8[%get3A_269, %get3A_270] {strides = array<i32>} : memref<3x1024xf32, #tpu.memory_space<vmem>>, vector<1x16xf32>,
          %get3A_272 = vector.shape_cast %get3A_271 : vector<1x16xf32> to vector<16xf32>
          %get3A_273 = arith.index_cast %squeeze3A_151 : i32 to index
          %get3A_274 = arith.index_cast %mul3A_264 : i32 to index
          %get3A_275 = tpu.vector_load %arg9[%get3A_273, %get3A_274] {strides = array<i32>} : memref<3x1024xf32, #tpu.memory_space<vmem>>, vector<1x16xf32>,
          %get3A_276 = vector.shape_cast %get3A_275 : vector<1x16xf32> to vector<16xf32>
          %mul3A_277 = arith.mulf %get3A_272, %get3A_268 : vector<16xf32>
          %add3A_278 = arith.addf %mul3A_277, %get3A_276 : vector<16xf32>
          %swap3A_279 = arith.index_cast %add3A_149 : i32 to index
          %swap3A_280 = arith.index_cast %mul3A_264 : i32 to index
          %swap3A_281 = tpu.vector_load %arg10[%swap3A_279, %swap3A_280] {strides = array<i32>} : memref<32x1024xf32, #tpu.memory_space<vmem>>, vector<1x16xf32>,
          %swap3A_282 = vector.shape_cast %swap3A_281 : vector<1x16xf32> to vector<16xf32>
          %swap3A_283 = vector.shape_cast %add3A_278 : vector<16xf32> to vector<1x16xf32>
          tpu.vector_store %arg10[%swap3A_279, %swap3A_280], %swap3A_283 {strides = array<i32>} : memref<32x1024xf32, #tpu.memory_space<vmem>>, vector<1x16xf32>,
          %scan3A_284 = arith.constant 0 : i32
          %scan3A_285 = arith.constant 2 : i32
          %scan3A_286 = arith.addi %scan3A_238, %scan3A_285 : i32
          %mul3A_287 = arith.constant 16 : i32
          %mul3A_288 = arith.muli %scan3A_286, %mul3A_287 : i32
          %get3A_289 = arith.index_cast %add3A_149 : i32 to index
          %get3A_290 = arith.index_cast %mul3A_288 : i32 to index
          %get3A_291 = tpu.vector_load %arg10[%get3A_289, %get3A_290] {strides = array<i32>} : memref<32x1024xf32, #tpu.memory_space<vmem>>, vector<1x16xf32>,
          %get3A_292 = vector.shape_cast %get3A_291 : vector<1x16xf32> to vector<16xf32>
          %get3A_293 = arith.index_cast %squeeze3A_151 : i32 to index
          %get3A_294 = arith.index_cast %mul3A_288 : i32 to index
          %get3A_295 = tpu.vector_load %arg8[%get3A_293, %get3A_294] {strides = array<i32>} : memref<3x1024xf32, #tpu.memory_space<vmem>>, vector<1x16xf32>,
          %get3A_296 = vector.shape_cast %get3A_295 : vector<1x16xf32> to vector<16xf32>
          %get3A_297 = arith.index_cast %squeeze3A_151 : i32 to index
          %get3A_298 = arith.index_cast %mul3A_288 : i32 to index
          %get3A_299 = tpu.vector_load %arg9[%get3A_297, %get3A_298] {strides = array<i32>} : memref<3x1024xf32, #tpu.memory_space<vmem>>, vector<1x16xf32>,
          %get3A_300 = vector.shape_cast %get3A_299 : vector<1x16xf32> to vector<16xf32>
          %mul3A_301 = arith.mulf %get3A_296, %get3A_292 : vector<16xf32>
          %add3A_302 = arith.addf %mul3A_301, %get3A_300 : vector<16xf32>
          %swap3A_303 = arith.index_cast %add3A_149 : i32 to index
          %swap3A_304 = arith.index_cast %mul3A_288 : i32 to index
          %swap3A_305 = tpu.vector_load %arg10[%swap3A_303, %swap3A_304] {strides = array<i32>} : memref<32x1024xf32, #tpu.memory_space<vmem>>, vector<1x16xf32>,
          %swap3A_306 = vector.shape_cast %swap3A_305 : vector<1x16xf32> to vector<16xf32>
          %swap3A_307 = vector.shape_cast %add3A_302 : vector<16xf32> to vector<1x16xf32>
          tpu.vector_store %arg10[%swap3A_303, %swap3A_304], %swap3A_307 {strides = array<i32>} : memref<32x1024xf32, #tpu.memory_space<vmem>>, vector<1x16xf32>,
          %scan3A_308 = arith.constant 0 : i32
          %scan3A_309 = arith.constant 3 : i32
          %scan3A_310 = arith.addi %scan3A_238, %scan3A_309 : i32
          %mul3A_311 = arith.constant 16 : i32
          %mul3A_312 = arith.muli %scan3A_310, %mul3A_311 : i32
          %get3A_313 = arith.index_cast %add3A_149 : i32 to index
          %get3A_314 = arith.index_cast %mul3A_312 : i32 to index
          %get3A_315 = tpu.vector_load %arg10[%get3A_313, %get3A_314] {strides = array<i32>} : memref<32x1024xf32, #tpu.memory_space<vmem>>, vector<1x16xf32>,
          %get3A_316 = vector.shape_cast %get3A_315 : vector<1x16xf32> to vector<16xf32>
          %get3A_317 = arith.index_cast %squeeze3A_151 : i32 to index
          %get3A_318 = arith.index_cast %mul3A_312 : i32 to index
          %get3A_319 = tpu.vector_load %arg8[%get3A_317, %get3A_318] {strides = array<i32>} : memref<3x1024xf32, #tpu.memory_space<vmem>>, vector<1x16xf32>,
          %get3A_320 = vector.shape_cast %get3A_319 : vector<1x16xf32> to vector<16xf32>
          %get3A_321 = arith.index_cast %squeeze3A_151 : i32 to index
          %get3A_322 = arith.index_cast %mul3A_312 : i32 to index
          %get3A_323 = tpu.vector_load %arg9[%get3A_321, %get3A_322] {strides = array<i32>} : memref<3x1024xf32, #tpu.memory_space<vmem>>, vector<1x16xf32>,
          %get3A_324 = vector.shape_cast %get3A_323 : vector<1x16xf32> to vector<16xf32>
          %mul3A_325 = arith.mulf %get3A_320, %get3A_316 : vector<16xf32>
          %add3A_326 = arith.addf %mul3A_325, %get3A_324 : vector<16xf32>
          %swap3A_327 = arith.index_cast %add3A_149 : i32 to index
          %swap3A_328 = arith.index_cast %mul3A_312 : i32 to index
          %swap3A_329 = tpu.vector_load %arg10[%swap3A_327, %swap3A_328] {strides = array<i32>} : memref<32x1024xf32, #tpu.memory_space<vmem>>, vector<1x16xf32>,
          %swap3A_330 = vector.shape_cast %swap3A_329 : vector<1x16xf32> to vector<16xf32>
          %swap3A_331 = vector.shape_cast %add3A_326 : vector<16xf32> to vector<1x16xf32>
          tpu.vector_store %arg10[%swap3A_327, %swap3A_328], %swap3A_331 {strides = array<i32>} : memref<32x1024xf32, #tpu.memory_space<vmem>>, vector<1x16xf32>,
          %scan3A_332 = arith.constant 0 : i32
          scf.yield %scan3A_332 : i32
        }
        %scan3A_158 = arith.constant 64 : i32
        %mul3A_159 = arith.constant 16 : i32
        %mul3A_160 = arith.muli %scan3A_22, %mul3A_159 : i32
        %add3A_161 = arith.constant 10 : i32
        %add3A_162 = arith.addi %mul3A_160, %add3A_161 : i32
        %slice3A_163 = vector.extract_strided_slice %get3A_30 {offsets = [10], sizes = [1], strides = [1]} : vector<16xi32> to vector<1xi32>
        %squeeze3A_164 = vector.extract %slice3A_163[0] : i32 from vector<1xi32>
        %scan3A_165 = arith.constant 0 : i32
        %scan3A_166 = arith.constant 0 : i32
        %scan3A_167 = arith.constant 64 : i32
        %scan3A_168 = arith.addi %scan3A_166, %scan3A_167 : i32
        %scan3A_169 = arith.constant 4 : i32
        %scan3A_170 = scf.for %scan3A_238 = %scan3A_166 to %scan3A_168 step %scan3A_169 iter_args(%scan3A_239 = %scan3A_165) -> (i32)  : i32 {
          %mul3A_240 = arith.constant 16 : i32
          %mul3A_241 = arith.muli %scan3A_238, %mul3A_240 : i32
          %get3A_242 = arith.index_cast %add3A_162 : i32 to index
          %get3A_243 = arith.index_cast %mul3A_241 : i32 to index
          %get3A_244 = tpu.vector_load %arg10[%get3A_242, %get3A_243] {strides = array<i32>} : memref<32x1024xf32, #tpu.memory_space<vmem>>, vector<1x16xf32>,
          %get3A_245 = vector.shape_cast %get3A_244 : vector<1x16xf32> to vector<16xf32>
          %get3A_246 = arith.index_cast %squeeze3A_164 : i32 to index
          %get3A_247 = arith.index_cast %mul3A_241 : i32 to index
          %get3A_248 = tpu.vector_load %arg8[%get3A_246, %get3A_247] {strides = array<i32>} : memref<3x1024xf32, #tpu.memory_space<vmem>>, vector<1x16xf32>,
          %get3A_249 = vector.shape_cast %get3A_248 : vector<1x16xf32> to vector<16xf32>
          %get3A_250 = arith.index_cast %squeeze3A_164 : i32 to index
          %get3A_251 = arith.index_cast %mul3A_241 : i32 to index
          %get3A_252 = tpu.vector_load %arg9[%get3A_250, %get3A_251] {strides = array<i32>} : memref<3x1024xf32, #tpu.memory_space<vmem>>, vector<1x16xf32>,
          %get3A_253 = vector.shape_cast %get3A_252 : vector<1x16xf32> to vector<16xf32>
          %mul3A_254 = arith.mulf %get3A_249, %get3A_245 : vector<16xf32>
          %add3A_255 = arith.addf %mul3A_254, %get3A_253 : vector<16xf32>
          %swap3A = arith.index_cast %add3A_162 : i32 to index
          %swap3A_256 = arith.index_cast %mul3A_241 : i32 to index
          %swap3A_257 = tpu.vector_load %arg10[%swap3A, %swap3A_256] {strides = array<i32>} : memref<32x1024xf32, #tpu.memory_space<vmem>>, vector<1x16xf32>,
          %swap3A_258 = vector.shape_cast %swap3A_257 : vector<1x16xf32> to vector<16xf32>
          %swap3A_259 = vector.shape_cast %add3A_255 : vector<16xf32> to vector<1x16xf32>
          tpu.vector_store %arg10[%swap3A, %swap3A_256], %swap3A_259 {strides = array<i32>} : memref<32x1024xf32, #tpu.memory_space<vmem>>, vector<1x16xf32>,
          %scan3A_260 = arith.constant 0 : i32
          %scan3A_261 = arith.constant 1 : i32
          %scan3A_262 = arith.addi %scan3A_238, %scan3A_261 : i32
          %mul3A_263 = arith.constant 16 : i32
          %mul3A_264 = arith.muli %scan3A_262, %mul3A_263 : i32
          %get3A_265 = arith.index_cast %add3A_162 : i32 to index
          %get3A_266 = arith.index_cast %mul3A_264 : i32 to index
          %get3A_267 = tpu.vector_load %arg10[%get3A_265, %get3A_266] {strides = array<i32>} : memref<32x1024xf32, #tpu.memory_space<vmem>>, vector<1x16xf32>,
          %get3A_268 = vector.shape_cast %get3A_267 : vector<1x16xf32> to vector<16xf32>
          %get3A_269 = arith.index_cast %squeeze3A_164 : i32 to index
          %get3A_270 = arith.index_cast %mul3A_264 : i32 to index
          %get3A_271 = tpu.vector_load %arg8[%get3A_269, %get3A_270] {strides = array<i32>} : memref<3x1024xf32, #tpu.memory_space<vmem>>, vector<1x16xf32>,
          %get3A_272 = vector.shape_cast %get3A_271 : vector<1x16xf32> to vector<16xf32>
          %get3A_273 = arith.index_cast %squeeze3A_164 : i32 to index
          %get3A_274 = arith.index_cast %mul3A_264 : i32 to index
          %get3A_275 = tpu.vector_load %arg9[%get3A_273, %get3A_274] {strides = array<i32>} : memref<3x1024xf32, #tpu.memory_space<vmem>>, vector<1x16xf32>,
          %get3A_276 = vector.shape_cast %get3A_275 : vector<1x16xf32> to vector<16xf32>
          %mul3A_277 = arith.mulf %get3A_272, %get3A_268 : vector<16xf32>
          %add3A_278 = arith.addf %mul3A_277, %get3A_276 : vector<16xf32>
          %swap3A_279 = arith.index_cast %add3A_162 : i32 to index
          %swap3A_280 = arith.index_cast %mul3A_264 : i32 to index
          %swap3A_281 = tpu.vector_load %arg10[%swap3A_279, %swap3A_280] {strides = array<i32>} : memref<32x1024xf32, #tpu.memory_space<vmem>>, vector<1x16xf32>,
          %swap3A_282 = vector.shape_cast %swap3A_281 : vector<1x16xf32> to vector<16xf32>
          %swap3A_283 = vector.shape_cast %add3A_278 : vector<16xf32> to vector<1x16xf32>
          tpu.vector_store %arg10[%swap3A_279, %swap3A_280], %swap3A_283 {strides = array<i32>} : memref<32x1024xf32, #tpu.memory_space<vmem>>, vector<1x16xf32>,
          %scan3A_284 = arith.constant 0 : i32
          %scan3A_285 = arith.constant 2 : i32
          %scan3A_286 = arith.addi %scan3A_238, %scan3A_285 : i32
          %mul3A_287 = arith.constant 16 : i32
          %mul3A_288 = arith.muli %scan3A_286, %mul3A_287 : i32
          %get3A_289 = arith.index_cast %add3A_162 : i32 to index
          %get3A_290 = arith.index_cast %mul3A_288 : i32 to index
          %get3A_291 = tpu.vector_load %arg10[%get3A_289, %get3A_290] {strides = array<i32>} : memref<32x1024xf32, #tpu.memory_space<vmem>>, vector<1x16xf32>,
          %get3A_292 = vector.shape_cast %get3A_291 : vector<1x16xf32> to vector<16xf32>
          %get3A_293 = arith.index_cast %squeeze3A_164 : i32 to index
          %get3A_294 = arith.index_cast %mul3A_288 : i32 to index
          %get3A_295 = tpu.vector_load %arg8[%get3A_293, %get3A_294] {strides = array<i32>} : memref<3x1024xf32, #tpu.memory_space<vmem>>, vector<1x16xf32>,
          %get3A_296 = vector.shape_cast %get3A_295 : vector<1x16xf32> to vector<16xf32>
          %get3A_297 = arith.index_cast %squeeze3A_164 : i32 to index
          %get3A_298 = arith.index_cast %mul3A_288 : i32 to index
          %get3A_299 = tpu.vector_load %arg9[%get3A_297, %get3A_298] {strides = array<i32>} : memref<3x1024xf32, #tpu.memory_space<vmem>>, vector<1x16xf32>,
          %get3A_300 = vector.shape_cast %get3A_299 : vector<1x16xf32> to vector<16xf32>
          %mul3A_301 = arith.mulf %get3A_296, %get3A_292 : vector<16xf32>
          %add3A_302 = arith.addf %mul3A_301, %get3A_300 : vector<16xf32>
          %swap3A_303 = arith.index_cast %add3A_162 : i32 to index
          %swap3A_304 = arith.index_cast %mul3A_288 : i32 to index
          %swap3A_305 = tpu.vector_load %arg10[%swap3A_303, %swap3A_304] {strides = array<i32>} : memref<32x1024xf32, #tpu.memory_space<vmem>>, vector<1x16xf32>,
          %swap3A_306 = vector.shape_cast %swap3A_305 : vector<1x16xf32> to vector<16xf32>
          %swap3A_307 = vector.shape_cast %add3A_302 : vector<16xf32> to vector<1x16xf32>
          tpu.vector_store %arg10[%swap3A_303, %swap3A_304], %swap3A_307 {strides = array<i32>} : memref<32x1024xf32, #tpu.memory_space<vmem>>, vector<1x16xf32>,
          %scan3A_308 = arith.constant 0 : i32
          %scan3A_309 = arith.constant 3 : i32
          %scan3A_310 = arith.addi %scan3A_238, %scan3A_309 : i32
          %mul3A_311 = arith.constant 16 : i32
          %mul3A_312 = arith.muli %scan3A_310, %mul3A_311 : i32
          %get3A_313 = arith.index_cast %add3A_162 : i32 to index
          %get3A_314 = arith.index_cast %mul3A_312 : i32 to index
          %get3A_315 = tpu.vector_load %arg10[%get3A_313, %get3A_314] {strides = array<i32>} : memref<32x1024xf32, #tpu.memory_space<vmem>>, vector<1x16xf32>,
          %get3A_316 = vector.shape_cast %get3A_315 : vector<1x16xf32> to vector<16xf32>
          %get3A_317 = arith.index_cast %squeeze3A_164 : i32 to index
          %get3A_318 = arith.index_cast %mul3A_312 : i32 to index
          %get3A_319 = tpu.vector_load %arg8[%get3A_317, %get3A_318] {strides = array<i32>} : memref<3x1024xf32, #tpu.memory_space<vmem>>, vector<1x16xf32>,
          %get3A_320 = vector.shape_cast %get3A_319 : vector<1x16xf32> to vector<16xf32>
          %get3A_321 = arith.index_cast %squeeze3A_164 : i32 to index
          %get3A_322 = arith.index_cast %mul3A_312 : i32 to index
          %get3A_323 = tpu.vector_load %arg9[%get3A_321, %get3A_322] {strides = array<i32>} : memref<3x1024xf32, #tpu.memory_space<vmem>>, vector<1x16xf32>,
          %get3A_324 = vector.shape_cast %get3A_323 : vector<1x16xf32> to vector<16xf32>
          %mul3A_325 = arith.mulf %get3A_320, %get3A_316 : vector<16xf32>
          %add3A_326 = arith.addf %mul3A_325, %get3A_324 : vector<16xf32>
          %swap3A_327 = arith.index_cast %add3A_162 : i32 to index
          %swap3A_328 = arith.index_cast %mul3A_312 : i32 to index
          %swap3A_329 = tpu.vector_load %arg10[%swap3A_327, %swap3A_328] {strides = array<i32>} : memref<32x1024xf32, #tpu.memory_space<vmem>>, vector<1x16xf32>,
          %swap3A_330 = vector.shape_cast %swap3A_329 : vector<1x16xf32> to vector<16xf32>
          %swap3A_331 = vector.shape_cast %add3A_326 : vector<16xf32> to vector<1x16xf32>
          tpu.vector_store %arg10[%swap3A_327, %swap3A_328], %swap3A_331 {strides = array<i32>} : memref<32x1024xf32, #tpu.memory_space<vmem>>, vector<1x16xf32>,
          %scan3A_332 = arith.constant 0 : i32
          scf.yield %scan3A_332 : i32
        }
        %scan3A_171 = arith.constant 64 : i32
        %mul3A_172 = arith.constant 16 : i32
        %mul3A_173 = arith.muli %scan3A_22, %mul3A_172 : i32
        %add3A_174 = arith.constant 11 : i32
        %add3A_175 = arith.addi %mul3A_173, %add3A_174 : i32
        %slice3A_176 = vector.extract_strided_slice %get3A_30 {offsets = [11], sizes = [1], strides = [1]} : vector<16xi32> to vector<1xi32>
        %squeeze3A_177 = vector.extract %slice3A_176[0] : i32 from vector<1xi32>
        %scan3A_178 = arith.constant 0 : i32
        %scan3A_179 = arith.constant 0 : i32
        %scan3A_180 = arith.constant 64 : i32
        %scan3A_181 = arith.addi %scan3A_179, %scan3A_180 : i32
        %scan3A_182 = arith.constant 4 : i32
        %scan3A_183 = scf.for %scan3A_238 = %scan3A_179 to %scan3A_181 step %scan3A_182 iter_args(%scan3A_239 = %scan3A_178) -> (i32)  : i32 {
          %mul3A_240 = arith.constant 16 : i32
          %mul3A_241 = arith.muli %scan3A_238, %mul3A_240 : i32
          %get3A_242 = arith.index_cast %add3A_175 : i32 to index
          %get3A_243 = arith.index_cast %mul3A_241 : i32 to index
          %get3A_244 = tpu.vector_load %arg10[%get3A_242, %get3A_243] {strides = array<i32>} : memref<32x1024xf32, #tpu.memory_space<vmem>>, vector<1x16xf32>,
          %get3A_245 = vector.shape_cast %get3A_244 : vector<1x16xf32> to vector<16xf32>
          %get3A_246 = arith.index_cast %squeeze3A_177 : i32 to index
          %get3A_247 = arith.index_cast %mul3A_241 : i32 to index
          %get3A_248 = tpu.vector_load %arg8[%get3A_246, %get3A_247] {strides = array<i32>} : memref<3x1024xf32, #tpu.memory_space<vmem>>, vector<1x16xf32>,
          %get3A_249 = vector.shape_cast %get3A_248 : vector<1x16xf32> to vector<16xf32>
          %get3A_250 = arith.index_cast %squeeze3A_177 : i32 to index
          %get3A_251 = arith.index_cast %mul3A_241 : i32 to index
          %get3A_252 = tpu.vector_load %arg9[%get3A_250, %get3A_251] {strides = array<i32>} : memref<3x1024xf32, #tpu.memory_space<vmem>>, vector<1x16xf32>,
          %get3A_253 = vector.shape_cast %get3A_252 : vector<1x16xf32> to vector<16xf32>
          %mul3A_254 = arith.mulf %get3A_249, %get3A_245 : vector<16xf32>
          %add3A_255 = arith.addf %mul3A_254, %get3A_253 : vector<16xf32>
          %swap3A = arith.index_cast %add3A_175 : i32 to index
          %swap3A_256 = arith.index_cast %mul3A_241 : i32 to index
          %swap3A_257 = tpu.vector_load %arg10[%swap3A, %swap3A_256] {strides = array<i32>} : memref<32x1024xf32, #tpu.memory_space<vmem>>, vector<1x16xf32>,
          %swap3A_258 = vector.shape_cast %swap3A_257 : vector<1x16xf32> to vector<16xf32>
          %swap3A_259 = vector.shape_cast %add3A_255 : vector<16xf32> to vector<1x16xf32>
          tpu.vector_store %arg10[%swap3A, %swap3A_256], %swap3A_259 {strides = array<i32>} : memref<32x1024xf32, #tpu.memory_space<vmem>>, vector<1x16xf32>,
          %scan3A_260 = arith.constant 0 : i32
          %scan3A_261 = arith.constant 1 : i32
          %scan3A_262 = arith.addi %scan3A_238, %scan3A_261 : i32
          %mul3A_263 = arith.constant 16 : i32
          %mul3A_264 = arith.muli %scan3A_262, %mul3A_263 : i32
          %get3A_265 = arith.index_cast %add3A_175 : i32 to index
          %get3A_266 = arith.index_cast %mul3A_264 : i32 to index
          %get3A_267 = tpu.vector_load %arg10[%get3A_265, %get3A_266] {strides = array<i32>} : memref<32x1024xf32, #tpu.memory_space<vmem>>, vector<1x16xf32>,
          %get3A_268 = vector.shape_cast %get3A_267 : vector<1x16xf32> to vector<16xf32>
          %get3A_269 = arith.index_cast %squeeze3A_177 : i32 to index
          %get3A_270 = arith.index_cast %mul3A_264 : i32 to index
          %get3A_271 = tpu.vector_load %arg8[%get3A_269, %get3A_270] {strides = array<i32>} : memref<3x1024xf32, #tpu.memory_space<vmem>>, vector<1x16xf32>,
          %get3A_272 = vector.shape_cast %get3A_271 : vector<1x16xf32> to vector<16xf32>
          %get3A_273 = arith.index_cast %squeeze3A_177 : i32 to index
          %get3A_274 = arith.index_cast %mul3A_264 : i32 to index
          %get3A_275 = tpu.vector_load %arg9[%get3A_273, %get3A_274] {strides = array<i32>} : memref<3x1024xf32, #tpu.memory_space<vmem>>, vector<1x16xf32>,
          %get3A_276 = vector.shape_cast %get3A_275 : vector<1x16xf32> to vector<16xf32>
          %mul3A_277 = arith.mulf %get3A_272, %get3A_268 : vector<16xf32>
          %add3A_278 = arith.addf %mul3A_277, %get3A_276 : vector<16xf32>
          %swap3A_279 = arith.index_cast %add3A_175 : i32 to index
          %swap3A_280 = arith.index_cast %mul3A_264 : i32 to index
          %swap3A_281 = tpu.vector_load %arg10[%swap3A_279, %swap3A_280] {strides = array<i32>} : memref<32x1024xf32, #tpu.memory_space<vmem>>, vector<1x16xf32>,
          %swap3A_282 = vector.shape_cast %swap3A_281 : vector<1x16xf32> to vector<16xf32>
          %swap3A_283 = vector.shape_cast %add3A_278 : vector<16xf32> to vector<1x16xf32>
          tpu.vector_store %arg10[%swap3A_279, %swap3A_280], %swap3A_283 {strides = array<i32>} : memref<32x1024xf32, #tpu.memory_space<vmem>>, vector<1x16xf32>,
          %scan3A_284 = arith.constant 0 : i32
          %scan3A_285 = arith.constant 2 : i32
          %scan3A_286 = arith.addi %scan3A_238, %scan3A_285 : i32
          %mul3A_287 = arith.constant 16 : i32
          %mul3A_288 = arith.muli %scan3A_286, %mul3A_287 : i32
          %get3A_289 = arith.index_cast %add3A_175 : i32 to index
          %get3A_290 = arith.index_cast %mul3A_288 : i32 to index
          %get3A_291 = tpu.vector_load %arg10[%get3A_289, %get3A_290] {strides = array<i32>} : memref<32x1024xf32, #tpu.memory_space<vmem>>, vector<1x16xf32>,
          %get3A_292 = vector.shape_cast %get3A_291 : vector<1x16xf32> to vector<16xf32>
          %get3A_293 = arith.index_cast %squeeze3A_177 : i32 to index
          %get3A_294 = arith.index_cast %mul3A_288 : i32 to index
          %get3A_295 = tpu.vector_load %arg8[%get3A_293, %get3A_294] {strides = array<i32>} : memref<3x1024xf32, #tpu.memory_space<vmem>>, vector<1x16xf32>,
          %get3A_296 = vector.shape_cast %get3A_295 : vector<1x16xf32> to vector<16xf32>
          %get3A_297 = arith.index_cast %squeeze3A_177 : i32 to index
          %get3A_298 = arith.index_cast %mul3A_288 : i32 to index
          %get3A_299 = tpu.vector_load %arg9[%get3A_297, %get3A_298] {strides = array<i32>} : memref<3x1024xf32, #tpu.memory_space<vmem>>, vector<1x16xf32>,
          %get3A_300 = vector.shape_cast %get3A_299 : vector<1x16xf32> to vector<16xf32>
          %mul3A_301 = arith.mulf %get3A_296, %get3A_292 : vector<16xf32>
          %add3A_302 = arith.addf %mul3A_301, %get3A_300 : vector<16xf32>
          %swap3A_303 = arith.index_cast %add3A_175 : i32 to index
          %swap3A_304 = arith.index_cast %mul3A_288 : i32 to index
          %swap3A_305 = tpu.vector_load %arg10[%swap3A_303, %swap3A_304] {strides = array<i32>} : memref<32x1024xf32, #tpu.memory_space<vmem>>, vector<1x16xf32>,
          %swap3A_306 = vector.shape_cast %swap3A_305 : vector<1x16xf32> to vector<16xf32>
          %swap3A_307 = vector.shape_cast %add3A_302 : vector<16xf32> to vector<1x16xf32>
          tpu.vector_store %arg10[%swap3A_303, %swap3A_304], %swap3A_307 {strides = array<i32>} : memref<32x1024xf32, #tpu.memory_space<vmem>>, vector<1x16xf32>,
          %scan3A_308 = arith.constant 0 : i32
          %scan3A_309 = arith.constant 3 : i32
          %scan3A_310 = arith.addi %scan3A_238, %scan3A_309 : i32
          %mul3A_311 = arith.constant 16 : i32
          %mul3A_312 = arith.muli %scan3A_310, %mul3A_311 : i32
          %get3A_313 = arith.index_cast %add3A_175 : i32 to index
          %get3A_314 = arith.index_cast %mul3A_312 : i32 to index
          %get3A_315 = tpu.vector_load %arg10[%get3A_313, %get3A_314] {strides = array<i32>} : memref<32x1024xf32, #tpu.memory_space<vmem>>, vector<1x16xf32>,
          %get3A_316 = vector.shape_cast %get3A_315 : vector<1x16xf32> to vector<16xf32>
          %get3A_317 = arith.index_cast %squeeze3A_177 : i32 to index
          %get3A_318 = arith.index_cast %mul3A_312 : i32 to index
          %get3A_319 = tpu.vector_load %arg8[%get3A_317, %get3A_318] {strides = array<i32>} : memref<3x1024xf32, #tpu.memory_space<vmem>>, vector<1x16xf32>,
          %get3A_320 = vector.shape_cast %get3A_319 : vector<1x16xf32> to vector<16xf32>
          %get3A_321 = arith.index_cast %squeeze3A_177 : i32 to index
          %get3A_322 = arith.index_cast %mul3A_312 : i32 to index
          %get3A_323 = tpu.vector_load %arg9[%get3A_321, %get3A_322] {strides = array<i32>} : memref<3x1024xf32, #tpu.memory_space<vmem>>, vector<1x16xf32>,
          %get3A_324 = vector.shape_cast %get3A_323 : vector<1x16xf32> to vector<16xf32>
          %mul3A_325 = arith.mulf %get3A_320, %get3A_316 : vector<16xf32>
          %add3A_326 = arith.addf %mul3A_325, %get3A_324 : vector<16xf32>
          %swap3A_327 = arith.index_cast %add3A_175 : i32 to index
          %swap3A_328 = arith.index_cast %mul3A_312 : i32 to index
          %swap3A_329 = tpu.vector_load %arg10[%swap3A_327, %swap3A_328] {strides = array<i32>} : memref<32x1024xf32, #tpu.memory_space<vmem>>, vector<1x16xf32>,
          %swap3A_330 = vector.shape_cast %swap3A_329 : vector<1x16xf32> to vector<16xf32>
          %swap3A_331 = vector.shape_cast %add3A_326 : vector<16xf32> to vector<1x16xf32>
          tpu.vector_store %arg10[%swap3A_327, %swap3A_328], %swap3A_331 {strides = array<i32>} : memref<32x1024xf32, #tpu.memory_space<vmem>>, vector<1x16xf32>,
          %scan3A_332 = arith.constant 0 : i32
          scf.yield %scan3A_332 : i32
        }
        %scan3A_184 = arith.constant 64 : i32
        %mul3A_185 = arith.constant 16 : i32
        %mul3A_186 = arith.muli %scan3A_22, %mul3A_185 : i32
        %add3A_187 = arith.constant 12 : i32
        %add3A_188 = arith.addi %mul3A_186, %add3A_187 : i32
        %slice3A_189 = vector.extract_strided_slice %get3A_30 {offsets = [12], sizes = [1], strides = [1]} : vector<16xi32> to vector<1xi32>
        %squeeze3A_190 = vector.extract %slice3A_189[0] : i32 from vector<1xi32>
        %scan3A_191 = arith.constant 0 : i32
        %scan3A_192 = arith.constant 0 : i32
        %scan3A_193 = arith.constant 64 : i32
        %scan3A_194 = arith.addi %scan3A_192, %scan3A_193 : i32
        %scan3A_195 = arith.constant 4 : i32
        %scan3A_196 = scf.for %scan3A_238 = %scan3A_192 to %scan3A_194 step %scan3A_195 iter_args(%scan3A_239 = %scan3A_191) -> (i32)  : i32 {
          %mul3A_240 = arith.constant 16 : i32
          %mul3A_241 = arith.muli %scan3A_238, %mul3A_240 : i32
          %get3A_242 = arith.index_cast %add3A_188 : i32 to index
          %get3A_243 = arith.index_cast %mul3A_241 : i32 to index
          %get3A_244 = tpu.vector_load %arg10[%get3A_242, %get3A_243] {strides = array<i32>} : memref<32x1024xf32, #tpu.memory_space<vmem>>, vector<1x16xf32>,
          %get3A_245 = vector.shape_cast %get3A_244 : vector<1x16xf32> to vector<16xf32>
          %get3A_246 = arith.index_cast %squeeze3A_190 : i32 to index
          %get3A_247 = arith.index_cast %mul3A_241 : i32 to index
          %get3A_248 = tpu.vector_load %arg8[%get3A_246, %get3A_247] {strides = array<i32>} : memref<3x1024xf32, #tpu.memory_space<vmem>>, vector<1x16xf32>,
          %get3A_249 = vector.shape_cast %get3A_248 : vector<1x16xf32> to vector<16xf32>
          %get3A_250 = arith.index_cast %squeeze3A_190 : i32 to index
          %get3A_251 = arith.index_cast %mul3A_241 : i32 to index
          %get3A_252 = tpu.vector_load %arg9[%get3A_250, %get3A_251] {strides = array<i32>} : memref<3x1024xf32, #tpu.memory_space<vmem>>, vector<1x16xf32>,
          %get3A_253 = vector.shape_cast %get3A_252 : vector<1x16xf32> to vector<16xf32>
          %mul3A_254 = arith.mulf %get3A_249, %get3A_245 : vector<16xf32>
          %add3A_255 = arith.addf %mul3A_254, %get3A_253 : vector<16xf32>
          %swap3A = arith.index_cast %add3A_188 : i32 to index
          %swap3A_256 = arith.index_cast %mul3A_241 : i32 to index
          %swap3A_257 = tpu.vector_load %arg10[%swap3A, %swap3A_256] {strides = array<i32>} : memref<32x1024xf32, #tpu.memory_space<vmem>>, vector<1x16xf32>,
          %swap3A_258 = vector.shape_cast %swap3A_257 : vector<1x16xf32> to vector<16xf32>
          %swap3A_259 = vector.shape_cast %add3A_255 : vector<16xf32> to vector<1x16xf32>
          tpu.vector_store %arg10[%swap3A, %swap3A_256], %swap3A_259 {strides = array<i32>} : memref<32x1024xf32, #tpu.memory_space<vmem>>, vector<1x16xf32>,
          %scan3A_260 = arith.constant 0 : i32
          %scan3A_261 = arith.constant 1 : i32
          %scan3A_262 = arith.addi %scan3A_238, %scan3A_261 : i32
          %mul3A_263 = arith.constant 16 : i32
          %mul3A_264 = arith.muli %scan3A_262, %mul3A_263 : i32
          %get3A_265 = arith.index_cast %add3A_188 : i32 to index
          %get3A_266 = arith.index_cast %mul3A_264 : i32 to index
          %get3A_267 = tpu.vector_load %arg10[%get3A_265, %get3A_266] {strides = array<i32>} : memref<32x1024xf32, #tpu.memory_space<vmem>>, vector<1x16xf32>,
          %get3A_268 = vector.shape_cast %get3A_267 : vector<1x16xf32> to vector<16xf32>
          %get3A_269 = arith.index_cast %squeeze3A_190 : i32 to index
          %get3A_270 = arith.index_cast %mul3A_264 : i32 to index
          %get3A_271 = tpu.vector_load %arg8[%get3A_269, %get3A_270] {strides = array<i32>} : memref<3x1024xf32, #tpu.memory_space<vmem>>, vector<1x16xf32>,
          %get3A_272 = vector.shape_cast %get3A_271 : vector<1x16xf32> to vector<16xf32>
          %get3A_273 = arith.index_cast %squeeze3A_190 : i32 to index
          %get3A_274 = arith.index_cast %mul3A_264 : i32 to index
          %get3A_275 = tpu.vector_load %arg9[%get3A_273, %get3A_274] {strides = array<i32>} : memref<3x1024xf32, #tpu.memory_space<vmem>>, vector<1x16xf32>,
          %get3A_276 = vector.shape_cast %get3A_275 : vector<1x16xf32> to vector<16xf32>
          %mul3A_277 = arith.mulf %get3A_272, %get3A_268 : vector<16xf32>
          %add3A_278 = arith.addf %mul3A_277, %get3A_276 : vector<16xf32>
          %swap3A_279 = arith.index_cast %add3A_188 : i32 to index
          %swap3A_280 = arith.index_cast %mul3A_264 : i32 to index
          %swap3A_281 = tpu.vector_load %arg10[%swap3A_279, %swap3A_280] {strides = array<i32>} : memref<32x1024xf32, #tpu.memory_space<vmem>>, vector<1x16xf32>,
          %swap3A_282 = vector.shape_cast %swap3A_281 : vector<1x16xf32> to vector<16xf32>
          %swap3A_283 = vector.shape_cast %add3A_278 : vector<16xf32> to vector<1x16xf32>
          tpu.vector_store %arg10[%swap3A_279, %swap3A_280], %swap3A_283 {strides = array<i32>} : memref<32x1024xf32, #tpu.memory_space<vmem>>, vector<1x16xf32>,
          %scan3A_284 = arith.constant 0 : i32
          %scan3A_285 = arith.constant 2 : i32
          %scan3A_286 = arith.addi %scan3A_238, %scan3A_285 : i32
          %mul3A_287 = arith.constant 16 : i32
          %mul3A_288 = arith.muli %scan3A_286, %mul3A_287 : i32
          %get3A_289 = arith.index_cast %add3A_188 : i32 to index
          %get3A_290 = arith.index_cast %mul3A_288 : i32 to index
          %get3A_291 = tpu.vector_load %arg10[%get3A_289, %get3A_290] {strides = array<i32>} : memref<32x1024xf32, #tpu.memory_space<vmem>>, vector<1x16xf32>,
          %get3A_292 = vector.shape_cast %get3A_291 : vector<1x16xf32> to vector<16xf32>
          %get3A_293 = arith.index_cast %squeeze3A_190 : i32 to index
          %get3A_294 = arith.index_cast %mul3A_288 : i32 to index
          %get3A_295 = tpu.vector_load %arg8[%get3A_293, %get3A_294] {strides = array<i32>} : memref<3x1024xf32, #tpu.memory_space<vmem>>, vector<1x16xf32>,
          %get3A_296 = vector.shape_cast %get3A_295 : vector<1x16xf32> to vector<16xf32>
          %get3A_297 = arith.index_cast %squeeze3A_190 : i32 to index
          %get3A_298 = arith.index_cast %mul3A_288 : i32 to index
          %get3A_299 = tpu.vector_load %arg9[%get3A_297, %get3A_298] {strides = array<i32>} : memref<3x1024xf32, #tpu.memory_space<vmem>>, vector<1x16xf32>,
          %get3A_300 = vector.shape_cast %get3A_299 : vector<1x16xf32> to vector<16xf32>
          %mul3A_301 = arith.mulf %get3A_296, %get3A_292 : vector<16xf32>
          %add3A_302 = arith.addf %mul3A_301, %get3A_300 : vector<16xf32>
          %swap3A_303 = arith.index_cast %add3A_188 : i32 to index
          %swap3A_304 = arith.index_cast %mul3A_288 : i32 to index
          %swap3A_305 = tpu.vector_load %arg10[%swap3A_303, %swap3A_304] {strides = array<i32>} : memref<32x1024xf32, #tpu.memory_space<vmem>>, vector<1x16xf32>,
          %swap3A_306 = vector.shape_cast %swap3A_305 : vector<1x16xf32> to vector<16xf32>
          %swap3A_307 = vector.shape_cast %add3A_302 : vector<16xf32> to vector<1x16xf32>
          tpu.vector_store %arg10[%swap3A_303, %swap3A_304], %swap3A_307 {strides = array<i32>} : memref<32x1024xf32, #tpu.memory_space<vmem>>, vector<1x16xf32>,
          %scan3A_308 = arith.constant 0 : i32
          %scan3A_309 = arith.constant 3 : i32
          %scan3A_310 = arith.addi %scan3A_238, %scan3A_309 : i32
          %mul3A_311 = arith.constant 16 : i32
          %mul3A_312 = arith.muli %scan3A_310, %mul3A_311 : i32
          %get3A_313 = arith.index_cast %add3A_188 : i32 to index
          %get3A_314 = arith.index_cast %mul3A_312 : i32 to index
          %get3A_315 = tpu.vector_load %arg10[%get3A_313, %get3A_314] {strides = array<i32>} : memref<32x1024xf32, #tpu.memory_space<vmem>>, vector<1x16xf32>,
          %get3A_316 = vector.shape_cast %get3A_315 : vector<1x16xf32> to vector<16xf32>
          %get3A_317 = arith.index_cast %squeeze3A_190 : i32 to index
          %get3A_318 = arith.index_cast %mul3A_312 : i32 to index
          %get3A_319 = tpu.vector_load %arg8[%get3A_317, %get3A_318] {strides = array<i32>} : memref<3x1024xf32, #tpu.memory_space<vmem>>, vector<1x16xf32>,
          %get3A_320 = vector.shape_cast %get3A_319 : vector<1x16xf32> to vector<16xf32>
          %get3A_321 = arith.index_cast %squeeze3A_190 : i32 to index
          %get3A_322 = arith.index_cast %mul3A_312 : i32 to index
          %get3A_323 = tpu.vector_load %arg9[%get3A_321, %get3A_322] {strides = array<i32>} : memref<3x1024xf32, #tpu.memory_space<vmem>>, vector<1x16xf32>,
          %get3A_324 = vector.shape_cast %get3A_323 : vector<1x16xf32> to vector<16xf32>
          %mul3A_325 = arith.mulf %get3A_320, %get3A_316 : vector<16xf32>
          %add3A_326 = arith.addf %mul3A_325, %get3A_324 : vector<16xf32>
          %swap3A_327 = arith.index_cast %add3A_188 : i32 to index
          %swap3A_328 = arith.index_cast %mul3A_312 : i32 to index
          %swap3A_329 = tpu.vector_load %arg10[%swap3A_327, %swap3A_328] {strides = array<i32>} : memref<32x1024xf32, #tpu.memory_space<vmem>>, vector<1x16xf32>,
          %swap3A_330 = vector.shape_cast %swap3A_329 : vector<1x16xf32> to vector<16xf32>
          %swap3A_331 = vector.shape_cast %add3A_326 : vector<16xf32> to vector<1x16xf32>
          tpu.vector_store %arg10[%swap3A_327, %swap3A_328], %swap3A_331 {strides = array<i32>} : memref<32x1024xf32, #tpu.memory_space<vmem>>, vector<1x16xf32>,
          %scan3A_332 = arith.constant 0 : i32
          scf.yield %scan3A_332 : i32
        }
        %scan3A_197 = arith.constant 64 : i32
        %mul3A_198 = arith.constant 16 : i32
        %mul3A_199 = arith.muli %scan3A_22, %mul3A_198 : i32
        %add3A_200 = arith.constant 13 : i32
        %add3A_201 = arith.addi %mul3A_199, %add3A_200 : i32
        %slice3A_202 = vector.extract_strided_slice %get3A_30 {offsets = [13], sizes = [1], strides = [1]} : vector<16xi32> to vector<1xi32>
        %squeeze3A_203 = vector.extract %slice3A_202[0] : i32 from vector<1xi32>
        %scan3A_204 = arith.constant 0 : i32
        %scan3A_205 = arith.constant 0 : i32
        %scan3A_206 = arith.constant 64 : i32
        %scan3A_207 = arith.addi %scan3A_205, %scan3A_206 : i32
        %scan3A_208 = arith.constant 4 : i32
        %scan3A_209 = scf.for %scan3A_238 = %scan3A_205 to %scan3A_207 step %scan3A_208 iter_args(%scan3A_239 = %scan3A_204) -> (i32)  : i32 {
          %mul3A_240 = arith.constant 16 : i32
          %mul3A_241 = arith.muli %scan3A_238, %mul3A_240 : i32
          %get3A_242 = arith.index_cast %add3A_201 : i32 to index
          %get3A_243 = arith.index_cast %mul3A_241 : i32 to index
          %get3A_244 = tpu.vector_load %arg10[%get3A_242, %get3A_243] {strides = array<i32>} : memref<32x1024xf32, #tpu.memory_space<vmem>>, vector<1x16xf32>,
          %get3A_245 = vector.shape_cast %get3A_244 : vector<1x16xf32> to vector<16xf32>
          %get3A_246 = arith.index_cast %squeeze3A_203 : i32 to index
          %get3A_247 = arith.index_cast %mul3A_241 : i32 to index
          %get3A_248 = tpu.vector_load %arg8[%get3A_246, %get3A_247] {strides = array<i32>} : memref<3x1024xf32, #tpu.memory_space<vmem>>, vector<1x16xf32>,
          %get3A_249 = vector.shape_cast %get3A_248 : vector<1x16xf32> to vector<16xf32>
          %get3A_250 = arith.index_cast %squeeze3A_203 : i32 to index
          %get3A_251 = arith.index_cast %mul3A_241 : i32 to index
          %get3A_252 = tpu.vector_load %arg9[%get3A_250, %get3A_251] {strides = array<i32>} : memref<3x1024xf32, #tpu.memory_space<vmem>>, vector<1x16xf32>,
          %get3A_253 = vector.shape_cast %get3A_252 : vector<1x16xf32> to vector<16xf32>
          %mul3A_254 = arith.mulf %get3A_249, %get3A_245 : vector<16xf32>
          %add3A_255 = arith.addf %mul3A_254, %get3A_253 : vector<16xf32>
          %swap3A = arith.index_cast %add3A_201 : i32 to index
          %swap3A_256 = arith.index_cast %mul3A_241 : i32 to index
          %swap3A_257 = tpu.vector_load %arg10[%swap3A, %swap3A_256] {strides = array<i32>} : memref<32x1024xf32, #tpu.memory_space<vmem>>, vector<1x16xf32>,
          %swap3A_258 = vector.shape_cast %swap3A_257 : vector<1x16xf32> to vector<16xf32>
          %swap3A_259 = vector.shape_cast %add3A_255 : vector<16xf32> to vector<1x16xf32>
          tpu.vector_store %arg10[%swap3A, %swap3A_256], %swap3A_259 {strides = array<i32>} : memref<32x1024xf32, #tpu.memory_space<vmem>>, vector<1x16xf32>,
          %scan3A_260 = arith.constant 0 : i32
          %scan3A_261 = arith.constant 1 : i32
          %scan3A_262 = arith.addi %scan3A_238, %scan3A_261 : i32
          %mul3A_263 = arith.constant 16 : i32
          %mul3A_264 = arith.muli %scan3A_262, %mul3A_263 : i32
          %get3A_265 = arith.index_cast %add3A_201 : i32 to index
          %get3A_266 = arith.index_cast %mul3A_264 : i32 to index
          %get3A_267 = tpu.vector_load %arg10[%get3A_265, %get3A_266] {strides = array<i32>} : memref<32x1024xf32, #tpu.memory_space<vmem>>, vector<1x16xf32>,
          %get3A_268 = vector.shape_cast %get3A_267 : vector<1x16xf32> to vector<16xf32>
          %get3A_269 = arith.index_cast %squeeze3A_203 : i32 to index
          %get3A_270 = arith.index_cast %mul3A_264 : i32 to index
          %get3A_271 = tpu.vector_load %arg8[%get3A_269, %get3A_270] {strides = array<i32>} : memref<3x1024xf32, #tpu.memory_space<vmem>>, vector<1x16xf32>,
          %get3A_272 = vector.shape_cast %get3A_271 : vector<1x16xf32> to vector<16xf32>
          %get3A_273 = arith.index_cast %squeeze3A_203 : i32 to index
          %get3A_274 = arith.index_cast %mul3A_264 : i32 to index
          %get3A_275 = tpu.vector_load %arg9[%get3A_273, %get3A_274] {strides = array<i32>} : memref<3x1024xf32, #tpu.memory_space<vmem>>, vector<1x16xf32>,
          %get3A_276 = vector.shape_cast %get3A_275 : vector<1x16xf32> to vector<16xf32>
          %mul3A_277 = arith.mulf %get3A_272, %get3A_268 : vector<16xf32>
          %add3A_278 = arith.addf %mul3A_277, %get3A_276 : vector<16xf32>
          %swap3A_279 = arith.index_cast %add3A_201 : i32 to index
          %swap3A_280 = arith.index_cast %mul3A_264 : i32 to index
          %swap3A_281 = tpu.vector_load %arg10[%swap3A_279, %swap3A_280] {strides = array<i32>} : memref<32x1024xf32, #tpu.memory_space<vmem>>, vector<1x16xf32>,
          %swap3A_282 = vector.shape_cast %swap3A_281 : vector<1x16xf32> to vector<16xf32>
          %swap3A_283 = vector.shape_cast %add3A_278 : vector<16xf32> to vector<1x16xf32>
          tpu.vector_store %arg10[%swap3A_279, %swap3A_280], %swap3A_283 {strides = array<i32>} : memref<32x1024xf32, #tpu.memory_space<vmem>>, vector<1x16xf32>,
          %scan3A_284 = arith.constant 0 : i32
          %scan3A_285 = arith.constant 2 : i32
          %scan3A_286 = arith.addi %scan3A_238, %scan3A_285 : i32
          %mul3A_287 = arith.constant 16 : i32
          %mul3A_288 = arith.muli %scan3A_286, %mul3A_287 : i32
          %get3A_289 = arith.index_cast %add3A_201 : i32 to index
          %get3A_290 = arith.index_cast %mul3A_288 : i32 to index
          %get3A_291 = tpu.vector_load %arg10[%get3A_289, %get3A_290] {strides = array<i32>} : memref<32x1024xf32, #tpu.memory_space<vmem>>, vector<1x16xf32>,
          %get3A_292 = vector.shape_cast %get3A_291 : vector<1x16xf32> to vector<16xf32>
          %get3A_293 = arith.index_cast %squeeze3A_203 : i32 to index
          %get3A_294 = arith.index_cast %mul3A_288 : i32 to index
          %get3A_295 = tpu.vector_load %arg8[%get3A_293, %get3A_294] {strides = array<i32>} : memref<3x1024xf32, #tpu.memory_space<vmem>>, vector<1x16xf32>,
          %get3A_296 = vector.shape_cast %get3A_295 : vector<1x16xf32> to vector<16xf32>
          %get3A_297 = arith.index_cast %squeeze3A_203 : i32 to index
          %get3A_298 = arith.index_cast %mul3A_288 : i32 to index
          %get3A_299 = tpu.vector_load %arg9[%get3A_297, %get3A_298] {strides = array<i32>} : memref<3x1024xf32, #tpu.memory_space<vmem>>, vector<1x16xf32>,
          %get3A_300 = vector.shape_cast %get3A_299 : vector<1x16xf32> to vector<16xf32>
          %mul3A_301 = arith.mulf %get3A_296, %get3A_292 : vector<16xf32>
          %add3A_302 = arith.addf %mul3A_301, %get3A_300 : vector<16xf32>
          %swap3A_303 = arith.index_cast %add3A_201 : i32 to index
          %swap3A_304 = arith.index_cast %mul3A_288 : i32 to index
          %swap3A_305 = tpu.vector_load %arg10[%swap3A_303, %swap3A_304] {strides = array<i32>} : memref<32x1024xf32, #tpu.memory_space<vmem>>, vector<1x16xf32>,
          %swap3A_306 = vector.shape_cast %swap3A_305 : vector<1x16xf32> to vector<16xf32>
          %swap3A_307 = vector.shape_cast %add3A_302 : vector<16xf32> to vector<1x16xf32>
          tpu.vector_store %arg10[%swap3A_303, %swap3A_304], %swap3A_307 {strides = array<i32>} : memref<32x1024xf32, #tpu.memory_space<vmem>>, vector<1x16xf32>,
          %scan3A_308 = arith.constant 0 : i32
          %scan3A_309 = arith.constant 3 : i32
          %scan3A_310 = arith.addi %scan3A_238, %scan3A_309 : i32
          %mul3A_311 = arith.constant 16 : i32
          %mul3A_312 = arith.muli %scan3A_310, %mul3A_311 : i32
          %get3A_313 = arith.index_cast %add3A_201 : i32 to index
          %get3A_314 = arith.index_cast %mul3A_312 : i32 to index
          %get3A_315 = tpu.vector_load %arg10[%get3A_313, %get3A_314] {strides = array<i32>} : memref<32x1024xf32, #tpu.memory_space<vmem>>, vector<1x16xf32>,
          %get3A_316 = vector.shape_cast %get3A_315 : vector<1x16xf32> to vector<16xf32>
          %get3A_317 = arith.index_cast %squeeze3A_203 : i32 to index
          %get3A_318 = arith.index_cast %mul3A_312 : i32 to index
          %get3A_319 = tpu.vector_load %arg8[%get3A_317, %get3A_318] {strides = array<i32>} : memref<3x1024xf32, #tpu.memory_space<vmem>>, vector<1x16xf32>,
          %get3A_320 = vector.shape_cast %get3A_319 : vector<1x16xf32> to vector<16xf32>
          %get3A_321 = arith.index_cast %squeeze3A_203 : i32 to index
          %get3A_322 = arith.index_cast %mul3A_312 : i32 to index
          %get3A_323 = tpu.vector_load %arg9[%get3A_321, %get3A_322] {strides = array<i32>} : memref<3x1024xf32, #tpu.memory_space<vmem>>, vector<1x16xf32>,
          %get3A_324 = vector.shape_cast %get3A_323 : vector<1x16xf32> to vector<16xf32>
          %mul3A_325 = arith.mulf %get3A_320, %get3A_316 : vector<16xf32>
          %add3A_326 = arith.addf %mul3A_325, %get3A_324 : vector<16xf32>
          %swap3A_327 = arith.index_cast %add3A_201 : i32 to index
          %swap3A_328 = arith.index_cast %mul3A_312 : i32 to index
          %swap3A_329 = tpu.vector_load %arg10[%swap3A_327, %swap3A_328] {strides = array<i32>} : memref<32x1024xf32, #tpu.memory_space<vmem>>, vector<1x16xf32>,
          %swap3A_330 = vector.shape_cast %swap3A_329 : vector<1x16xf32> to vector<16xf32>
          %swap3A_331 = vector.shape_cast %add3A_326 : vector<16xf32> to vector<1x16xf32>
          tpu.vector_store %arg10[%swap3A_327, %swap3A_328], %swap3A_331 {strides = array<i32>} : memref<32x1024xf32, #tpu.memory_space<vmem>>, vector<1x16xf32>,
          %scan3A_332 = arith.constant 0 : i32
          scf.yield %scan3A_332 : i32
        }
        %scan3A_210 = arith.constant 64 : i32
        %mul3A_211 = arith.constant 16 : i32
        %mul3A_212 = arith.muli %scan3A_22, %mul3A_211 : i32
        %add3A_213 = arith.constant 14 : i32
        %add3A_214 = arith.addi %mul3A_212, %add3A_213 : i32
        %slice3A_215 = vector.extract_strided_slice %get3A_30 {offsets = [14], sizes = [1], strides = [1]} : vector<16xi32> to vector<1xi32>
        %squeeze3A_216 = vector.extract %slice3A_215[0] : i32 from vector<1xi32>
        %scan3A_217 = arith.constant 0 : i32
        %scan3A_218 = arith.constant 0 : i32
        %scan3A_219 = arith.constant 64 : i32
        %scan3A_220 = arith.addi %scan3A_218, %scan3A_219 : i32
        %scan3A_221 = arith.constant 4 : i32
        %scan3A_222 = scf.for %scan3A_238 = %scan3A_218 to %scan3A_220 step %scan3A_221 iter_args(%scan3A_239 = %scan3A_217) -> (i32)  : i32 {
          %mul3A_240 = arith.constant 16 : i32
          %mul3A_241 = arith.muli %scan3A_238, %mul3A_240 : i32
          %get3A_242 = arith.index_cast %add3A_214 : i32 to index
          %get3A_243 = arith.index_cast %mul3A_241 : i32 to index
          %get3A_244 = tpu.vector_load %arg10[%get3A_242, %get3A_243] {strides = array<i32>} : memref<32x1024xf32, #tpu.memory_space<vmem>>, vector<1x16xf32>,
          %get3A_245 = vector.shape_cast %get3A_244 : vector<1x16xf32> to vector<16xf32>
          %get3A_246 = arith.index_cast %squeeze3A_216 : i32 to index
          %get3A_247 = arith.index_cast %mul3A_241 : i32 to index
          %get3A_248 = tpu.vector_load %arg8[%get3A_246, %get3A_247] {strides = array<i32>} : memref<3x1024xf32, #tpu.memory_space<vmem>>, vector<1x16xf32>,
          %get3A_249 = vector.shape_cast %get3A_248 : vector<1x16xf32> to vector<16xf32>
          %get3A_250 = arith.index_cast %squeeze3A_216 : i32 to index
          %get3A_251 = arith.index_cast %mul3A_241 : i32 to index
          %get3A_252 = tpu.vector_load %arg9[%get3A_250, %get3A_251] {strides = array<i32>} : memref<3x1024xf32, #tpu.memory_space<vmem>>, vector<1x16xf32>,
          %get3A_253 = vector.shape_cast %get3A_252 : vector<1x16xf32> to vector<16xf32>
          %mul3A_254 = arith.mulf %get3A_249, %get3A_245 : vector<16xf32>
          %add3A_255 = arith.addf %mul3A_254, %get3A_253 : vector<16xf32>
          %swap3A = arith.index_cast %add3A_214 : i32 to index
          %swap3A_256 = arith.index_cast %mul3A_241 : i32 to index
          %swap3A_257 = tpu.vector_load %arg10[%swap3A, %swap3A_256] {strides = array<i32>} : memref<32x1024xf32, #tpu.memory_space<vmem>>, vector<1x16xf32>,
          %swap3A_258 = vector.shape_cast %swap3A_257 : vector<1x16xf32> to vector<16xf32>
          %swap3A_259 = vector.shape_cast %add3A_255 : vector<16xf32> to vector<1x16xf32>
          tpu.vector_store %arg10[%swap3A, %swap3A_256], %swap3A_259 {strides = array<i32>} : memref<32x1024xf32, #tpu.memory_space<vmem>>, vector<1x16xf32>,
          %scan3A_260 = arith.constant 0 : i32
          %scan3A_261 = arith.constant 1 : i32
          %scan3A_262 = arith.addi %scan3A_238, %scan3A_261 : i32
          %mul3A_263 = arith.constant 16 : i32
          %mul3A_264 = arith.muli %scan3A_262, %mul3A_263 : i32
          %get3A_265 = arith.index_cast %add3A_214 : i32 to index
          %get3A_266 = arith.index_cast %mul3A_264 : i32 to index
          %get3A_267 = tpu.vector_load %arg10[%get3A_265, %get3A_266] {strides = array<i32>} : memref<32x1024xf32, #tpu.memory_space<vmem>>, vector<1x16xf32>,
          %get3A_268 = vector.shape_cast %get3A_267 : vector<1x16xf32> to vector<16xf32>
          %get3A_269 = arith.index_cast %squeeze3A_216 : i32 to index
          %get3A_270 = arith.index_cast %mul3A_264 : i32 to index
          %get3A_271 = tpu.vector_load %arg8[%get3A_269, %get3A_270] {strides = array<i32>} : memref<3x1024xf32, #tpu.memory_space<vmem>>, vector<1x16xf32>,
          %get3A_272 = vector.shape_cast %get3A_271 : vector<1x16xf32> to vector<16xf32>
          %get3A_273 = arith.index_cast %squeeze3A_216 : i32 to index
          %get3A_274 = arith.index_cast %mul3A_264 : i32 to index
          %get3A_275 = tpu.vector_load %arg9[%get3A_273, %get3A_274] {strides = array<i32>} : memref<3x1024xf32, #tpu.memory_space<vmem>>, vector<1x16xf32>,
          %get3A_276 = vector.shape_cast %get3A_275 : vector<1x16xf32> to vector<16xf32>
          %mul3A_277 = arith.mulf %get3A_272, %get3A_268 : vector<16xf32>
          %add3A_278 = arith.addf %mul3A_277, %get3A_276 : vector<16xf32>
          %swap3A_279 = arith.index_cast %add3A_214 : i32 to index
          %swap3A_280 = arith.index_cast %mul3A_264 : i32 to index
          %swap3A_281 = tpu.vector_load %arg10[%swap3A_279, %swap3A_280] {strides = array<i32>} : memref<32x1024xf32, #tpu.memory_space<vmem>>, vector<1x16xf32>,
          %swap3A_282 = vector.shape_cast %swap3A_281 : vector<1x16xf32> to vector<16xf32>
          %swap3A_283 = vector.shape_cast %add3A_278 : vector<16xf32> to vector<1x16xf32>
          tpu.vector_store %arg10[%swap3A_279, %swap3A_280], %swap3A_283 {strides = array<i32>} : memref<32x1024xf32, #tpu.memory_space<vmem>>, vector<1x16xf32>,
          %scan3A_284 = arith.constant 0 : i32
          %scan3A_285 = arith.constant 2 : i32
          %scan3A_286 = arith.addi %scan3A_238, %scan3A_285 : i32
          %mul3A_287 = arith.constant 16 : i32
          %mul3A_288 = arith.muli %scan3A_286, %mul3A_287 : i32
          %get3A_289 = arith.index_cast %add3A_214 : i32 to index
          %get3A_290 = arith.index_cast %mul3A_288 : i32 to index
          %get3A_291 = tpu.vector_load %arg10[%get3A_289, %get3A_290] {strides = array<i32>} : memref<32x1024xf32, #tpu.memory_space<vmem>>, vector<1x16xf32>,
          %get3A_292 = vector.shape_cast %get3A_291 : vector<1x16xf32> to vector<16xf32>
          %get3A_293 = arith.index_cast %squeeze3A_216 : i32 to index
          %get3A_294 = arith.index_cast %mul3A_288 : i32 to index
          %get3A_295 = tpu.vector_load %arg8[%get3A_293, %get3A_294] {strides = array<i32>} : memref<3x1024xf32, #tpu.memory_space<vmem>>, vector<1x16xf32>,
          %get3A_296 = vector.shape_cast %get3A_295 : vector<1x16xf32> to vector<16xf32>
          %get3A_297 = arith.index_cast %squeeze3A_216 : i32 to index
          %get3A_298 = arith.index_cast %mul3A_288 : i32 to index
          %get3A_299 = tpu.vector_load %arg9[%get3A_297, %get3A_298] {strides = array<i32>} : memref<3x1024xf32, #tpu.memory_space<vmem>>, vector<1x16xf32>,
          %get3A_300 = vector.shape_cast %get3A_299 : vector<1x16xf32> to vector<16xf32>
          %mul3A_301 = arith.mulf %get3A_296, %get3A_292 : vector<16xf32>
          %add3A_302 = arith.addf %mul3A_301, %get3A_300 : vector<16xf32>
          %swap3A_303 = arith.index_cast %add3A_214 : i32 to index
          %swap3A_304 = arith.index_cast %mul3A_288 : i32 to index
          %swap3A_305 = tpu.vector_load %arg10[%swap3A_303, %swap3A_304] {strides = array<i32>} : memref<32x1024xf32, #tpu.memory_space<vmem>>, vector<1x16xf32>,
          %swap3A_306 = vector.shape_cast %swap3A_305 : vector<1x16xf32> to vector<16xf32>
          %swap3A_307 = vector.shape_cast %add3A_302 : vector<16xf32> to vector<1x16xf32>
          tpu.vector_store %arg10[%swap3A_303, %swap3A_304], %swap3A_307 {strides = array<i32>} : memref<32x1024xf32, #tpu.memory_space<vmem>>, vector<1x16xf32>,
          %scan3A_308 = arith.constant 0 : i32
          %scan3A_309 = arith.constant 3 : i32
          %scan3A_310 = arith.addi %scan3A_238, %scan3A_309 : i32
          %mul3A_311 = arith.constant 16 : i32
          %mul3A_312 = arith.muli %scan3A_310, %mul3A_311 : i32
          %get3A_313 = arith.index_cast %add3A_214 : i32 to index
          %get3A_314 = arith.index_cast %mul3A_312 : i32 to index
          %get3A_315 = tpu.vector_load %arg10[%get3A_313, %get3A_314] {strides = array<i32>} : memref<32x1024xf32, #tpu.memory_space<vmem>>, vector<1x16xf32>,
          %get3A_316 = vector.shape_cast %get3A_315 : vector<1x16xf32> to vector<16xf32>
          %get3A_317 = arith.index_cast %squeeze3A_216 : i32 to index
          %get3A_318 = arith.index_cast %mul3A_312 : i32 to index
          %get3A_319 = tpu.vector_load %arg8[%get3A_317, %get3A_318] {strides = array<i32>} : memref<3x1024xf32, #tpu.memory_space<vmem>>, vector<1x16xf32>,
          %get3A_320 = vector.shape_cast %get3A_319 : vector<1x16xf32> to vector<16xf32>
          %get3A_321 = arith.index_cast %squeeze3A_216 : i32 to index
          %get3A_322 = arith.index_cast %mul3A_312 : i32 to index
          %get3A_323 = tpu.vector_load %arg9[%get3A_321, %get3A_322] {strides = array<i32>} : memref<3x1024xf32, #tpu.memory_space<vmem>>, vector<1x16xf32>,
          %get3A_324 = vector.shape_cast %get3A_323 : vector<1x16xf32> to vector<16xf32>
          %mul3A_325 = arith.mulf %get3A_320, %get3A_316 : vector<16xf32>
          %add3A_326 = arith.addf %mul3A_325, %get3A_324 : vector<16xf32>
          %swap3A_327 = arith.index_cast %add3A_214 : i32 to index
          %swap3A_328 = arith.index_cast %mul3A_312 : i32 to index
          %swap3A_329 = tpu.vector_load %arg10[%swap3A_327, %swap3A_328] {strides = array<i32>} : memref<32x1024xf32, #tpu.memory_space<vmem>>, vector<1x16xf32>,
          %swap3A_330 = vector.shape_cast %swap3A_329 : vector<1x16xf32> to vector<16xf32>
          %swap3A_331 = vector.shape_cast %add3A_326 : vector<16xf32> to vector<1x16xf32>
          tpu.vector_store %arg10[%swap3A_327, %swap3A_328], %swap3A_331 {strides = array<i32>} : memref<32x1024xf32, #tpu.memory_space<vmem>>, vector<1x16xf32>,
          %scan3A_332 = arith.constant 0 : i32
          scf.yield %scan3A_332 : i32
        }
        %scan3A_223 = arith.constant 64 : i32
        %mul3A_224 = arith.constant 16 : i32
        %mul3A_225 = arith.muli %scan3A_22, %mul3A_224 : i32
        %add3A_226 = arith.constant 15 : i32
        %add3A_227 = arith.addi %mul3A_225, %add3A_226 : i32
        %slice3A_228 = vector.extract_strided_slice %get3A_30 {offsets = [15], sizes = [1], strides = [1]} : vector<16xi32> to vector<1xi32>
        %squeeze3A_229 = vector.extract %slice3A_228[0] : i32 from vector<1xi32>
        %scan3A_230 = arith.constant 0 : i32
        %scan3A_231 = arith.constant 0 : i32
        %scan3A_232 = arith.constant 64 : i32
        %scan3A_233 = arith.addi %scan3A_231, %scan3A_232 : i32
        %scan3A_234 = arith.constant 4 : i32
        %scan3A_235 = scf.for %scan3A_238 = %scan3A_231 to %scan3A_233 step %scan3A_234 iter_args(%scan3A_239 = %scan3A_230) -> (i32)  : i32 {
          %mul3A_240 = arith.constant 16 : i32
          %mul3A_241 = arith.muli %scan3A_238, %mul3A_240 : i32
          %get3A_242 = arith.index_cast %add3A_227 : i32 to index
          %get3A_243 = arith.index_cast %mul3A_241 : i32 to index
          %get3A_244 = tpu.vector_load %arg10[%get3A_242, %get3A_243] {strides = array<i32>} : memref<32x1024xf32, #tpu.memory_space<vmem>>, vector<1x16xf32>,
          %get3A_245 = vector.shape_cast %get3A_244 : vector<1x16xf32> to vector<16xf32>
          %get3A_246 = arith.index_cast %squeeze3A_229 : i32 to index
          %get3A_247 = arith.index_cast %mul3A_241 : i32 to index
          %get3A_248 = tpu.vector_load %arg8[%get3A_246, %get3A_247] {strides = array<i32>} : memref<3x1024xf32, #tpu.memory_space<vmem>>, vector<1x16xf32>,
          %get3A_249 = vector.shape_cast %get3A_248 : vector<1x16xf32> to vector<16xf32>
          %get3A_250 = arith.index_cast %squeeze3A_229 : i32 to index
          %get3A_251 = arith.index_cast %mul3A_241 : i32 to index
          %get3A_252 = tpu.vector_load %arg9[%get3A_250, %get3A_251] {strides = array<i32>} : memref<3x1024xf32, #tpu.memory_space<vmem>>, vector<1x16xf32>,
          %get3A_253 = vector.shape_cast %get3A_252 : vector<1x16xf32> to vector<16xf32>
          %mul3A_254 = arith.mulf %get3A_249, %get3A_245 : vector<16xf32>
          %add3A_255 = arith.addf %mul3A_254, %get3A_253 : vector<16xf32>
          %swap3A = arith.index_cast %add3A_227 : i32 to index
          %swap3A_256 = arith.index_cast %mul3A_241 : i32 to index
          %swap3A_257 = tpu.vector_load %arg10[%swap3A, %swap3A_256] {strides = array<i32>} : memref<32x1024xf32, #tpu.memory_space<vmem>>, vector<1x16xf32>,
          %swap3A_258 = vector.shape_cast %swap3A_257 : vector<1x16xf32> to vector<16xf32>
          %swap3A_259 = vector.shape_cast %add3A_255 : vector<16xf32> to vector<1x16xf32>
          tpu.vector_store %arg10[%swap3A, %swap3A_256], %swap3A_259 {strides = array<i32>} : memref<32x1024xf32, #tpu.memory_space<vmem>>, vector<1x16xf32>,
          %scan3A_260 = arith.constant 0 : i32
          %scan3A_261 = arith.constant 1 : i32
          %scan3A_262 = arith.addi %scan3A_238, %scan3A_261 : i32
          %mul3A_263 = arith.constant 16 : i32
          %mul3A_264 = arith.muli %scan3A_262, %mul3A_263 : i32
          %get3A_265 = arith.index_cast %add3A_227 : i32 to index
          %get3A_266 = arith.index_cast %mul3A_264 : i32 to index
          %get3A_267 = tpu.vector_load %arg10[%get3A_265, %get3A_266] {strides = array<i32>} : memref<32x1024xf32, #tpu.memory_space<vmem>>, vector<1x16xf32>,
          %get3A_268 = vector.shape_cast %get3A_267 : vector<1x16xf32> to vector<16xf32>
          %get3A_269 = arith.index_cast %squeeze3A_229 : i32 to index
          %get3A_270 = arith.index_cast %mul3A_264 : i32 to index
          %get3A_271 = tpu.vector_load %arg8[%get3A_269, %get3A_270] {strides = array<i32>} : memref<3x1024xf32, #tpu.memory_space<vmem>>, vector<1x16xf32>,
          %get3A_272 = vector.shape_cast %get3A_271 : vector<1x16xf32> to vector<16xf32>
          %get3A_273 = arith.index_cast %squeeze3A_229 : i32 to index
          %get3A_274 = arith.index_cast %mul3A_264 : i32 to index
          %get3A_275 = tpu.vector_load %arg9[%get3A_273, %get3A_274] {strides = array<i32>} : memref<3x1024xf32, #tpu.memory_space<vmem>>, vector<1x16xf32>,
          %get3A_276 = vector.shape_cast %get3A_275 : vector<1x16xf32> to vector<16xf32>
          %mul3A_277 = arith.mulf %get3A_272, %get3A_268 : vector<16xf32>
          %add3A_278 = arith.addf %mul3A_277, %get3A_276 : vector<16xf32>
          %swap3A_279 = arith.index_cast %add3A_227 : i32 to index
          %swap3A_280 = arith.index_cast %mul3A_264 : i32 to index
          %swap3A_281 = tpu.vector_load %arg10[%swap3A_279, %swap3A_280] {strides = array<i32>} : memref<32x1024xf32, #tpu.memory_space<vmem>>, vector<1x16xf32>,
          %swap3A_282 = vector.shape_cast %swap3A_281 : vector<1x16xf32> to vector<16xf32>
          %swap3A_283 = vector.shape_cast %add3A_278 : vector<16xf32> to vector<1x16xf32>
          tpu.vector_store %arg10[%swap3A_279, %swap3A_280], %swap3A_283 {strides = array<i32>} : memref<32x1024xf32, #tpu.memory_space<vmem>>, vector<1x16xf32>,
          %scan3A_284 = arith.constant 0 : i32
          %scan3A_285 = arith.constant 2 : i32
          %scan3A_286 = arith.addi %scan3A_238, %scan3A_285 : i32
          %mul3A_287 = arith.constant 16 : i32
          %mul3A_288 = arith.muli %scan3A_286, %mul3A_287 : i32
          %get3A_289 = arith.index_cast %add3A_227 : i32 to index
          %get3A_290 = arith.index_cast %mul3A_288 : i32 to index
          %get3A_291 = tpu.vector_load %arg10[%get3A_289, %get3A_290] {strides = array<i32>} : memref<32x1024xf32, #tpu.memory_space<vmem>>, vector<1x16xf32>,
          %get3A_292 = vector.shape_cast %get3A_291 : vector<1x16xf32> to vector<16xf32>
          %get3A_293 = arith.index_cast %squeeze3A_229 : i32 to index
          %get3A_294 = arith.index_cast %mul3A_288 : i32 to index
          %get3A_295 = tpu.vector_load %arg8[%get3A_293, %get3A_294] {strides = array<i32>} : memref<3x1024xf32, #tpu.memory_space<vmem>>, vector<1x16xf32>,
          %get3A_296 = vector.shape_cast %get3A_295 : vector<1x16xf32> to vector<16xf32>
          %get3A_297 = arith.index_cast %squeeze3A_229 : i32 to index
          %get3A_298 = arith.index_cast %mul3A_288 : i32 to index
          %get3A_299 = tpu.vector_load %arg9[%get3A_297, %get3A_298] {strides = array<i32>} : memref<3x1024xf32, #tpu.memory_space<vmem>>, vector<1x16xf32>,
          %get3A_300 = vector.shape_cast %get3A_299 : vector<1x16xf32> to vector<16xf32>
          %mul3A_301 = arith.mulf %get3A_296, %get3A_292 : vector<16xf32>
          %add3A_302 = arith.addf %mul3A_301, %get3A_300 : vector<16xf32>
          %swap3A_303 = arith.index_cast %add3A_227 : i32 to index
          %swap3A_304 = arith.index_cast %mul3A_288 : i32 to index
          %swap3A_305 = tpu.vector_load %arg10[%swap3A_303, %swap3A_304] {strides = array<i32>} : memref<32x1024xf32, #tpu.memory_space<vmem>>, vector<1x16xf32>,
          %swap3A_306 = vector.shape_cast %swap3A_305 : vector<1x16xf32> to vector<16xf32>
          %swap3A_307 = vector.shape_cast %add3A_302 : vector<16xf32> to vector<1x16xf32>
          tpu.vector_store %arg10[%swap3A_303, %swap3A_304], %swap3A_307 {strides = array<i32>} : memref<32x1024xf32, #tpu.memory_space<vmem>>, vector<1x16xf32>,
          %scan3A_308 = arith.constant 0 : i32
          %scan3A_309 = arith.constant 3 : i32
          %scan3A_310 = arith.addi %scan3A_238, %scan3A_309 : i32
          %mul3A_311 = arith.constant 16 : i32
          %mul3A_312 = arith.muli %scan3A_310, %mul3A_311 : i32
          %get3A_313 = arith.index_cast %add3A_227 : i32 to index
          %get3A_314 = arith.index_cast %mul3A_312 : i32 to index
          %get3A_315 = tpu.vector_load %arg10[%get3A_313, %get3A_314] {strides = array<i32>} : memref<32x1024xf32, #tpu.memory_space<vmem>>, vector<1x16xf32>,
          %get3A_316 = vector.shape_cast %get3A_315 : vector<1x16xf32> to vector<16xf32>
          %get3A_317 = arith.index_cast %squeeze3A_229 : i32 to index
          %get3A_318 = arith.index_cast %mul3A_312 : i32 to index
          %get3A_319 = tpu.vector_load %arg8[%get3A_317, %get3A_318] {strides = array<i32>} : memref<3x1024xf32, #tpu.memory_space<vmem>>, vector<1x16xf32>,
          %get3A_320 = vector.shape_cast %get3A_319 : vector<1x16xf32> to vector<16xf32>
          %get3A_321 = arith.index_cast %squeeze3A_229 : i32 to index
          %get3A_322 = arith.index_cast %mul3A_312 : i32 to index
          %get3A_323 = tpu.vector_load %arg9[%get3A_321, %get3A_322] {strides = array<i32>} : memref<3x1024xf32, #tpu.memory_space<vmem>>, vector<1x16xf32>,
          %get3A_324 = vector.shape_cast %get3A_323 : vector<1x16xf32> to vector<16xf32>
          %mul3A_325 = arith.mulf %get3A_320, %get3A_316 : vector<16xf32>
          %add3A_326 = arith.addf %mul3A_325, %get3A_324 : vector<16xf32>
          %swap3A_327 = arith.index_cast %add3A_227 : i32 to index
          %swap3A_328 = arith.index_cast %mul3A_312 : i32 to index
          %swap3A_329 = tpu.vector_load %arg10[%swap3A_327, %swap3A_328] {strides = array<i32>} : memref<32x1024xf32, #tpu.memory_space<vmem>>, vector<1x16xf32>,
          %swap3A_330 = vector.shape_cast %swap3A_329 : vector<1x16xf32> to vector<16xf32>
          %swap3A_331 = vector.shape_cast %add3A_326 : vector<16xf32> to vector<1x16xf32>
          tpu.vector_store %arg10[%swap3A_327, %swap3A_328], %swap3A_331 {strides = array<i32>} : memref<32x1024xf32, #tpu.memory_space<vmem>>, vector<1x16xf32>,
          %scan3A_332 = arith.constant 0 : i32
          scf.yield %scan3A_332 : i32
        }
        %scan3A_236 = arith.constant 64 : i32
        %scan3A_237 = arith.constant 0 : i32
        scf.yield %scan3A_237 : i32
      }
      %scan3A_20 = arith.constant 2 : i32
      "tpu.region"() ({
        %run_scoped3A = tpu.sem_alloc : memref<!tpu.dma_semaphore, #tpu.memory_space<semaphore_mem>>
        %dma_start3A = arith.constant 0 : i32
        %dma_start3A_22 = tpu.memref_slice %arg6[%add3A_13, %dma_start3A] : memref<16384x1024xf32, #tpu.memory_space<hbm>> -> memref<32x1024xf32, #tpu.memory_space<hbm>>
        %dma_start3A_23 = arith.constant 0 : i32
        %dma_start3A_24 = tpu.memref_slice %arg6[%add3A_13, %dma_start3A_23] : memref<16384x1024xf32, #tpu.memory_space<hbm>> -> memref<32x1024xf32, #tpu.memory_space<hbm>>
        tpu.enqueue_dma source(%arg10 : memref<32x1024xf32, #tpu.memory_space<vmem>>) target(%dma_start3A_24 : memref<32x1024xf32, #tpu.memory_space<hbm>>) target_semaphore(%run_scoped3A : memref<!tpu.dma_semaphore, #tpu.memory_space<semaphore_mem>>)
        %dma_wait3A = arith.constant 0 : i32
        %dma_wait3A_25 = tpu.memref_slice %arg6[%add3A_13, %dma_wait3A] : memref<16384x1024xf32, #tpu.memory_space<hbm>> -> memref<32x1024xf32, #tpu.memory_space<hbm>>
        %dma_wait3A_26 = arith.constant 0 : i32
        %dma_wait3A_27 = tpu.memref_slice %arg6[%add3A_13, %dma_wait3A_26] : memref<16384x1024xf32, #tpu.memory_space<hbm>> -> memref<32x1024xf32, #tpu.memory_space<hbm>>
        tpu.wait_dma2 semaphore(%run_scoped3A : memref<!tpu.dma_semaphore, #tpu.memory_space<semaphore_mem>>) src(%arg10 : memref<32x1024xf32, #tpu.memory_space<vmem>>) dst(%dma_wait3A_27 : memref<32x1024xf32, #tpu.memory_space<hbm>>)
        tpu.yield
      }) : () -> ()
      %scan3A_21 = arith.constant 0 : i32
      scf.yield %scan3A_21 : i32
    }
    %scan3A_8 = arith.constant 16 : i32
    return
  }
}

</mosaic_0001>

<sc_bundles>
// kernel: kernel.3.cloned.1.call-start
scs
__scs_entry_jumppad:
0x0: {  	(pc) =	sbr.rel $0x88, $3  }
0x1: {  	(tag) =	ssettag $0x0;
	lr =	simm.s32 $0x1  }
0x2: {  	[smem:$0x3F9D] =	sst lr;
	_ =	strace $0xD0000000  }
0x3: {  	_ = 	snop  }
0x4: {  	_ = 	snop  }
0x5: {  	_ = 	snop  }
0x6: {  	_ = 	snop  }
0x7: {  	_ = 	snop  }
__scs_overlays_trampoline_lowered:
0x8: {  	[smem:$0x3FAC] =	sst s0  }
0x9: {  	[smem:$0x3FAD] =	sst s1  }
0xa: {  	[smem:$0x3FAE] =	sst s2  }
0xb: {  	[smem:$0x3FAF] =	sst s3  }
0xc: {  	[smem:$0x3FB0] =	sst s4  }
0xd: {  	[smem:$0x3FB1] =	sst s5  }
0xe: {  	[smem:$0x3FB2] =	sst s6  }
0xf: {  	[smem:$0x3FB3] =	sst s7  }
0x10: {  	[smem:$0x3FB4] =	sst s8  }
0x11: {  	[smem:$0x3FB5] =	sst s9;
	s0 =	simm.s32 @!p0 $0x0  }
0x12: {  	s1 =	sld [smem:$0x3F9B];
	s0 =	simm.s32 @p0 $0x1  }
0x13: {  	[smem:$0x3FB6] =	sst s0;
	s0 =	simm.s32 @!p1 $0x0  }
0x14: {  	s2 =	sld [smem:$0x3F9A];
	s0 =	simm.s32 @p1 $0x1  }
0x15: {  	[smem:$0x3FB7] =	sst s0;
	s0 =	simm.s32 @!p2 $0x0  }
0x16: {  	s3 =	sld [smem:$0x3FDB];
	s0 =	simm.s32 @p2 $0x1  }
0x17: {  	s4 =	simm.s32 $0x1BF5;
	[smem:$0x3FB9] =	sst s0  }
0x18: {  	s0 =	sld [smem:$0x3F9C];
	_ =	swait.ge [sflag:s4], $0x0  }
0x19: {  	s7 =	sld [smem:$0x3F9D]  }
0x1a: {  	s8 =	sadd.s32 $0xFFFFE003, lr  }
0x1b: {  	s9 =	sadd.s32 $0xFFFFFEF7, lr;
	s5 =	simm.s32 $0xFFFFFFFF;
	p2 =	slt.u32 s8, $0xFFFFF086  }
0x1c: {  	p1 =	slt.u32 s9, $0xF7A;
	s5 =	simm.s32 @!p2 $0x0  }
0x1d: {  	s5 =	simm.s32 @p1 $0x1;
	p0 =	seq.s32 s7, s2  }
0x1e: {  	s7 =	smul.u32 @!p0 $0xF7A, s2;
	p2 =	seq.s32 @!p0 s5, $0x0  }
0x1f: {  	s9 =	smul.u32 $0xF7A, s1;
	s8 =	simm.s32 @!p0 $0x1BF5;
	p2 =	por !p2, p0  }
0x20: {  	[sflag:s8] =	ssyncset.s32 @!p0 $0xFFFFF086;
	s6 =	sadd.s32 @!p0 s3, s7;
	s7 =	simm.s32 @!p0 $0x108  }
0x21: {  	s3 =	sadd.s32 s3, s9;
	s6 =	sadd.s32 @!p0 $0x88, s6;
	s7 =	simm.s32 @p2 $0x1082  }
0x22: {  	[simem:s7], [sflag:s8] =	dma.local @!p0 [hbm:s6], $0xF7A  }
0x23: {  	s9 =	sor.u32 $0xD0000000, s2;
	s6 =	simm.s32 $0x108;
	_ =	swait.ge @!p0 [sflag:s8], $0x0  }
0x24: {  	s3 =	sadd.s32 $0x88, s3;
	s6 =	simm.s32 @!p1 $0x1082;
	[sflag:s4] =	ssyncset.s32 $0xFFFFF086  }
0x25: {  	[simem:s6], [sflag:s4] =	dma.local [hbm:s3], $0xF7A  }
0x26: {  	[smem:$0x3F9D] =	sst s1;
	(tag) =	ssettag s2;
	_ =	strace s9  }
0x27: {  	s1 =	sld [smem:$0x3FAD]  }
0x28: {  	s2 =	sld [smem:$0x3FAE]  }
0x29: {  	s4 =	sld [smem:$0x3FB0]  }
0x2a: {  	p0 =	seq.s32 s5, $0x0;
	s5 =	sld [smem:$0x3FB1]  }
0x2b: {  	s6 =	sld [smem:$0x3FB2]  }
0x2c: {  	s7 =	sld [smem:$0x3FB3]  }
0x2d: {  	s3 =	simm.s32 $0x108;
	s8 =	sld [smem:$0x3FB4]  }
0x2e: {  	s3 =	simm.s32 @!p0 $0x1082;
	s9 =	sld [smem:$0x3FB5]  }
0x2f: {  	lr =	sadd.s32 s0, s3;
	s0 =	sld [smem:$0x3FAC]  }
0x30: {  	s3 =	sld [smem:$0x3FAF]  }
0x31: {  	[smem:$0x3FB8] =	sst s10  }
0x32: {  	s10 =	sld [smem:$0x3FB6];
	_ =	sdelay $0x3  }
0x33: {  	p0 =	seq.s32 s10, $0x1;
	s10 =	sld [smem:$0x3FB8];
	_ =	sdelay $0x3  }
0x34: {  	[smem:$0x3FB8] =	sst s10  }
0x35: {  	s10 =	sld [smem:$0x3FB7];
	_ =	sdelay $0x3  }
0x36: {  	p1 =	seq.s32 s10, $0x1;
	s10 =	sld [smem:$0x3FB8];
	_ =	sdelay $0x3  }
0x37: {  	[smem:$0x3FB8] =	sst s10  }
0x38: {  	s10 =	sld [smem:$0x3FB9]  }
0x39: {  	_ = 	snop;
	(pc) =	sbr.ind lr, $3  }
0x3a: {  	_ = 	snop  }
0x3b: {  	_ = 	snop  }
0x3c: {  	p2 =	seq.s32 s10, $0x1;
	s10 =	sld [smem:$0x3FB8]  }
0x3d: {  	_ =	shalt  }
0x3e: {  	_ =	shalt  }
0x3f: {  	_ =	shalt  }
0x40: {  	_ =	shalt  }
0x41: {  	_ =	shalt  }
0x42: {  	_ =	shalt  }
0x43: {  	_ =	shalt  }
0x44: {  	_ =	shalt  }
0x45: {  	_ =	shalt  }
0x46: {  	_ =	shalt  }
0x47: {  	_ =	shalt  }
0x48: {  	_ =	shalt  }
0x49: {  	_ =	shalt  }
0x4a: {  	_ =	shalt  }
0x4b: {  	_ =	shalt  }
0x4c: {  	_ =	shalt  }
0x4d: {  	_ =	shalt  }
0x4e: {  	_ =	shalt  }
0x4f: {  	_ =	shalt  }
0x50: {  	_ =	shalt  }
0x51: {  	_ =	shalt  }
0x52: {  	_ =	shalt  }
0x53: {  	_ =	shalt  }
0x54: {  	_ =	shalt  }
0x55: {  	_ =	shalt  }
0x56: {  	_ =	shalt  }
0x57: {  	_ =	shalt  }
0x58: {  	_ =	shalt  }
0x59: {  	_ =	shalt  }
0x5a: {  	_ =	shalt  }
0x5b: {  	_ =	shalt  }
0x5c: {  	_ =	shalt  }
0x5d: {  	_ =	shalt  }
0x5e: {  	_ =	shalt  }
0x5f: {  	_ =	shalt  }
0x60: {  	_ =	shalt  }
0x61: {  	_ =	shalt  }
0x62: {  	_ =	shalt  }
0x63: {  	_ =	shalt  }
0x64: {  	_ =	shalt  }
0x65: {  	_ =	shalt  }
0x66: {  	_ =	shalt  }
0x67: {  	_ =	shalt  }
0x68: {  	_ =	shalt  }
0x69: {  	_ =	shalt  }
0x6a: {  	_ =	shalt  }
0x6b: {  	_ =	shalt  }
0x6c: {  	_ =	shalt  }
0x6d: {  	_ =	shalt  }
0x6e: {  	_ =	shalt  }
0x6f: {  	_ =	shalt  }
0x70: {  	_ =	shalt  }
0x71: {  	_ =	shalt  }
0x72: {  	_ =	shalt  }
0x73: {  	_ =	shalt  }
0x74: {  	_ =	shalt  }
0x75: {  	_ =	shalt  }
0x76: {  	_ =	shalt  }
0x77: {  	_ =	shalt  }
0x78: {  	_ =	shalt  }
0x79: {  	_ =	shalt  }
0x7a: {  	_ =	shalt  }
0x7b: {  	_ =	shalt  }
0x7c: {  	_ =	shalt  }
0x7d: {  	_ =	shalt  }
0x7e: {  	_ =	shalt  }
0x7f: {  	_ =	shalt  }
0x80: {  	_ =	shalt  }
0x81: {  	_ =	shalt  }
0x82: {  	_ =	shalt  }
0x83: {  	_ =	shalt  }
0x84: {  	_ =	shalt  }
0x85: {  	_ =	shalt  }
0x86: {  	_ =	shalt  }
0x87: {  	_ =	shalt  }
.Lfunc_end0:
.L_simem_size_0:
called_computation_lowered:
.L_overlay_start_0:
0x88: {  	s2 =	sld [smem:$0x3FD9]  }
0x89: {  	s3 =	sld [smem:$0x3FFE];
	_ =	sdelay $0x1  }
0x8a: {  	s1 =	srdreg.scid  }
0x8b: {  	s0 =	sand.u32 $0x1, s1  }
0x8c: {  	s18 =	sshll.u32 s0, $0xA;
	s2 =	sadd.s32 s3, s2  }
0x8d: {  	s2 =	sadd.s32 s2, s18  }
0x8e: {  	[smem:$0x3FC4] =	sst s2  }
0x8f: {  	_ = 	snop  }
0x90: {  	s2 =	sld [smem:$0x3FC9]  }
0x91: {  	s19 =	sld [smem:$0x3FC8]  }
0x92: {  	s4 =	sld [smem:$0x3FC7]  }
0x93: {  	s5 =	sld [smem:$0x3FC6]  }
0x94: {  	s6 =	sld [smem:$0x3FD0];
	(tm) =	ssettm $0x1  }
0x95: {  	s7 =	sld [smem:$0x3FFB];
	_ =	sdelay $0x3  }
0x96: {  	_ =	strace s7  }
0x97: {  	s7 =	sld [smem:$0x3FFC];
	_ =	sdelay $0x3  }
0x98: {  	_ =	strace s7  }
0x99: {  	s7 =	sld [smem:$0x3FFD];
	_ =	sdelay $0x3  }
0x9a: {  	_ =	strace s7  }
0x9b: {  	_ =	strace $0x8FFFFFFF  }
0x9c: {  	s20 =	sld [smem:$0x3FDB];
	_ =	sdelay $0x1  }
0x9d: {  	s8 =	simm.s32 $_scs_section_size  }
0x9e: {  	s9 =	simm.s32 $_size__tile_overlayer_lowered;
	s10 =	simm.s32 $_tile_overlayer_lowered  }
0x9f: {  	s23 =	simm.s32 $0x1BFF;
	s22 =	sshll.u32 s10, $0x1;
	s7 =	sadd.s32 s8, s20  }
0xa0: {  	s11 =	simm.s32 $0x0;
	s21 =	sshll.u32 s9, $0x1;
	s9 =	sadd.s32 s22, s7  }
0xa1: {  	[timem:s11], [sflag:s23] =	dma.local [hbm:s9], s21  }
0xa2: {  	_ =	swait.ge [sflag:s23], s21  }
0xa3: {  	s8 =	ssub.s32 $0x0, s21;
	[sflag:s23] =	ssyncset.done $0x0  }
0xa4: {  	[sflag:s23] =	ssyncadd.s32 s8;
	_ =	sdelay $0x1  }
0xa5: {  	s24 =	simm.s32 $0x1B8B  }
0xa6: {  	_ =	swait.ge [sflag:s24], $0x1  }
0xa7: {  	[sflag:s24] =	ssyncset.done $0x0  }
0xa8: {  	s25 =	simm.s32 $0x1B8E;
	[sflag:s24] =	ssyncadd.s32 $0xFFFFFFFF  }
0xa9: {  	s26 =	simm.s32 $execute0_lowered;
	[smem:$0x3FD2] =	sst s25  }
0xaa: {  	s8 =	sshll.u32 s26, $0x1;
	_ =	strace $0x80000046;
	[dreg:$0x1] =	wrdreg $0xFFFFFFFF  }
0xab: {  	s28 =	simm.s32 $_size_execute0_lowered;
	s7 =	sadd.s32 s7, s8;
	[dreg:$0x0] =	wrdreg $0x0  }
0xac: {  	s8 =	sshll.u32 s28, $0x1;
	[dreg:$0x2] =	wrdreg s7  }
0xad: {  	[dreg:$0x3] =	wrdreg s8  }
0xae: {  	[dreg:$0x4] =	wrdreg $0xC0  }
0xaf: {  	_ =	task [dreg:s11], $0x5FFFF  }
0xb0: {  	[dreg:$0x1] =	wrdreg $0xFFFFFFFF  }
0xb1: {  	[dreg:$0x0] =	wrdreg $0x60  }
0xb2: {  	[dreg:$0x2] =	wrdreg s2  }
0xb3: {  	[dreg:$0x3] =	wrdreg s19  }
0xb4: {  	[dreg:$0x4] =	wrdreg s4  }
0xb5: {  	[dreg:$0x5] =	wrdreg s5  }
0xb6: {  	[dreg:$0x6] =	wrdreg s6  }
0xb7: {  	[dreg:$0x7] =	wrdreg $0x9  }
0xb8: {  	_ =	task.clear_ibuf [dreg:s11], $0x8FFFF;
	_ =	strace $0x90000046  }
0xb9: {  	s29 =	simm.s32 $0x9;
	_ =	strace $0x80000048  }
0xba: {  	_ =	swait.ge [sflag:s29], $0x1  }
0xbb: {  	[sflag:s29] =	ssyncadd.s32 $0xFFFFFFFF  }
0xbc: {  	_ =	strace $0x90000048  }
0xbd: {  	_ =	sfence  }
0xbe: {  	s30 =	sld [smem:$0x0];
	_ =	sdelay $0x2  }
0xbf: {  	s31 =	sshll.u32 s1, $0xD;
	s1 =	sshrl.u32 s1, $0x2  }
0xc0: {  	s3 =	sand.u32 $0x4000, s31;
	s1 =	sadd.s32 s1, s30  }
0xc1: {  	s0 =	sor.u32 s3, s0;
	s1 =	sshll.u32 s1, $0x11  }
0xc2: {  	s0 =	sor.u32 s1, s0  }
0xc3: {  	s0 =	sadd.s32 $0x8F2B, s0  }
0xc4: {  	[sflag:s0] =	ssyncadd.remote.s32 $0x1  }
0xc5: {  	_ =	sfence.sel $0xFFFF  }
0xc6: {  	[dreg:$0x0] =	wrdreg $0xFFFFFFFF;
	(pc) =	sbr.abs _section_cstart, $3  }
0xc7: {  	[dreg:$0x1] =	wrdreg $0xFFFFFFFF  }
0xc8: {  	_ =	task.clear_ibuf [dreg:s11], $0x2FFFF;
	_ =	strace $0x9FFFFFFF  }
0xc9: {  	(tm) =	ssettm $0x7FFFFFFF  }
tec
execute0_lowered:
.L_overlay_start_1:
0x0: {  	(tag) =	ssettag $0x1  }
0x1: {  	s0 =	rddreg [dreg:$0x0]  }
0x2: {  	s8 =	rddreg [dreg:$0x1]  }
0x3: {  	s3 =	rddreg [dreg:$0x2]  }
0x4: {  	s4 =	rddreg [dreg:$0x3]  }
0x5: {  	s1 =	srdreg.scid;
	s5 =	rddreg [dreg:$0x4]  }
0x6: {  	s2 =	stileid.u32;
	s6 =	simm.s32 $0x0;
	s12 =	simm.s32 $0x1200  }
0x7: {  	s13 =	simm.s32 $0x2200;
	s14 =	simm.s32 $0x0;
	s17 =	simm.s32 $0x0  }
0x8: {  	s7 =	sand.u32 $0x1, s1;
	s1 =	rddreg [dreg:$0x5];
	s9 =	sshll.u32 s2, $0xA  }
0x9: {  	[smem:$0x7FF] =	sst s6;
	s10 =	sshll.u32 s7, $0x9;
	s11 =	ssub.s32 $0x2, s7  }
0xa: {  	_ =	strace $0x80000047;
	s7 =	sor.u32 s10, s9;
	s31 =	sshrl.u32 s11, $0x1  }
0xb: {  	s10 =	sshrl.u32 s7, $0x3;
	s9 =	ssub.s32 s11, s31;
	s11 =	simm.s32 $0x200  }
0xc: {  	s8 =	sadd.s32 s8, s10;
	s9 =	smax.u32 s9, $0x1;
	s10 =	simm.s32 $0x1  }
.LBB2_1:
0xd: {  	[tilespmem:s6], [sflag:$0x1] =	stream.linear.gather [hbm4b:s8+s6], $0x200, $0x38;
	[tilespmem:$0xA200] =	vst v63  }
0xe: {  	_ =	swait.ge [sflag:s10], $0x200  }
0xf: {  	[sflag:s10] =	ssyncset.done $0x0  }
0x10: {  	[sflag:s10] =	ssyncadd.s32 $0xFFFFFE00  }
0x11: {  	[tilespmem:s11], [sflag:$0x1] =	stream.linear.gather [hbm4b:s3+s6], $0x1000, $0x38;
	[tilespmem:$0xA200] =	vst v63  }
0x12: {  	_ =	swait.ge [sflag:s10], $0x1000  }
0x13: {  	[sflag:s10] =	ssyncset.done $0x0  }
0x14: {  	[sflag:s10] =	ssyncadd.s32 $0xFFFFF000  }
0x15: {  	[tilespmem:s12], [sflag:$0x1] =	stream.linear.gather [hbm4b:s4+s6], $0x1000, $0x38;
	[tilespmem:$0xA200] =	vst v63  }
0x16: {  	_ =	swait.ge [sflag:s10], $0x1000  }
0x17: {  	[sflag:s10] =	ssyncset.done $0x0  }
0x18: {  	s15 =	simm.s32 $0x0;
	[sflag:s10] =	ssyncadd.s32 $0xFFFFF000  }
.LBB2_2:
0x19: {  	s18 =	sshll.u32 s15, $0x5  }
0x1a: {  	s16 =	sor.u32 s7, s18  }
0x1b: {  	s16 =	sshll.u32 s16, $0x7  }
0x1c: {  	s19 =	sadd.s32 s0, s16  }
0x1d: {  	[tilespmem:s13], [sflag:$0x1] =	stream.linear.gather [hbm4b:s19+s17], $0x8000, $0x38;
	[tilespmem:$0xA200] =	vst v63  }
0x1e: {  	_ =	swait.ge [sflag:s10], $0x8000  }
0x1f: {  	[sflag:s10] =	ssyncset.done $0x0  }
0x20: {  	p1 =	por $0x1, $0x1;
	v0 =	vmov s18;
	s18 =	simm.s32 $0x0;
	[sflag:s10] =	ssyncadd.s32 $0xFFFF8000  }
.LBB2_3:
0x21: {  	_ =	sdelay $0x1  }
0x22: {  	s19 =	sshll.u32 s18, $0x4  }
0x23: {  	s19 =	sand.u32 $0x3FFFFFF0, s19  }
0x24: {  	v1 =	vld.idx.msk [tilespmem:v0+s19+$0x0 ss:$0x1], $0xffff;
	_ =	sdelay $0x4  }
0x25: {  	(v2sf) =	vpush v1, $0x0;
	_ =	sdelay $0xd  }
0x26: {  	s24 =	sshll.u32 s18, $0xE;
	s22 =	simm.s32 $0x0;
	s25 =	simm.s32 $0x0  }
0x27: {  	s23 =	sand.u32 $0x40, s17;
	s18 =	sand.u32 $0x3FFFC000, s24;
	s20 =	spop (v2sf)  }
0x28: {  	s22 =	sand.u32 $0x3FFFFC00, s22;
	s21 =	sshll.u32 s20, $0xA;
	s20 =	sshll.u32 s20, $0x7  }
0x29: {  	s19 =	sor.u32 $0x2200, s18;
	s21 =	sand.u32 $0xFFFFF000, s21;
	s20 =	sand.u32 $0x180, s20  }
0x2a: {  	s22 =	sadd.s32 s22, s19;
	s20 =	sor.u32 s20, s21;
	s21 =	sand.u32 $0xFFFFFE00, s25  }
0x2b: {  	s24 =	sadd.s32 s23, s22;
	s21 =	sadd.s32 s20, s21  }
0x2c: {  	v2 =	vld [tilespmem:s24+$0x0];
	s25 =	sor.u32 s23, s21  }
0x2d: {  	v3 =	vld [tilespmem:s25+$0x200];
	_ =	sdelay $0x1  }
0x2e: {  	v4 =	vld [tilespmem:s25+$0x1200];
	_ =	sdelay $0x2  }
0x2f: {  	v2 =	vmul.f32 v3, v2;
	_ =	sdelay $0x1  }
0x30: {  	v2 =	vadd.f32 v4, v2  }
0x31: {  	s26 =	sor.u32 $0x10, s23  }
0x32: {  	s28 =	sadd.s32 s26, s22;
	[tilespmem:s24+$0x0] =	vst v2  }
0x33: {  	s25 =	sor.u32 s26, s21;
	v2 =	vld [tilespmem:s28+$0x0]  }
0x34: {  	v3 =	vld [tilespmem:s25+$0x200];
	_ =	sdelay $0x1  }
0x35: {  	v4 =	vld [tilespmem:s25+$0x1200];
	_ =	sdelay $0x2  }
0x36: {  	v2 =	vmul.f32 v3, v2;
	_ =	sdelay $0x1  }
0x37: {  	v2 =	vadd.f32 v4, v2  }
0x38: {  	s29 =	sor.u32 $0x20, s23  }
0x39: {  	s30 =	sadd.s32 s29, s22;
	[tilespmem:s28+$0x0] =	vst v2  }
0x3a: {  	s25 =	sor.u32 s29, s21;
	v2 =	vld [tilespmem:s30+$0x0]  }
0x3b: {  	v3 =	vld [tilespmem:s25+$0x200];
	_ =	sdelay $0x1  }
0x3c: {  	v4 =	vld [tilespmem:s25+$0x1200];
	_ =	sdelay $0x2  }
0x3d: {  	v2 =	vmul.f32 v3, v2;
	_ =	sdelay $0x1  }
0x3e: {  	v2 =	vadd.f32 v4, v2  }
0x3f: {  	s23 =	sor.u32 $0x30, s23  }
0x40: {  	s25 =	sadd.s32 s23, s22;
	[tilespmem:s30+$0x0] =	vst v2  }
0x41: {  	s31 =	sor.u32 s23, s21;
	v3 =	vld [tilespmem:s25+$0x0]  }
0x42: {  	v4 =	vld [tilespmem:s31+$0x200]  }
0x43: {  	p0 =	por p1, p1;
	s21 =	simm.s32 $0x0;
	s22 =	simm.s32 $0x0;
	v2 =	vld [tilespmem:s31+$0x1200]  }
.LBB2_4:
0x44: {  	_ =	sdelay $0x2  }
0x45: {  	s21 =	sadd.s32 $0x4, s21;
	v3 =	vmul.f32 v4, v3  }
0x46: {  	s23 =	sshll.u32 s21, $0x7;
	s24 =	sshll.u32 s21, $0x6;
	p1 =	slt.u32 s21, $0x3C  }
0x47: {  	s22 =	sadd.s32 $0x40, s22;
	s23 =	sand.u32 $0x3FFFFC00, s23;
	s26 =	sand.u32 $0xFFFFFE00, s24;
	v2 =	vadd.f32 v2, v3  }
0x48: {  	s28 =	sand.u32 $0x40, s22;
	s24 =	sadd.s32 s23, s19;
	s23 =	sadd.s32 s20, s26  }
0x49: {  	s30 =	sor.u32 $0x10, s28;
	s26 =	sadd.s32 s28, s24;
	s29 =	sor.u32 s28, s23;
	[tilespmem:s25+$0x0] =	vst v2  }
0x4a: {  	s25 =	sor.u32 $0x20, s28;
	s28 =	sor.u32 $0x30, s28;
	v2 =	vld [tilespmem:s26+$0x0]  }
0x4b: {  	v3 =	vld [tilespmem:s29+$0x200];
	_ =	sdelay $0x1  }
0x4c: {  	v4 =	vld [tilespmem:s29+$0x1200];
	_ =	sdelay $0x2  }
0x4d: {  	v2 =	vmul.f32 v3, v2;
	_ =	sdelay $0x1  }
0x4e: {  	v2 =	vadd.f32 v4, v2;
	_ =	sdelay $0x1  }
0x4f: {  	[tilespmem:s26+$0x0] =	vst v2;
	s26 =	sadd.s32 s30, s24  }
0x50: {  	s29 =	sor.u32 s30, s23;
	v2 =	vld [tilespmem:s26+$0x0]  }
0x51: {  	v3 =	vld [tilespmem:s29+$0x200];
	_ =	sdelay $0x1  }
0x52: {  	v4 =	vld [tilespmem:s29+$0x1200];
	_ =	sdelay $0x2  }
0x53: {  	v2 =	vmul.f32 v3, v2;
	_ =	sdelay $0x1  }
0x54: {  	v2 =	vadd.f32 v4, v2;
	_ =	sdelay $0x1  }
0x55: {  	[tilespmem:s26+$0x0] =	vst v2;
	s26 =	sadd.s32 s25, s24  }
0x56: {  	s25 =	sor.u32 s25, s23;
	v2 =	vld [tilespmem:s26+$0x0]  }
0x57: {  	v3 =	vld [tilespmem:s25+$0x200];
	_ =	sdelay $0x1  }
0x58: {  	v4 =	vld [tilespmem:s25+$0x1200];
	_ =	sdelay $0x2  }
0x59: {  	v2 =	vmul.f32 v3, v2;
	_ =	sdelay $0x1  }
0x5a: {  	v2 =	vadd.f32 v4, v2  }
.Ltmp0:
0x5b: {  	(pc) =	sbr.rel @p1 .LBB2_4-.Ltmp0, $4  }
0x5c: {  	s25 =	sadd.s32 s28, s24;
	[tilespmem:s26+$0x0] =	vst v2  }
0x5d: {  	s23 =	sor.u32 s28, s23;
	v3 =	vld [tilespmem:s25+$0x0]  }
0x5e: {  	v4 =	vld [tilespmem:s23+$0x200]  }
0x5f: {  	v2 =	vld [tilespmem:s23+$0x1200]  }
0x60: {  	(v2sf) =	vpush v1, $0x1;
	_ =	sdelay $0xe  }
0x61: {  	s20 =	spop (v2sf)  }
0x62: {  	s22 =	simm.s32 $0x0;
	v3 =	vmul.f32 v4, v3;
	s21 =	sshll.u32 s20, $0xA;
	s20 =	sshll.u32 s20, $0x7  }
0x63: {  	s23 =	simm.s32 $0x0;
	s21 =	sand.u32 $0xFFFFF000, s21;
	s20 =	sand.u32 $0x180, s20  }
0x64: {  	s22 =	sand.u32 $0x3FFFFC00, s22;
	v2 =	vadd.f32 v2, v3;
	s20 =	sor.u32 s20, s21;
	s21 =	simm.s32 $0x0  }
0x65: {  	s23 =	sand.u32 $0xFFFFFE00, s23;
	s22 =	sadd.s32 s22, s19;
	s24 =	sand.u32 $0x40, s21  }
0x66: {  	[tilespmem:s25+$0x0] =	vst v2;
	s23 =	sadd.s32 s20, s23;
	s31 =	sadd.s32 s24, s22  }
0x67: {  	s26 =	sor.u32 s24, s23;
	v2 =	vld [tilespmem:s31+$0x80]  }
0x68: {  	v3 =	vld [tilespmem:s26+$0x200];
	_ =	sdelay $0x1  }
0x69: {  	v4 =	vld [tilespmem:s26+$0x1200];
	_ =	sdelay $0x2  }
0x6a: {  	v2 =	vmul.f32 v3, v2;
	_ =	sdelay $0x1  }
0x6b: {  	v2 =	vadd.f32 v4, v2  }
0x6c: {  	s28 =	sor.u32 $0x10, s24  }
0x6d: {  	s29 =	sadd.s32 s28, s22;
	[tilespmem:s31+$0x80] =	vst v2  }
0x6e: {  	s26 =	sor.u32 s28, s23;
	v2 =	vld [tilespmem:s29+$0x80]  }
0x6f: {  	v3 =	vld [tilespmem:s26+$0x200];
	_ =	sdelay $0x1  }
0x70: {  	v4 =	vld [tilespmem:s26+$0x1200];
	_ =	sdelay $0x2  }
0x71: {  	v2 =	vmul.f32 v3, v2;
	_ =	sdelay $0x1  }
0x72: {  	v2 =	vadd.f32 v4, v2  }
0x73: {  	s30 =	sor.u32 $0x20, s24  }
0x74: {  	s31 =	sadd.s32 s30, s22;
	[tilespmem:s29+$0x80] =	vst v2  }
0x75: {  	s26 =	sor.u32 s30, s23;
	v2 =	vld [tilespmem:s31+$0x80]  }
0x76: {  	v3 =	vld [tilespmem:s26+$0x200];
	_ =	sdelay $0x1  }
0x77: {  	v4 =	vld [tilespmem:s26+$0x1200];
	_ =	sdelay $0x2  }
0x78: {  	v2 =	vmul.f32 v3, v2;
	_ =	sdelay $0x1  }
0x79: {  	v2 =	vadd.f32 v4, v2  }
0x7a: {  	s24 =	sor.u32 $0x30, s24  }
0x7b: {  	s25 =	sadd.s32 s24, s22;
	[tilespmem:s31+$0x80] =	vst v2  }
0x7c: {  	s23 =	sor.u32 s24, s23;
	v3 =	vld [tilespmem:s25+$0x80]  }
0x7d: {  	v4 =	vld [tilespmem:s23+$0x200]  }
0x7e: {  	s22 =	simm.s32 $0x0;
	v2 =	vld [tilespmem:s23+$0x1200]  }
.LBB2_6:
0x7f: {  	_ =	sdelay $0x2  }
0x80: {  	s22 =	sadd.s32 $0x4, s22;
	v3 =	vmul.f32 v4, v3  }
0x81: {  	s23 =	sshll.u32 s22, $0x7;
	s24 =	sshll.u32 s22, $0x6;
	p1 =	slt.u32 s22, $0x3C  }
0x82: {  	s21 =	sadd.s32 $0x40, s21;
	s23 =	sand.u32 $0x3FFFFC00, s23;
	s26 =	sand.u32 $0xFFFFFE00, s24;
	v2 =	vadd.f32 v2, v3  }
0x83: {  	s28 =	sand.u32 $0x40, s21;
	s24 =	sadd.s32 s23, s19;
	s23 =	sadd.s32 s20, s26  }
0x84: {  	s30 =	sor.u32 $0x10, s28;
	s26 =	sadd.s32 s28, s24;
	s29 =	sor.u32 s28, s23;
	[tilespmem:s25+$0x80] =	vst v2  }
0x85: {  	s25 =	sor.u32 $0x20, s28;
	s28 =	sor.u32 $0x30, s28;
	v2 =	vld [tilespmem:s26+$0x80]  }
0x86: {  	v3 =	vld [tilespmem:s29+$0x200];
	_ =	sdelay $0x1  }
0x87: {  	v4 =	vld [tilespmem:s29+$0x1200];
	_ =	sdelay $0x2  }
0x88: {  	v2 =	vmul.f32 v3, v2;
	_ =	sdelay $0x1  }
0x89: {  	v2 =	vadd.f32 v4, v2;
	_ =	sdelay $0x1  }
0x8a: {  	[tilespmem:s26+$0x80] =	vst v2;
	s26 =	sadd.s32 s30, s24  }
0x8b: {  	s29 =	sor.u32 s30, s23;
	v2 =	vld [tilespmem:s26+$0x80]  }
0x8c: {  	v3 =	vld [tilespmem:s29+$0x200];
	_ =	sdelay $0x1  }
0x8d: {  	v4 =	vld [tilespmem:s29+$0x1200];
	_ =	sdelay $0x2  }
0x8e: {  	v2 =	vmul.f32 v3, v2;
	_ =	sdelay $0x1  }
0x8f: {  	v2 =	vadd.f32 v4, v2;
	_ =	sdelay $0x1  }
0x90: {  	[tilespmem:s26+$0x80] =	vst v2;
	s26 =	sadd.s32 s25, s24  }
0x91: {  	s25 =	sor.u32 s25, s23;
	v2 =	vld [tilespmem:s26+$0x80]  }
0x92: {  	v3 =	vld [tilespmem:s25+$0x200];
	_ =	sdelay $0x1  }
0x93: {  	v4 =	vld [tilespmem:s25+$0x1200];
	_ =	sdelay $0x2  }
0x94: {  	v2 =	vmul.f32 v3, v2;
	_ =	sdelay $0x1  }
0x95: {  	v2 =	vadd.f32 v4, v2  }
.Ltmp1:
0x96: {  	(pc) =	sbr.rel @p1 .LBB2_6-.Ltmp1, $4  }
0x97: {  	s25 =	sadd.s32 s28, s24;
	[tilespmem:s26+$0x80] =	vst v2  }
0x98: {  	s23 =	sor.u32 s28, s23;
	v3 =	vld [tilespmem:s25+$0x80]  }
0x99: {  	v4 =	vld [tilespmem:s23+$0x200]  }
0x9a: {  	v2 =	vld [tilespmem:s23+$0x1200]  }
0x9b: {  	(v2sf) =	vpush v1, $0x2;
	_ =	sdelay $0xe  }
0x9c: {  	s20 =	spop (v2sf)  }
0x9d: {  	s22 =	simm.s32 $0x0;
	v3 =	vmul.f32 v4, v3;
	s21 =	sshll.u32 s20, $0xA;
	s20 =	sshll.u32 s20, $0x7  }
0x9e: {  	s23 =	simm.s32 $0x0;
	s21 =	sand.u32 $0xFFFFF000, s21;
	s20 =	sand.u32 $0x180, s20  }
0x9f: {  	s22 =	sand.u32 $0x3FFFFC00, s22;
	v2 =	vadd.f32 v2, v3;
	s20 =	sor.u32 s20, s21;
	s21 =	simm.s32 $0x0  }
0xa0: {  	s23 =	sand.u32 $0xFFFFFE00, s23;
	s22 =	sadd.s32 s22, s19;
	s24 =	sand.u32 $0x40, s21  }
0xa1: {  	[tilespmem:s25+$0x80] =	vst v2;
	s23 =	sadd.s32 s20, s23;
	s31 =	sadd.s32 s24, s22  }
0xa2: {  	s26 =	sor.u32 s24, s23;
	v2 =	vld [tilespmem:s31+$0x100]  }
0xa3: {  	v3 =	vld [tilespmem:s26+$0x200];
	_ =	sdelay $0x1  }
0xa4: {  	v4 =	vld [tilespmem:s26+$0x1200];
	_ =	sdelay $0x2  }
0xa5: {  	v2 =	vmul.f32 v3, v2;
	_ =	sdelay $0x1  }
0xa6: {  	v2 =	vadd.f32 v4, v2  }
0xa7: {  	s28 =	sor.u32 $0x10, s24  }
0xa8: {  	s29 =	sadd.s32 s28, s22;
	[tilespmem:s31+$0x100] =	vst v2  }
0xa9: {  	s26 =	sor.u32 s28, s23;
	v2 =	vld [tilespmem:s29+$0x100]  }
0xaa: {  	v3 =	vld [tilespmem:s26+$0x200];
	_ =	sdelay $0x1  }
0xab: {  	v4 =	vld [tilespmem:s26+$0x1200];
	_ =	sdelay $0x2  }
0xac: {  	v2 =	vmul.f32 v3, v2;
	_ =	sdelay $0x1  }
0xad: {  	v2 =	vadd.f32 v4, v2  }
0xae: {  	s30 =	sor.u32 $0x20, s24  }
0xaf: {  	s31 =	sadd.s32 s30, s22;
	[tilespmem:s29+$0x100] =	vst v2  }
0xb0: {  	s26 =	sor.u32 s30, s23;
	v2 =	vld [tilespmem:s31+$0x100]  }
0xb1: {  	v3 =	vld [tilespmem:s26+$0x200];
	_ =	sdelay $0x1  }
0xb2: {  	v4 =	vld [tilespmem:s26+$0x1200];
	_ =	sdelay $0x2  }
0xb3: {  	v2 =	vmul.f32 v3, v2;
	_ =	sdelay $0x1  }
0xb4: {  	v2 =	vadd.f32 v4, v2  }
0xb5: {  	s24 =	sor.u32 $0x30, s24  }
0xb6: {  	s25 =	sadd.s32 s24, s22;
	[tilespmem:s31+$0x100] =	vst v2  }
0xb7: {  	s23 =	sor.u32 s24, s23;
	v3 =	vld [tilespmem:s25+$0x100]  }
0xb8: {  	v4 =	vld [tilespmem:s23+$0x200]  }
0xb9: {  	s22 =	simm.s32 $0x0;
	v2 =	vld [tilespmem:s23+$0x1200]  }
.LBB2_8:
0xba: {  	_ =	sdelay $0x2  }
0xbb: {  	s22 =	sadd.s32 $0x4, s22;
	v3 =	vmul.f32 v4, v3  }
0xbc: {  	s23 =	sshll.u32 s22, $0x7;
	s24 =	sshll.u32 s22, $0x6;
	p1 =	slt.u32 s22, $0x3C  }
0xbd: {  	s21 =	sadd.s32 $0x40, s21;
	s23 =	sand.u32 $0x3FFFFC00, s23;
	s26 =	sand.u32 $0xFFFFFE00, s24;
	v2 =	vadd.f32 v2, v3  }
0xbe: {  	s28 =	sand.u32 $0x40, s21;
	s24 =	sadd.s32 s23, s19;
	s23 =	sadd.s32 s20, s26  }
0xbf: {  	s30 =	sor.u32 $0x10, s28;
	s26 =	sadd.s32 s28, s24;
	s29 =	sor.u32 s28, s23;
	[tilespmem:s25+$0x100] =	vst v2  }
0xc0: {  	s25 =	sor.u32 $0x20, s28;
	s28 =	sor.u32 $0x30, s28;
	v2 =	vld [tilespmem:s26+$0x100]  }
0xc1: {  	v3 =	vld [tilespmem:s29+$0x200];
	_ =	sdelay $0x1  }
0xc2: {  	v4 =	vld [tilespmem:s29+$0x1200];
	_ =	sdelay $0x2  }
0xc3: {  	v2 =	vmul.f32 v3, v2;
	_ =	sdelay $0x1  }
0xc4: {  	v2 =	vadd.f32 v4, v2;
	_ =	sdelay $0x1  }
0xc5: {  	[tilespmem:s26+$0x100] =	vst v2;
	s26 =	sadd.s32 s30, s24  }
0xc6: {  	s29 =	sor.u32 s30, s23;
	v2 =	vld [tilespmem:s26+$0x100]  }
0xc7: {  	v3 =	vld [tilespmem:s29+$0x200];
	_ =	sdelay $0x1  }
0xc8: {  	v4 =	vld [tilespmem:s29+$0x1200];
	_ =	sdelay $0x2  }
0xc9: {  	v2 =	vmul.f32 v3, v2;
	_ =	sdelay $0x1  }
0xca: {  	v2 =	vadd.f32 v4, v2;
	_ =	sdelay $0x1  }
0xcb: {  	[tilespmem:s26+$0x100] =	vst v2;
	s26 =	sadd.s32 s25, s24  }
0xcc: {  	s25 =	sor.u32 s25, s23;
	v2 =	vld [tilespmem:s26+$0x100]  }
0xcd: {  	v3 =	vld [tilespmem:s25+$0x200];
	_ =	sdelay $0x1  }
0xce: {  	v4 =	vld [tilespmem:s25+$0x1200];
	_ =	sdelay $0x2  }
0xcf: {  	v2 =	vmul.f32 v3, v2;
	_ =	sdelay $0x1  }
0xd0: {  	v2 =	vadd.f32 v4, v2  }
.Ltmp2:
0xd1: {  	(pc) =	sbr.rel @p1 .LBB2_8-.Ltmp2, $4  }
0xd2: {  	s25 =	sadd.s32 s28, s24;
	[tilespmem:s26+$0x100] =	vst v2  }
0xd3: {  	s23 =	sor.u32 s28, s23;
	v3 =	vld [tilespmem:s25+$0x100]  }
0xd4: {  	v4 =	vld [tilespmem:s23+$0x200]  }
0xd5: {  	v2 =	vld [tilespmem:s23+$0x1200]  }
0xd6: {  	(v2sf) =	vpush v1, $0x3;
	_ =	sdelay $0xe  }
0xd7: {  	s20 =	spop (v2sf)  }
0xd8: {  	s22 =	simm.s32 $0x0;
	v3 =	vmul.f32 v4, v3;
	s21 =	sshll.u32 s20, $0xA;
	s20 =	sshll.u32 s20, $0x7  }
0xd9: {  	s23 =	simm.s32 $0x0;
	s21 =	sand.u32 $0xFFFFF000, s21;
	s20 =	sand.u32 $0x180, s20  }
0xda: {  	s22 =	sand.u32 $0x3FFFFC00, s22;
	v2 =	vadd.f32 v2, v3;
	s20 =	sor.u32 s20, s21;
	s21 =	simm.s32 $0x0  }
0xdb: {  	s23 =	sand.u32 $0xFFFFFE00, s23;
	s22 =	sadd.s32 s22, s19;
	s24 =	sand.u32 $0x40, s21  }
0xdc: {  	[tilespmem:s25+$0x100] =	vst v2;
	s23 =	sadd.s32 s20, s23;
	s31 =	sadd.s32 s24, s22  }
0xdd: {  	s26 =	sor.u32 s24, s23;
	v2 =	vld [tilespmem:s31+$0x180]  }
0xde: {  	v3 =	vld [tilespmem:s26+$0x200];
	_ =	sdelay $0x1  }
0xdf: {  	v4 =	vld [tilespmem:s26+$0x1200];
	_ =	sdelay $0x2  }
0xe0: {  	v2 =	vmul.f32 v3, v2;
	_ =	sdelay $0x1  }
0xe1: {  	v2 =	vadd.f32 v4, v2  }
0xe2: {  	s28 =	sor.u32 $0x10, s24  }
0xe3: {  	s29 =	sadd.s32 s28, s22;
	[tilespmem:s31+$0x180] =	vst v2  }
0xe4: {  	s26 =	sor.u32 s28, s23;
	v2 =	vld [tilespmem:s29+$0x180]  }
0xe5: {  	v3 =	vld [tilespmem:s26+$0x200];
	_ =	sdelay $0x1  }
0xe6: {  	v4 =	vld [tilespmem:s26+$0x1200];
	_ =	sdelay $0x2  }
0xe7: {  	v2 =	vmul.f32 v3, v2;
	_ =	sdelay $0x1  }
0xe8: {  	v2 =	vadd.f32 v4, v2  }
0xe9: {  	s30 =	sor.u32 $0x20, s24  }
0xea: {  	s31 =	sadd.s32 s30, s22;
	[tilespmem:s29+$0x180] =	vst v2  }
0xeb: {  	s26 =	sor.u32 s30, s23;
	v2 =	vld [tilespmem:s31+$0x180]  }
0xec: {  	v3 =	vld [tilespmem:s26+$0x200];
	_ =	sdelay $0x1  }
0xed: {  	v4 =	vld [tilespmem:s26+$0x1200];
	_ =	sdelay $0x2  }
0xee: {  	v2 =	vmul.f32 v3, v2;
	_ =	sdelay $0x1  }
0xef: {  	v2 =	vadd.f32 v4, v2  }
0xf0: {  	s24 =	sor.u32 $0x30, s24  }
0xf1: {  	s25 =	sadd.s32 s24, s22;
	[tilespmem:s31+$0x180] =	vst v2  }
0xf2: {  	s23 =	sor.u32 s24, s23;
	v3 =	vld [tilespmem:s25+$0x180]  }
0xf3: {  	v4 =	vld [tilespmem:s23+$0x200]  }
0xf4: {  	s22 =	simm.s32 $0x0;
	v2 =	vld [tilespmem:s23+$0x1200]  }
.LBB2_10:
0xf5: {  	_ =	sdelay $0x2  }
0xf6: {  	s22 =	sadd.s32 $0x4, s22;
	v3 =	vmul.f32 v4, v3  }
0xf7: {  	s23 =	sshll.u32 s22, $0x7;
	s24 =	sshll.u32 s22, $0x6;
	p1 =	slt.u32 s22, $0x3C  }
0xf8: {  	s21 =	sadd.s32 $0x40, s21;
	s23 =	sand.u32 $0x3FFFFC00, s23;
	s26 =	sand.u32 $0xFFFFFE00, s24;
	v2 =	vadd.f32 v2, v3  }
0xf9: {  	s28 =	sand.u32 $0x40, s21;
	s24 =	sadd.s32 s23, s19;
	s23 =	sadd.s32 s20, s26  }
0xfa: {  	s30 =	sor.u32 $0x10, s28;
	s26 =	sadd.s32 s28, s24;
	s29 =	sor.u32 s28, s23;
	[tilespmem:s25+$0x180] =	vst v2  }
0xfb: {  	s25 =	sor.u32 $0x20, s28;
	s28 =	sor.u32 $0x30, s28;
	v2 =	vld [tilespmem:s26+$0x180]  }
0xfc: {  	v3 =	vld [tilespmem:s29+$0x200];
	_ =	sdelay $0x1  }
0xfd: {  	v4 =	vld [tilespmem:s29+$0x1200];
	_ =	sdelay $0x2  }
0xfe: {  	v2 =	vmul.f32 v3, v2;
	_ =	sdelay $0x1  }
0xff: {  	v2 =	vadd.f32 v4, v2;
	_ =	sdelay $0x1  }
0x100: {  	[tilespmem:s26+$0x180] =	vst v2;
	s26 =	sadd.s32 s30, s24  }
0x101: {  	s29 =	sor.u32 s30, s23;
	v2 =	vld [tilespmem:s26+$0x180]  }
0x102: {  	v3 =	vld [tilespmem:s29+$0x200];
	_ =	sdelay $0x1  }
0x103: {  	v4 =	vld [tilespmem:s29+$0x1200];
	_ =	sdelay $0x2  }
0x104: {  	v2 =	vmul.f32 v3, v2;
	_ =	sdelay $0x1  }
0x105: {  	v2 =	vadd.f32 v4, v2;
	_ =	sdelay $0x1  }
0x106: {  	[tilespmem:s26+$0x180] =	vst v2;
	s26 =	sadd.s32 s25, s24  }
0x107: {  	s25 =	sor.u32 s25, s23;
	v2 =	vld [tilespmem:s26+$0x180]  }
0x108: {  	v3 =	vld [tilespmem:s25+$0x200];
	_ =	sdelay $0x1  }
0x109: {  	v4 =	vld [tilespmem:s25+$0x1200];
	_ =	sdelay $0x2  }
0x10a: {  	v2 =	vmul.f32 v3, v2;
	_ =	sdelay $0x1  }
0x10b: {  	v2 =	vadd.f32 v4, v2  }
.Ltmp3:
0x10c: {  	(pc) =	sbr.rel @p1 .LBB2_10-.Ltmp3, $4  }
0x10d: {  	s25 =	sadd.s32 s28, s24;
	[tilespmem:s26+$0x180] =	vst v2  }
0x10e: {  	s23 =	sor.u32 s28, s23;
	v3 =	vld [tilespmem:s25+$0x180]  }
0x10f: {  	v4 =	vld [tilespmem:s23+$0x200]  }
0x110: {  	v2 =	vld [tilespmem:s23+$0x1200]  }
0x111: {  	(v2sf) =	vpush v1, $0x4;
	_ =	sdelay $0xe  }
0x112: {  	s20 =	spop (v2sf)  }
0x113: {  	s22 =	simm.s32 $0x0;
	v3 =	vmul.f32 v4, v3;
	s21 =	sshll.u32 s20, $0xA;
	s20 =	sshll.u32 s20, $0x7  }
0x114: {  	s23 =	simm.s32 $0x0;
	s21 =	sand.u32 $0xFFFFF000, s21;
	s20 =	sand.u32 $0x180, s20  }
0x115: {  	s22 =	sand.u32 $0x3FFFFC00, s22;
	v2 =	vadd.f32 v2, v3;
	s20 =	sor.u32 s20, s21;
	s21 =	simm.s32 $0x0  }
0x116: {  	s23 =	sand.u32 $0xFFFFFE00, s23;
	s22 =	sadd.s32 s22, s19;
	s24 =	sand.u32 $0x40, s21  }
0x117: {  	[tilespmem:s25+$0x180] =	vst v2;
	s23 =	sadd.s32 s20, s23;
	s31 =	sadd.s32 s24, s22  }
0x118: {  	s26 =	sor.u32 s24, s23;
	v2 =	vld [tilespmem:s31+$0x200]  }
0x119: {  	v3 =	vld [tilespmem:s26+$0x200];
	_ =	sdelay $0x1  }
0x11a: {  	v4 =	vld [tilespmem:s26+$0x1200];
	_ =	sdelay $0x2  }
0x11b: {  	v2 =	vmul.f32 v3, v2;
	_ =	sdelay $0x1  }
0x11c: {  	v2 =	vadd.f32 v4, v2  }
0x11d: {  	s28 =	sor.u32 $0x10, s24  }
0x11e: {  	s29 =	sadd.s32 s28, s22;
	[tilespmem:s31+$0x200] =	vst v2  }
0x11f: {  	s26 =	sor.u32 s28, s23;
	v2 =	vld [tilespmem:s29+$0x200]  }
0x120: {  	v3 =	vld [tilespmem:s26+$0x200];
	_ =	sdelay $0x1  }
0x121: {  	v4 =	vld [tilespmem:s26+$0x1200];
	_ =	sdelay $0x2  }
0x122: {  	v2 =	vmul.f32 v3, v2;
	_ =	sdelay $0x1  }
0x123: {  	v2 =	vadd.f32 v4, v2  }
0x124: {  	s30 =	sor.u32 $0x20, s24  }
0x125: {  	s31 =	sadd.s32 s30, s22;
	[tilespmem:s29+$0x200] =	vst v2  }
0x126: {  	s26 =	sor.u32 s30, s23;
	v2 =	vld [tilespmem:s31+$0x200]  }
0x127: {  	v3 =	vld [tilespmem:s26+$0x200];
	_ =	sdelay $0x1  }
0x128: {  	v4 =	vld [tilespmem:s26+$0x1200];
	_ =	sdelay $0x2  }
0x129: {  	v2 =	vmul.f32 v3, v2;
	_ =	sdelay $0x1  }
0x12a: {  	v2 =	vadd.f32 v4, v2  }
0x12b: {  	s24 =	sor.u32 $0x30, s24  }
0x12c: {  	s25 =	sadd.s32 s24, s22;
	[tilespmem:s31+$0x200] =	vst v2  }
0x12d: {  	s23 =	sor.u32 s24, s23;
	v3 =	vld [tilespmem:s25+$0x200]  }
0x12e: {  	v4 =	vld [tilespmem:s23+$0x200]  }
0x12f: {  	s22 =	simm.s32 $0x0;
	v2 =	vld [tilespmem:s23+$0x1200]  }
.LBB2_12:
0x130: {  	_ =	sdelay $0x2  }
0x131: {  	s22 =	sadd.s32 $0x4, s22;
	v3 =	vmul.f32 v4, v3  }
0x132: {  	s23 =	sshll.u32 s22, $0x7;
	s24 =	sshll.u32 s22, $0x6;
	p1 =	slt.u32 s22, $0x3C  }
0x133: {  	s21 =	sadd.s32 $0x40, s21;
	s23 =	sand.u32 $0x3FFFFC00, s23;
	s26 =	sand.u32 $0xFFFFFE00, s24;
	v2 =	vadd.f32 v2, v3  }
0x134: {  	s28 =	sand.u32 $0x40, s21;
	s24 =	sadd.s32 s23, s19;
	s23 =	sadd.s32 s20, s26  }
0x135: {  	s30 =	sor.u32 $0x10, s28;
	s26 =	sadd.s32 s28, s24;
	s29 =	sor.u32 s28, s23;
	[tilespmem:s25+$0x200] =	vst v2  }
0x136: {  	s25 =	sor.u32 $0x20, s28;
	s28 =	sor.u32 $0x30, s28;
	v2 =	vld [tilespmem:s26+$0x200]  }
0x137: {  	v3 =	vld [tilespmem:s29+$0x200];
	_ =	sdelay $0x1  }
0x138: {  	v4 =	vld [tilespmem:s29+$0x1200];
	_ =	sdelay $0x2  }
0x139: {  	v2 =	vmul.f32 v3, v2;
	_ =	sdelay $0x1  }
0x13a: {  	v2 =	vadd.f32 v4, v2;
	_ =	sdelay $0x1  }
0x13b: {  	[tilespmem:s26+$0x200] =	vst v2;
	s26 =	sadd.s32 s30, s24  }
0x13c: {  	s29 =	sor.u32 s30, s23;
	v2 =	vld [tilespmem:s26+$0x200]  }
0x13d: {  	v3 =	vld [tilespmem:s29+$0x200];
	_ =	sdelay $0x1  }
0x13e: {  	v4 =	vld [tilespmem:s29+$0x1200];
	_ =	sdelay $0x2  }
0x13f: {  	v2 =	vmul.f32 v3, v2;
	_ =	sdelay $0x1  }
0x140: {  	v2 =	vadd.f32 v4, v2;
	_ =	sdelay $0x1  }
0x141: {  	[tilespmem:s26+$0x200] =	vst v2;
	s26 =	sadd.s32 s25, s24  }
0x142: {  	s25 =	sor.u32 s25, s23;
	v2 =	vld [tilespmem:s26+$0x200]  }
0x143: {  	v3 =	vld [tilespmem:s25+$0x200];
	_ =	sdelay $0x1  }
0x144: {  	v4 =	vld [tilespmem:s25+$0x1200];
	_ =	sdelay $0x2  }
0x145: {  	v2 =	vmul.f32 v3, v2;
	_ =	sdelay $0x1  }
0x146: {  	v2 =	vadd.f32 v4, v2  }
.Ltmp4:
0x147: {  	(pc) =	sbr.rel @p1 .LBB2_12-.Ltmp4, $4  }
0x148: {  	s25 =	sadd.s32 s28, s24;
	[tilespmem:s26+$0x200] =	vst v2  }
0x149: {  	s23 =	sor.u32 s28, s23;
	v3 =	vld [tilespmem:s25+$0x200]  }
0x14a: {  	v4 =	vld [tilespmem:s23+$0x200]  }
0x14b: {  	v2 =	vld [tilespmem:s23+$0x1200]  }
0x14c: {  	(v2sf) =	vpush v1, $0x5;
	_ =	sdelay $0xe  }
0x14d: {  	s20 =	spop (v2sf)  }
0x14e: {  	s22 =	simm.s32 $0x0;
	v3 =	vmul.f32 v4, v3;
	s21 =	sshll.u32 s20, $0xA;
	s20 =	sshll.u32 s20, $0x7  }
0x14f: {  	s23 =	simm.s32 $0x0;
	s21 =	sand.u32 $0xFFFFF000, s21;
	s20 =	sand.u32 $0x180, s20  }
0x150: {  	s22 =	sand.u32 $0x3FFFFC00, s22;
	v2 =	vadd.f32 v2, v3;
	s20 =	sor.u32 s20, s21;
	s21 =	simm.s32 $0x0  }
0x151: {  	s23 =	sand.u32 $0xFFFFFE00, s23;
	s22 =	sadd.s32 s22, s19;
	s24 =	sand.u32 $0x40, s21  }
0x152: {  	[tilespmem:s25+$0x200] =	vst v2;
	s23 =	sadd.s32 s20, s23;
	s31 =	sadd.s32 s24, s22  }
0x153: {  	s26 =	sor.u32 s24, s23;
	v2 =	vld [tilespmem:s31+$0x280]  }
0x154: {  	v3 =	vld [tilespmem:s26+$0x200];
	_ =	sdelay $0x1  }
0x155: {  	v4 =	vld [tilespmem:s26+$0x1200];
	_ =	sdelay $0x2  }
0x156: {  	v2 =	vmul.f32 v3, v2;
	_ =	sdelay $0x1  }
0x157: {  	v2 =	vadd.f32 v4, v2  }
0x158: {  	s28 =	sor.u32 $0x10, s24  }
0x159: {  	s29 =	sadd.s32 s28, s22;
	[tilespmem:s31+$0x280] =	vst v2  }
0x15a: {  	s26 =	sor.u32 s28, s23;
	v2 =	vld [tilespmem:s29+$0x280]  }
0x15b: {  	v3 =	vld [tilespmem:s26+$0x200];
	_ =	sdelay $0x1  }
0x15c: {  	v4 =	vld [tilespmem:s26+$0x1200];
	_ =	sdelay $0x2  }
0x15d: {  	v2 =	vmul.f32 v3, v2;
	_ =	sdelay $0x1  }
0x15e: {  	v2 =	vadd.f32 v4, v2  }
0x15f: {  	s30 =	sor.u32 $0x20, s24  }
0x160: {  	s31 =	sadd.s32 s30, s22;
	[tilespmem:s29+$0x280] =	vst v2  }
0x161: {  	s26 =	sor.u32 s30, s23;
	v2 =	vld [tilespmem:s31+$0x280]  }
0x162: {  	v3 =	vld [tilespmem:s26+$0x200];
	_ =	sdelay $0x1  }
0x163: {  	v4 =	vld [tilespmem:s26+$0x1200];
	_ =	sdelay $0x2  }
0x164: {  	v2 =	vmul.f32 v3, v2;
	_ =	sdelay $0x1  }
0x165: {  	v2 =	vadd.f32 v4, v2  }
0x166: {  	s24 =	sor.u32 $0x30, s24  }
0x167: {  	s25 =	sadd.s32 s24, s22;
	[tilespmem:s31+$0x280] =	vst v2  }
0x168: {  	s23 =	sor.u32 s24, s23;
	v3 =	vld [tilespmem:s25+$0x280]  }
0x169: {  	v4 =	vld [tilespmem:s23+$0x200]  }
0x16a: {  	s22 =	simm.s32 $0x0;
	v2 =	vld [tilespmem:s23+$0x1200]  }
.LBB2_14:
0x16b: {  	_ =	sdelay $0x2  }
0x16c: {  	s22 =	sadd.s32 $0x4, s22;
	v3 =	vmul.f32 v4, v3  }
0x16d: {  	s23 =	sshll.u32 s22, $0x7;
	s24 =	sshll.u32 s22, $0x6;
	p1 =	slt.u32 s22, $0x3C  }
0x16e: {  	s21 =	sadd.s32 $0x40, s21;
	s23 =	sand.u32 $0x3FFFFC00, s23;
	s26 =	sand.u32 $0xFFFFFE00, s24;
	v2 =	vadd.f32 v2, v3  }
0x16f: {  	s28 =	sand.u32 $0x40, s21;
	s24 =	sadd.s32 s23, s19;
	s23 =	sadd.s32 s20, s26  }
0x170: {  	s30 =	sor.u32 $0x10, s28;
	s26 =	sadd.s32 s28, s24;
	s29 =	sor.u32 s28, s23;
	[tilespmem:s25+$0x280] =	vst v2  }
0x171: {  	s25 =	sor.u32 $0x20, s28;
	s28 =	sor.u32 $0x30, s28;
	v2 =	vld [tilespmem:s26+$0x280]  }
0x172: {  	v3 =	vld [tilespmem:s29+$0x200];
	_ =	sdelay $0x1  }
0x173: {  	v4 =	vld [tilespmem:s29+$0x1200];
	_ =	sdelay $0x2  }
0x174: {  	v2 =	vmul.f32 v3, v2;
	_ =	sdelay $0x1  }
0x175: {  	v2 =	vadd.f32 v4, v2;
	_ =	sdelay $0x1  }
0x176: {  	[tilespmem:s26+$0x280] =	vst v2;
	s26 =	sadd.s32 s30, s24  }
0x177: {  	s29 =	sor.u32 s30, s23;
	v2 =	vld [tilespmem:s26+$0x280]  }
0x178: {  	v3 =	vld [tilespmem:s29+$0x200];
	_ =	sdelay $0x1  }
0x179: {  	v4 =	vld [tilespmem:s29+$0x1200];
	_ =	sdelay $0x2  }
0x17a: {  	v2 =	vmul.f32 v3, v2;
	_ =	sdelay $0x1  }
0x17b: {  	v2 =	vadd.f32 v4, v2;
	_ =	sdelay $0x1  }
0x17c: {  	[tilespmem:s26+$0x280] =	vst v2;
	s26 =	sadd.s32 s25, s24  }
0x17d: {  	s25 =	sor.u32 s25, s23;
	v2 =	vld [tilespmem:s26+$0x280]  }
0x17e: {  	v3 =	vld [tilespmem:s25+$0x200];
	_ =	sdelay $0x1  }
0x17f: {  	v4 =	vld [tilespmem:s25+$0x1200];
	_ =	sdelay $0x2  }
0x180: {  	v2 =	vmul.f32 v3, v2;
	_ =	sdelay $0x1  }
0x181: {  	v2 =	vadd.f32 v4, v2  }
.Ltmp5:
0x182: {  	(pc) =	sbr.rel @p1 .LBB2_14-.Ltmp5, $4  }
0x183: {  	s25 =	sadd.s32 s28, s24;
	[tilespmem:s26+$0x280] =	vst v2  }
0x184: {  	s23 =	sor.u32 s28, s23;
	v3 =	vld [tilespmem:s25+$0x280]  }
0x185: {  	v4 =	vld [tilespmem:s23+$0x200]  }
0x186: {  	v2 =	vld [tilespmem:s23+$0x1200]  }
0x187: {  	(v2sf) =	vpush v1, $0x6;
	_ =	sdelay $0xe  }
0x188: {  	s20 =	spop (v2sf)  }
0x189: {  	s22 =	simm.s32 $0x0;
	v3 =	vmul.f32 v4, v3;
	s21 =	sshll.u32 s20, $0xA;
	s20 =	sshll.u32 s20, $0x7  }
0x18a: {  	s23 =	simm.s32 $0x0;
	s21 =	sand.u32 $0xFFFFF000, s21;
	s20 =	sand.u32 $0x180, s20  }
0x18b: {  	s22 =	sand.u32 $0x3FFFFC00, s22;
	v2 =	vadd.f32 v2, v3;
	s20 =	sor.u32 s20, s21;
	s21 =	simm.s32 $0x0  }
0x18c: {  	s23 =	sand.u32 $0xFFFFFE00, s23;
	s22 =	sadd.s32 s22, s19;
	s24 =	sand.u32 $0x40, s21  }
0x18d: {  	[tilespmem:s25+$0x280] =	vst v2;
	s23 =	sadd.s32 s20, s23;
	s31 =	sadd.s32 s24, s22  }
0x18e: {  	s26 =	sor.u32 s24, s23;
	v2 =	vld [tilespmem:s31+$0x300]  }
0x18f: {  	v3 =	vld [tilespmem:s26+$0x200];
	_ =	sdelay $0x1  }
0x190: {  	v4 =	vld [tilespmem:s26+$0x1200];
	_ =	sdelay $0x2  }
0x191: {  	v2 =	vmul.f32 v3, v2;
	_ =	sdelay $0x1  }
0x192: {  	v2 =	vadd.f32 v4, v2  }
0x193: {  	s28 =	sor.u32 $0x10, s24  }
0x194: {  	s29 =	sadd.s32 s28, s22;
	[tilespmem:s31+$0x300] =	vst v2  }
0x195: {  	s26 =	sor.u32 s28, s23;
	v2 =	vld [tilespmem:s29+$0x300]  }
0x196: {  	v3 =	vld [tilespmem:s26+$0x200];
	_ =	sdelay $0x1  }
0x197: {  	v4 =	vld [tilespmem:s26+$0x1200];
	_ =	sdelay $0x2  }
0x198: {  	v2 =	vmul.f32 v3, v2;
	_ =	sdelay $0x1  }
0x199: {  	v2 =	vadd.f32 v4, v2  }
0x19a: {  	s30 =	sor.u32 $0x20, s24  }
0x19b: {  	s31 =	sadd.s32 s30, s22;
	[tilespmem:s29+$0x300] =	vst v2  }
0x19c: {  	s26 =	sor.u32 s30, s23;
	v2 =	vld [tilespmem:s31+$0x300]  }
0x19d: {  	v3 =	vld [tilespmem:s26+$0x200];
	_ =	sdelay $0x1  }
0x19e: {  	v4 =	vld [tilespmem:s26+$0x1200];
	_ =	sdelay $0x2  }
0x19f: {  	v2 =	vmul.f32 v3, v2;
	_ =	sdelay $0x1  }
0x1a0: {  	v2 =	vadd.f32 v4, v2  }
0x1a1: {  	s24 =	sor.u32 $0x30, s24  }
0x1a2: {  	s25 =	sadd.s32 s24, s22;
	[tilespmem:s31+$0x300] =	vst v2  }
0x1a3: {  	s23 =	sor.u32 s24, s23;
	v3 =	vld [tilespmem:s25+$0x300]  }
0x1a4: {  	v4 =	vld [tilespmem:s23+$0x200]  }
0x1a5: {  	s22 =	simm.s32 $0x0;
	v2 =	vld [tilespmem:s23+$0x1200]  }
.LBB2_16:
0x1a6: {  	_ =	sdelay $0x2  }
0x1a7: {  	s22 =	sadd.s32 $0x4, s22;
	v3 =	vmul.f32 v4, v3  }
0x1a8: {  	s23 =	sshll.u32 s22, $0x7;
	s24 =	sshll.u32 s22, $0x6;
	p1 =	slt.u32 s22, $0x3C  }
0x1a9: {  	s21 =	sadd.s32 $0x40, s21;
	s23 =	sand.u32 $0x3FFFFC00, s23;
	s26 =	sand.u32 $0xFFFFFE00, s24;
	v2 =	vadd.f32 v2, v3  }
0x1aa: {  	s28 =	sand.u32 $0x40, s21;
	s24 =	sadd.s32 s23, s19;
	s23 =	sadd.s32 s20, s26  }
0x1ab: {  	s30 =	sor.u32 $0x10, s28;
	s26 =	sadd.s32 s28, s24;
	s29 =	sor.u32 s28, s23;
	[tilespmem:s25+$0x300] =	vst v2  }
0x1ac: {  	s25 =	sor.u32 $0x20, s28;
	s28 =	sor.u32 $0x30, s28;
	v2 =	vld [tilespmem:s26+$0x300]  }
0x1ad: {  	v3 =	vld [tilespmem:s29+$0x200];
	_ =	sdelay $0x1  }
0x1ae: {  	v4 =	vld [tilespmem:s29+$0x1200];
	_ =	sdelay $0x2  }
0x1af: {  	v2 =	vmul.f32 v3, v2;
	_ =	sdelay $0x1  }
0x1b0: {  	v2 =	vadd.f32 v4, v2;
	_ =	sdelay $0x1  }
0x1b1: {  	[tilespmem:s26+$0x300] =	vst v2;
	s26 =	sadd.s32 s30, s24  }
0x1b2: {  	s29 =	sor.u32 s30, s23;
	v2 =	vld [tilespmem:s26+$0x300]  }
0x1b3: {  	v3 =	vld [tilespmem:s29+$0x200];
	_ =	sdelay $0x1  }
0x1b4: {  	v4 =	vld [tilespmem:s29+$0x1200];
	_ =	sdelay $0x2  }
0x1b5: {  	v2 =	vmul.f32 v3, v2;
	_ =	sdelay $0x1  }
0x1b6: {  	v2 =	vadd.f32 v4, v2;
	_ =	sdelay $0x1  }
0x1b7: {  	[tilespmem:s26+$0x300] =	vst v2;
	s26 =	sadd.s32 s25, s24  }
0x1b8: {  	s25 =	sor.u32 s25, s23;
	v2 =	vld [tilespmem:s26+$0x300]  }
0x1b9: {  	v3 =	vld [tilespmem:s25+$0x200];
	_ =	sdelay $0x1  }
0x1ba: {  	v4 =	vld [tilespmem:s25+$0x1200];
	_ =	sdelay $0x2  }
0x1bb: {  	v2 =	vmul.f32 v3, v2;
	_ =	sdelay $0x1  }
0x1bc: {  	v2 =	vadd.f32 v4, v2  }
.Ltmp6:
0x1bd: {  	(pc) =	sbr.rel @p1 .LBB2_16-.Ltmp6, $4  }
0x1be: {  	s25 =	sadd.s32 s28, s24;
	[tilespmem:s26+$0x300] =	vst v2  }
0x1bf: {  	s23 =	sor.u32 s28, s23;
	v3 =	vld [tilespmem:s25+$0x300]  }
0x1c0: {  	v4 =	vld [tilespmem:s23+$0x200]  }
0x1c1: {  	v2 =	vld [tilespmem:s23+$0x1200]  }
0x1c2: {  	(v2sf) =	vpush v1, $0x7;
	_ =	sdelay $0xe  }
0x1c3: {  	s20 =	spop (v2sf)  }
0x1c4: {  	s22 =	simm.s32 $0x0;
	v3 =	vmul.f32 v4, v3;
	s21 =	sshll.u32 s20, $0xA;
	s20 =	sshll.u32 s20, $0x7  }
0x1c5: {  	s23 =	simm.s32 $0x0;
	s21 =	sand.u32 $0xFFFFF000, s21;
	s20 =	sand.u32 $0x180, s20  }
0x1c6: {  	s22 =	sand.u32 $0x3FFFFC00, s22;
	v2 =	vadd.f32 v2, v3;
	s20 =	sor.u32 s20, s21;
	s21 =	simm.s32 $0x0  }
0x1c7: {  	s23 =	sand.u32 $0xFFFFFE00, s23;
	s22 =	sadd.s32 s22, s19;
	s24 =	sand.u32 $0x40, s21  }
0x1c8: {  	[tilespmem:s25+$0x300] =	vst v2;
	s23 =	sadd.s32 s20, s23;
	s31 =	sadd.s32 s24, s22  }
0x1c9: {  	s26 =	sor.u32 s24, s23;
	v2 =	vld [tilespmem:s31+$0x380]  }
0x1ca: {  	v3 =	vld [tilespmem:s26+$0x200];
	_ =	sdelay $0x1  }
0x1cb: {  	v4 =	vld [tilespmem:s26+$0x1200];
	_ =	sdelay $0x2  }
0x1cc: {  	v2 =	vmul.f32 v3, v2;
	_ =	sdelay $0x1  }
0x1cd: {  	v2 =	vadd.f32 v4, v2  }
0x1ce: {  	s28 =	sor.u32 $0x10, s24  }
0x1cf: {  	s29 =	sadd.s32 s28, s22;
	[tilespmem:s31+$0x380] =	vst v2  }
0x1d0: {  	s26 =	sor.u32 s28, s23;
	v2 =	vld [tilespmem:s29+$0x380]  }
0x1d1: {  	v3 =	vld [tilespmem:s26+$0x200];
	_ =	sdelay $0x1  }
0x1d2: {  	v4 =	vld [tilespmem:s26+$0x1200];
	_ =	sdelay $0x2  }
0x1d3: {  	v2 =	vmul.f32 v3, v2;
	_ =	sdelay $0x1  }
0x1d4: {  	v2 =	vadd.f32 v4, v2  }
0x1d5: {  	s30 =	sor.u32 $0x20, s24  }
0x1d6: {  	s31 =	sadd.s32 s30, s22;
	[tilespmem:s29+$0x380] =	vst v2  }
0x1d7: {  	s26 =	sor.u32 s30, s23;
	v2 =	vld [tilespmem:s31+$0x380]  }
0x1d8: {  	v3 =	vld [tilespmem:s26+$0x200];
	_ =	sdelay $0x1  }
0x1d9: {  	v4 =	vld [tilespmem:s26+$0x1200];
	_ =	sdelay $0x2  }
0x1da: {  	v2 =	vmul.f32 v3, v2;
	_ =	sdelay $0x1  }
0x1db: {  	v2 =	vadd.f32 v4, v2  }
0x1dc: {  	s24 =	sor.u32 $0x30, s24  }
0x1dd: {  	s25 =	sadd.s32 s24, s22;
	[tilespmem:s31+$0x380] =	vst v2  }
0x1de: {  	s23 =	sor.u32 s24, s23;
	v3 =	vld [tilespmem:s25+$0x380]  }
0x1df: {  	v4 =	vld [tilespmem:s23+$0x200]  }
0x1e0: {  	s22 =	simm.s32 $0x0;
	v2 =	vld [tilespmem:s23+$0x1200]  }
.LBB2_18:
0x1e1: {  	_ =	sdelay $0x2  }
0x1e2: {  	s22 =	sadd.s32 $0x4, s22;
	v3 =	vmul.f32 v4, v3  }
0x1e3: {  	s23 =	sshll.u32 s22, $0x7;
	s24 =	sshll.u32 s22, $0x6;
	p1 =	slt.u32 s22, $0x3C  }
0x1e4: {  	s21 =	sadd.s32 $0x40, s21;
	s23 =	sand.u32 $0x3FFFFC00, s23;
	s26 =	sand.u32 $0xFFFFFE00, s24;
	v2 =	vadd.f32 v2, v3  }
0x1e5: {  	s28 =	sand.u32 $0x40, s21;
	s24 =	sadd.s32 s23, s19;
	s23 =	sadd.s32 s20, s26  }
0x1e6: {  	s30 =	sor.u32 $0x10, s28;
	s26 =	sadd.s32 s28, s24;
	s29 =	sor.u32 s28, s23;
	[tilespmem:s25+$0x380] =	vst v2  }
0x1e7: {  	s25 =	sor.u32 $0x20, s28;
	s28 =	sor.u32 $0x30, s28;
	v2 =	vld [tilespmem:s26+$0x380]  }
0x1e8: {  	v3 =	vld [tilespmem:s29+$0x200];
	_ =	sdelay $0x1  }
0x1e9: {  	v4 =	vld [tilespmem:s29+$0x1200];
	_ =	sdelay $0x2  }
0x1ea: {  	v2 =	vmul.f32 v3, v2;
	_ =	sdelay $0x1  }
0x1eb: {  	v2 =	vadd.f32 v4, v2;
	_ =	sdelay $0x1  }
0x1ec: {  	[tilespmem:s26+$0x380] =	vst v2;
	s26 =	sadd.s32 s30, s24  }
0x1ed: {  	s29 =	sor.u32 s30, s23;
	v2 =	vld [tilespmem:s26+$0x380]  }
0x1ee: {  	v3 =	vld [tilespmem:s29+$0x200];
	_ =	sdelay $0x1  }
0x1ef: {  	v4 =	vld [tilespmem:s29+$0x1200];
	_ =	sdelay $0x2  }
0x1f0: {  	v2 =	vmul.f32 v3, v2;
	_ =	sdelay $0x1  }
0x1f1: {  	v2 =	vadd.f32 v4, v2;
	_ =	sdelay $0x1  }
0x1f2: {  	[tilespmem:s26+$0x380] =	vst v2;
	s26 =	sadd.s32 s25, s24  }
0x1f3: {  	s25 =	sor.u32 s25, s23;
	v2 =	vld [tilespmem:s26+$0x380]  }
0x1f4: {  	v3 =	vld [tilespmem:s25+$0x200];
	_ =	sdelay $0x1  }
0x1f5: {  	v4 =	vld [tilespmem:s25+$0x1200];
	_ =	sdelay $0x2  }
0x1f6: {  	v2 =	vmul.f32 v3, v2;
	_ =	sdelay $0x1  }
0x1f7: {  	v2 =	vadd.f32 v4, v2  }
.Ltmp7:
0x1f8: {  	(pc) =	sbr.rel @p1 .LBB2_18-.Ltmp7, $4  }
0x1f9: {  	s25 =	sadd.s32 s28, s24;
	[tilespmem:s26+$0x380] =	vst v2  }
0x1fa: {  	s23 =	sor.u32 s28, s23;
	v3 =	vld [tilespmem:s25+$0x380]  }
0x1fb: {  	v4 =	vld [tilespmem:s23+$0x200]  }
0x1fc: {  	v2 =	vld [tilespmem:s23+$0x1200]  }
0x1fd: {  	(v2sf) =	vpush v1, $0x8;
	_ =	sdelay $0xe  }
0x1fe: {  	s18 =	sadd.s32 $0x4200, s18;
	s19 =	spop (v2sf)  }
0x1ff: {  	s21 =	simm.s32 $0x0;
	v3 =	vmul.f32 v4, v3;
	s20 =	sshll.u32 s19, $0xA;
	s19 =	sshll.u32 s19, $0x7  }
0x200: {  	s22 =	simm.s32 $0x0;
	s20 =	sand.u32 $0xFFFFF000, s20;
	s19 =	sand.u32 $0x180, s19  }
0x201: {  	s21 =	sand.u32 $0x3FFFFC00, s21;
	v2 =	vadd.f32 v2, v3;
	s19 =	sor.u32 s19, s20;
	s20 =	simm.s32 $0x0  }
0x202: {  	s22 =	sand.u32 $0xFFFFFE00, s22;
	s21 =	sadd.s32 s21, s18;
	s23 =	sand.u32 $0x40, s20  }
0x203: {  	[tilespmem:s25+$0x380] =	vst v2;
	s22 =	sadd.s32 s19, s22;
	s24 =	sadd.s32 s23, s21  }
0x204: {  	s26 =	sor.u32 s23, s22;
	v2 =	vld [tilespmem:s24+$0x0]  }
0x205: {  	v3 =	vld [tilespmem:s26+$0x200];
	_ =	sdelay $0x1  }
0x206: {  	v4 =	vld [tilespmem:s26+$0x1200];
	_ =	sdelay $0x2  }
0x207: {  	v2 =	vmul.f32 v3, v2;
	_ =	sdelay $0x1  }
0x208: {  	v2 =	vadd.f32 v4, v2  }
0x209: {  	s28 =	sor.u32 $0x10, s23  }
0x20a: {  	s29 =	sadd.s32 s28, s21;
	[tilespmem:s24+$0x0] =	vst v2  }
0x20b: {  	s25 =	sor.u32 s28, s22;
	v2 =	vld [tilespmem:s29+$0x0]  }
0x20c: {  	v3 =	vld [tilespmem:s25+$0x200];
	_ =	sdelay $0x1  }
0x20d: {  	v4 =	vld [tilespmem:s25+$0x1200];
	_ =	sdelay $0x2  }
0x20e: {  	v2 =	vmul.f32 v3, v2;
	_ =	sdelay $0x1  }
0x20f: {  	v2 =	vadd.f32 v4, v2  }
0x210: {  	s30 =	sor.u32 $0x20, s23  }
0x211: {  	s31 =	sadd.s32 s30, s21;
	[tilespmem:s29+$0x0] =	vst v2  }
0x212: {  	s25 =	sor.u32 s30, s22;
	v2 =	vld [tilespmem:s31+$0x0]  }
0x213: {  	v3 =	vld [tilespmem:s25+$0x200];
	_ =	sdelay $0x1  }
0x214: {  	v4 =	vld [tilespmem:s25+$0x1200];
	_ =	sdelay $0x2  }
0x215: {  	v2 =	vmul.f32 v3, v2;
	_ =	sdelay $0x1  }
0x216: {  	v2 =	vadd.f32 v4, v2  }
0x217: {  	s23 =	sor.u32 $0x30, s23  }
0x218: {  	s24 =	sadd.s32 s23, s21;
	[tilespmem:s31+$0x0] =	vst v2  }
0x219: {  	s22 =	sor.u32 s23, s22;
	v3 =	vld [tilespmem:s24+$0x0]  }
0x21a: {  	v4 =	vld [tilespmem:s22+$0x200]  }
0x21b: {  	s21 =	simm.s32 $0x0;
	v2 =	vld [tilespmem:s22+$0x1200]  }
.LBB2_20:
0x21c: {  	_ =	sdelay $0x2  }
0x21d: {  	s21 =	sadd.s32 $0x4, s21;
	v3 =	vmul.f32 v4, v3  }
0x21e: {  	s22 =	sshll.u32 s21, $0x7;
	s23 =	sshll.u32 s21, $0x6;
	p1 =	slt.u32 s21, $0x3C  }
0x21f: {  	s20 =	sadd.s32 $0x40, s20;
	s22 =	sand.u32 $0x3FFFFC00, s22;
	s25 =	sand.u32 $0xFFFFFE00, s23;
	v2 =	vadd.f32 v2, v3  }
0x220: {  	s26 =	sand.u32 $0x40, s20;
	s23 =	sadd.s32 s22, s18;
	s22 =	sadd.s32 s19, s25  }
0x221: {  	s29 =	sor.u32 $0x10, s26;
	s25 =	sadd.s32 s26, s23;
	s28 =	sor.u32 s26, s22;
	[tilespmem:s24+$0x0] =	vst v2  }
0x222: {  	s24 =	sor.u32 $0x20, s26;
	s26 =	sor.u32 $0x30, s26;
	v2 =	vld [tilespmem:s25+$0x0]  }
0x223: {  	v3 =	vld [tilespmem:s28+$0x200];
	_ =	sdelay $0x1  }
0x224: {  	v4 =	vld [tilespmem:s28+$0x1200];
	_ =	sdelay $0x2  }
0x225: {  	v2 =	vmul.f32 v3, v2;
	_ =	sdelay $0x1  }
0x226: {  	v2 =	vadd.f32 v4, v2;
	_ =	sdelay $0x1  }
0x227: {  	[tilespmem:s25+$0x0] =	vst v2;
	s25 =	sadd.s32 s29, s23  }
0x228: {  	s28 =	sor.u32 s29, s22;
	v2 =	vld [tilespmem:s25+$0x0]  }
0x229: {  	v3 =	vld [tilespmem:s28+$0x200];
	_ =	sdelay $0x1  }
0x22a: {  	v4 =	vld [tilespmem:s28+$0x1200];
	_ =	sdelay $0x2  }
0x22b: {  	v2 =	vmul.f32 v3, v2;
	_ =	sdelay $0x1  }
0x22c: {  	v2 =	vadd.f32 v4, v2;
	_ =	sdelay $0x1  }
0x22d: {  	[tilespmem:s25+$0x0] =	vst v2;
	s25 =	sadd.s32 s24, s23  }
0x22e: {  	s24 =	sor.u32 s24, s22;
	v2 =	vld [tilespmem:s25+$0x0]  }
0x22f: {  	v3 =	vld [tilespmem:s24+$0x200];
	_ =	sdelay $0x1  }
0x230: {  	v4 =	vld [tilespmem:s24+$0x1200];
	_ =	sdelay $0x2  }
0x231: {  	v2 =	vmul.f32 v3, v2;
	_ =	sdelay $0x1  }
0x232: {  	v2 =	vadd.f32 v4, v2  }
.Ltmp8:
0x233: {  	(pc) =	sbr.rel @p1 .LBB2_20-.Ltmp8, $4  }
0x234: {  	s24 =	sadd.s32 s26, s23;
	[tilespmem:s25+$0x0] =	vst v2  }
0x235: {  	s22 =	sor.u32 s26, s22;
	v3 =	vld [tilespmem:s24+$0x0]  }
0x236: {  	v4 =	vld [tilespmem:s22+$0x200]  }
0x237: {  	v2 =	vld [tilespmem:s22+$0x1200]  }
0x238: {  	(v2sf) =	vpush v1, $0x9;
	_ =	sdelay $0xe  }
0x239: {  	s19 =	spop (v2sf)  }
0x23a: {  	s21 =	simm.s32 $0x0;
	v3 =	vmul.f32 v4, v3;
	s20 =	sshll.u32 s19, $0xA;
	s19 =	sshll.u32 s19, $0x7  }
0x23b: {  	s22 =	simm.s32 $0x0;
	s20 =	sand.u32 $0xFFFFF000, s20;
	s19 =	sand.u32 $0x180, s19  }
0x23c: {  	s21 =	sand.u32 $0x3FFFFC00, s21;
	v2 =	vadd.f32 v2, v3;
	s19 =	sor.u32 s19, s20;
	s20 =	simm.s32 $0x0  }
0x23d: {  	s22 =	sand.u32 $0xFFFFFE00, s22;
	s21 =	sadd.s32 s21, s18;
	s23 =	sand.u32 $0x40, s20  }
0x23e: {  	[tilespmem:s24+$0x0] =	vst v2;
	s22 =	sadd.s32 s19, s22;
	s26 =	sadd.s32 s23, s21  }
0x23f: {  	s25 =	sor.u32 s23, s22;
	v2 =	vld [tilespmem:s26+$0x80]  }
0x240: {  	v3 =	vld [tilespmem:s25+$0x200];
	_ =	sdelay $0x1  }
0x241: {  	v4 =	vld [tilespmem:s25+$0x1200];
	_ =	sdelay $0x2  }
0x242: {  	v2 =	vmul.f32 v3, v2;
	_ =	sdelay $0x1  }
0x243: {  	v2 =	vadd.f32 v4, v2  }
0x244: {  	s28 =	sor.u32 $0x10, s23  }
0x245: {  	s29 =	sadd.s32 s28, s21;
	[tilespmem:s26+$0x80] =	vst v2  }
0x246: {  	s25 =	sor.u32 s28, s22;
	v2 =	vld [tilespmem:s29+$0x80]  }
0x247: {  	v3 =	vld [tilespmem:s25+$0x200];
	_ =	sdelay $0x1  }
0x248: {  	v4 =	vld [tilespmem:s25+$0x1200];
	_ =	sdelay $0x2  }
0x249: {  	v2 =	vmul.f32 v3, v2;
	_ =	sdelay $0x1  }
0x24a: {  	v2 =	vadd.f32 v4, v2  }
0x24b: {  	s30 =	sor.u32 $0x20, s23  }
0x24c: {  	s31 =	sadd.s32 s30, s21;
	[tilespmem:s29+$0x80] =	vst v2  }
0x24d: {  	s25 =	sor.u32 s30, s22;
	v2 =	vld [tilespmem:s31+$0x80]  }
0x24e: {  	v3 =	vld [tilespmem:s25+$0x200];
	_ =	sdelay $0x1  }
0x24f: {  	v4 =	vld [tilespmem:s25+$0x1200];
	_ =	sdelay $0x2  }
0x250: {  	v2 =	vmul.f32 v3, v2;
	_ =	sdelay $0x1  }
0x251: {  	v2 =	vadd.f32 v4, v2  }
0x252: {  	s23 =	sor.u32 $0x30, s23  }
0x253: {  	s24 =	sadd.s32 s23, s21;
	[tilespmem:s31+$0x80] =	vst v2  }
0x254: {  	s22 =	sor.u32 s23, s22;
	v3 =	vld [tilespmem:s24+$0x80]  }
0x255: {  	v4 =	vld [tilespmem:s22+$0x200]  }
0x256: {  	s21 =	simm.s32 $0x0;
	v2 =	vld [tilespmem:s22+$0x1200]  }
.LBB2_22:
0x257: {  	_ =	sdelay $0x2  }
0x258: {  	s21 =	sadd.s32 $0x4, s21;
	v3 =	vmul.f32 v4, v3  }
0x259: {  	s22 =	sshll.u32 s21, $0x7;
	s23 =	sshll.u32 s21, $0x6;
	p1 =	slt.u32 s21, $0x3C  }
0x25a: {  	s20 =	sadd.s32 $0x40, s20;
	s22 =	sand.u32 $0x3FFFFC00, s22;
	s25 =	sand.u32 $0xFFFFFE00, s23;
	v2 =	vadd.f32 v2, v3  }
0x25b: {  	s26 =	sand.u32 $0x40, s20;
	s23 =	sadd.s32 s22, s18;
	s22 =	sadd.s32 s19, s25  }
0x25c: {  	s29 =	sor.u32 $0x10, s26;
	s25 =	sadd.s32 s26, s23;
	s28 =	sor.u32 s26, s22;
	[tilespmem:s24+$0x80] =	vst v2  }
0x25d: {  	s24 =	sor.u32 $0x20, s26;
	s26 =	sor.u32 $0x30, s26;
	v2 =	vld [tilespmem:s25+$0x80]  }
0x25e: {  	v3 =	vld [tilespmem:s28+$0x200];
	_ =	sdelay $0x1  }
0x25f: {  	v4 =	vld [tilespmem:s28+$0x1200];
	_ =	sdelay $0x2  }
0x260: {  	v2 =	vmul.f32 v3, v2;
	_ =	sdelay $0x1  }
0x261: {  	v2 =	vadd.f32 v4, v2;
	_ =	sdelay $0x1  }
0x262: {  	[tilespmem:s25+$0x80] =	vst v2;
	s25 =	sadd.s32 s29, s23  }
0x263: {  	s28 =	sor.u32 s29, s22;
	v2 =	vld [tilespmem:s25+$0x80]  }
0x264: {  	v3 =	vld [tilespmem:s28+$0x200];
	_ =	sdelay $0x1  }
0x265: {  	v4 =	vld [tilespmem:s28+$0x1200];
	_ =	sdelay $0x2  }
0x266: {  	v2 =	vmul.f32 v3, v2;
	_ =	sdelay $0x1  }
0x267: {  	v2 =	vadd.f32 v4, v2;
	_ =	sdelay $0x1  }
0x268: {  	[tilespmem:s25+$0x80] =	vst v2;
	s25 =	sadd.s32 s24, s23  }
0x269: {  	s24 =	sor.u32 s24, s22;
	v2 =	vld [tilespmem:s25+$0x80]  }
0x26a: {  	v3 =	vld [tilespmem:s24+$0x200];
	_ =	sdelay $0x1  }
0x26b: {  	v4 =	vld [tilespmem:s24+$0x1200];
	_ =	sdelay $0x2  }
0x26c: {  	v2 =	vmul.f32 v3, v2;
	_ =	sdelay $0x1  }
0x26d: {  	v2 =	vadd.f32 v4, v2  }
.Ltmp9:
0x26e: {  	(pc) =	sbr.rel @p1 .LBB2_22-.Ltmp9, $4  }
0x26f: {  	s24 =	sadd.s32 s26, s23;
	[tilespmem:s25+$0x80] =	vst v2  }
0x270: {  	s22 =	sor.u32 s26, s22;
	v3 =	vld [tilespmem:s24+$0x80]  }
0x271: {  	v4 =	vld [tilespmem:s22+$0x200]  }
0x272: {  	v2 =	vld [tilespmem:s22+$0x1200]  }
0x273: {  	(v2sf) =	vpush v1, $0xA;
	_ =	sdelay $0xe  }
0x274: {  	s19 =	spop (v2sf)  }
0x275: {  	s21 =	simm.s32 $0x0;
	v3 =	vmul.f32 v4, v3;
	s20 =	sshll.u32 s19, $0xA;
	s19 =	sshll.u32 s19, $0x7  }
0x276: {  	s22 =	simm.s32 $0x0;
	s20 =	sand.u32 $0xFFFFF000, s20;
	s19 =	sand.u32 $0x180, s19  }
0x277: {  	s21 =	sand.u32 $0x3FFFFC00, s21;
	v2 =	vadd.f32 v2, v3;
	s19 =	sor.u32 s19, s20;
	s20 =	simm.s32 $0x0  }
0x278: {  	s22 =	sand.u32 $0xFFFFFE00, s22;
	s21 =	sadd.s32 s21, s18;
	s23 =	sand.u32 $0x40, s20  }
0x279: {  	[tilespmem:s24+$0x80] =	vst v2;
	s22 =	sadd.s32 s19, s22;
	s26 =	sadd.s32 s23, s21  }
0x27a: {  	s25 =	sor.u32 s23, s22;
	v2 =	vld [tilespmem:s26+$0x100]  }
0x27b: {  	v3 =	vld [tilespmem:s25+$0x200];
	_ =	sdelay $0x1  }
0x27c: {  	v4 =	vld [tilespmem:s25+$0x1200];
	_ =	sdelay $0x2  }
0x27d: {  	v2 =	vmul.f32 v3, v2;
	_ =	sdelay $0x1  }
0x27e: {  	v2 =	vadd.f32 v4, v2  }
0x27f: {  	s28 =	sor.u32 $0x10, s23  }
0x280: {  	s29 =	sadd.s32 s28, s21;
	[tilespmem:s26+$0x100] =	vst v2  }
0x281: {  	s25 =	sor.u32 s28, s22;
	v2 =	vld [tilespmem:s29+$0x100]  }
0x282: {  	v3 =	vld [tilespmem:s25+$0x200];
	_ =	sdelay $0x1  }
0x283: {  	v4 =	vld [tilespmem:s25+$0x1200];
	_ =	sdelay $0x2  }
0x284: {  	v2 =	vmul.f32 v3, v2;
	_ =	sdelay $0x1  }
0x285: {  	v2 =	vadd.f32 v4, v2  }
0x286: {  	s30 =	sor.u32 $0x20, s23  }
0x287: {  	s31 =	sadd.s32 s30, s21;
	[tilespmem:s29+$0x100] =	vst v2  }
0x288: {  	s25 =	sor.u32 s30, s22;
	v2 =	vld [tilespmem:s31+$0x100]  }
0x289: {  	v3 =	vld [tilespmem:s25+$0x200];
	_ =	sdelay $0x1  }
0x28a: {  	v4 =	vld [tilespmem:s25+$0x1200];
	_ =	sdelay $0x2  }
0x28b: {  	v2 =	vmul.f32 v3, v2;
	_ =	sdelay $0x1  }
0x28c: {  	v2 =	vadd.f32 v4, v2  }
0x28d: {  	s23 =	sor.u32 $0x30, s23  }
0x28e: {  	s24 =	sadd.s32 s23, s21;
	[tilespmem:s31+$0x100] =	vst v2  }
0x28f: {  	s22 =	sor.u32 s23, s22;
	v3 =	vld [tilespmem:s24+$0x100]  }
0x290: {  	v4 =	vld [tilespmem:s22+$0x200]  }
0x291: {  	s21 =	simm.s32 $0x0;
	v2 =	vld [tilespmem:s22+$0x1200]  }
.LBB2_24:
0x292: {  	_ =	sdelay $0x2  }
0x293: {  	s21 =	sadd.s32 $0x4, s21;
	v3 =	vmul.f32 v4, v3  }
0x294: {  	s22 =	sshll.u32 s21, $0x7;
	s23 =	sshll.u32 s21, $0x6;
	p1 =	slt.u32 s21, $0x3C  }
0x295: {  	s20 =	sadd.s32 $0x40, s20;
	s22 =	sand.u32 $0x3FFFFC00, s22;
	s25 =	sand.u32 $0xFFFFFE00, s23;
	v2 =	vadd.f32 v2, v3  }
0x296: {  	s26 =	sand.u32 $0x40, s20;
	s23 =	sadd.s32 s22, s18;
	s22 =	sadd.s32 s19, s25  }
0x297: {  	s29 =	sor.u32 $0x10, s26;
	s25 =	sadd.s32 s26, s23;
	s28 =	sor.u32 s26, s22;
	[tilespmem:s24+$0x100] =	vst v2  }
0x298: {  	s24 =	sor.u32 $0x20, s26;
	s26 =	sor.u32 $0x30, s26;
	v2 =	vld [tilespmem:s25+$0x100]  }
0x299: {  	v3 =	vld [tilespmem:s28+$0x200];
	_ =	sdelay $0x1  }
0x29a: {  	v4 =	vld [tilespmem:s28+$0x1200];
	_ =	sdelay $0x2  }
0x29b: {  	v2 =	vmul.f32 v3, v2;
	_ =	sdelay $0x1  }
0x29c: {  	v2 =	vadd.f32 v4, v2;
	_ =	sdelay $0x1  }
0x29d: {  	[tilespmem:s25+$0x100] =	vst v2;
	s25 =	sadd.s32 s29, s23  }
0x29e: {  	s28 =	sor.u32 s29, s22;
	v2 =	vld [tilespmem:s25+$0x100]  }
0x29f: {  	v3 =	vld [tilespmem:s28+$0x200];
	_ =	sdelay $0x1  }
0x2a0: {  	v4 =	vld [tilespmem:s28+$0x1200];
	_ =	sdelay $0x2  }
0x2a1: {  	v2 =	vmul.f32 v3, v2;
	_ =	sdelay $0x1  }
0x2a2: {  	v2 =	vadd.f32 v4, v2;
	_ =	sdelay $0x1  }
0x2a3: {  	[tilespmem:s25+$0x100] =	vst v2;
	s25 =	sadd.s32 s24, s23  }
0x2a4: {  	s24 =	sor.u32 s24, s22;
	v2 =	vld [tilespmem:s25+$0x100]  }
0x2a5: {  	v3 =	vld [tilespmem:s24+$0x200];
	_ =	sdelay $0x1  }
0x2a6: {  	v4 =	vld [tilespmem:s24+$0x1200];
	_ =	sdelay $0x2  }
0x2a7: {  	v2 =	vmul.f32 v3, v2;
	_ =	sdelay $0x1  }
0x2a8: {  	v2 =	vadd.f32 v4, v2  }
.Ltmp10:
0x2a9: {  	(pc) =	sbr.rel @p1 .LBB2_24-.Ltmp10, $4  }
0x2aa: {  	s24 =	sadd.s32 s26, s23;
	[tilespmem:s25+$0x100] =	vst v2  }
0x2ab: {  	s22 =	sor.u32 s26, s22;
	v3 =	vld [tilespmem:s24+$0x100]  }
0x2ac: {  	v4 =	vld [tilespmem:s22+$0x200]  }
0x2ad: {  	v2 =	vld [tilespmem:s22+$0x1200]  }
0x2ae: {  	(v2sf) =	vpush v1, $0xB;
	_ =	sdelay $0xe  }
0x2af: {  	s19 =	spop (v2sf)  }
0x2b0: {  	s21 =	simm.s32 $0x0;
	v3 =	vmul.f32 v4, v3;
	s20 =	sshll.u32 s19, $0xA;
	s19 =	sshll.u32 s19, $0x7  }
0x2b1: {  	s22 =	simm.s32 $0x0;
	s20 =	sand.u32 $0xFFFFF000, s20;
	s19 =	sand.u32 $0x180, s19  }
0x2b2: {  	s21 =	sand.u32 $0x3FFFFC00, s21;
	v2 =	vadd.f32 v2, v3;
	s19 =	sor.u32 s19, s20;
	s20 =	simm.s32 $0x0  }
0x2b3: {  	s22 =	sand.u32 $0xFFFFFE00, s22;
	s21 =	sadd.s32 s21, s18;
	s23 =	sand.u32 $0x40, s20  }
0x2b4: {  	[tilespmem:s24+$0x100] =	vst v2;
	s22 =	sadd.s32 s19, s22;
	s26 =	sadd.s32 s23, s21  }
0x2b5: {  	s25 =	sor.u32 s23, s22;
	v2 =	vld [tilespmem:s26+$0x180]  }
0x2b6: {  	v3 =	vld [tilespmem:s25+$0x200];
	_ =	sdelay $0x1  }
0x2b7: {  	v4 =	vld [tilespmem:s25+$0x1200];
	_ =	sdelay $0x2  }
0x2b8: {  	v2 =	vmul.f32 v3, v2;
	_ =	sdelay $0x1  }
0x2b9: {  	v2 =	vadd.f32 v4, v2  }
0x2ba: {  	s28 =	sor.u32 $0x10, s23  }
0x2bb: {  	s29 =	sadd.s32 s28, s21;
	[tilespmem:s26+$0x180] =	vst v2  }
0x2bc: {  	s25 =	sor.u32 s28, s22;
	v2 =	vld [tilespmem:s29+$0x180]  }
0x2bd: {  	v3 =	vld [tilespmem:s25+$0x200];
	_ =	sdelay $0x1  }
0x2be: {  	v4 =	vld [tilespmem:s25+$0x1200];
	_ =	sdelay $0x2  }
0x2bf: {  	v2 =	vmul.f32 v3, v2;
	_ =	sdelay $0x1  }
0x2c0: {  	v2 =	vadd.f32 v4, v2  }
0x2c1: {  	s30 =	sor.u32 $0x20, s23  }
0x2c2: {  	s31 =	sadd.s32 s30, s21;
	[tilespmem:s29+$0x180] =	vst v2  }
0x2c3: {  	s25 =	sor.u32 s30, s22;
	v2 =	vld [tilespmem:s31+$0x180]  }
0x2c4: {  	v3 =	vld [tilespmem:s25+$0x200];
	_ =	sdelay $0x1  }
0x2c5: {  	v4 =	vld [tilespmem:s25+$0x1200];
	_ =	sdelay $0x2  }
0x2c6: {  	v2 =	vmul.f32 v3, v2;
	_ =	sdelay $0x1  }
0x2c7: {  	v2 =	vadd.f32 v4, v2  }
0x2c8: {  	s23 =	sor.u32 $0x30, s23  }
0x2c9: {  	s24 =	sadd.s32 s23, s21;
	[tilespmem:s31+$0x180] =	vst v2  }
0x2ca: {  	s22 =	sor.u32 s23, s22;
	v3 =	vld [tilespmem:s24+$0x180]  }
0x2cb: {  	v4 =	vld [tilespmem:s22+$0x200]  }
0x2cc: {  	s21 =	simm.s32 $0x0;
	v2 =	vld [tilespmem:s22+$0x1200]  }
.LBB2_26:
0x2cd: {  	_ =	sdelay $0x2  }
0x2ce: {  	s21 =	sadd.s32 $0x4, s21;
	v3 =	vmul.f32 v4, v3  }
0x2cf: {  	s22 =	sshll.u32 s21, $0x7;
	s23 =	sshll.u32 s21, $0x6;
	p1 =	slt.u32 s21, $0x3C  }
0x2d0: {  	s20 =	sadd.s32 $0x40, s20;
	s22 =	sand.u32 $0x3FFFFC00, s22;
	s25 =	sand.u32 $0xFFFFFE00, s23;
	v2 =	vadd.f32 v2, v3  }
0x2d1: {  	s26 =	sand.u32 $0x40, s20;
	s23 =	sadd.s32 s22, s18;
	s22 =	sadd.s32 s19, s25  }
0x2d2: {  	s29 =	sor.u32 $0x10, s26;
	s25 =	sadd.s32 s26, s23;
	s28 =	sor.u32 s26, s22;
	[tilespmem:s24+$0x180] =	vst v2  }
0x2d3: {  	s24 =	sor.u32 $0x20, s26;
	s26 =	sor.u32 $0x30, s26;
	v2 =	vld [tilespmem:s25+$0x180]  }
0x2d4: {  	v3 =	vld [tilespmem:s28+$0x200];
	_ =	sdelay $0x1  }
0x2d5: {  	v4 =	vld [tilespmem:s28+$0x1200];
	_ =	sdelay $0x2  }
0x2d6: {  	v2 =	vmul.f32 v3, v2;
	_ =	sdelay $0x1  }
0x2d7: {  	v2 =	vadd.f32 v4, v2;
	_ =	sdelay $0x1  }
0x2d8: {  	[tilespmem:s25+$0x180] =	vst v2;
	s25 =	sadd.s32 s29, s23  }
0x2d9: {  	s28 =	sor.u32 s29, s22;
	v2 =	vld [tilespmem:s25+$0x180]  }
0x2da: {  	v3 =	vld [tilespmem:s28+$0x200];
	_ =	sdelay $0x1  }
0x2db: {  	v4 =	vld [tilespmem:s28+$0x1200];
	_ =	sdelay $0x2  }
0x2dc: {  	v2 =	vmul.f32 v3, v2;
	_ =	sdelay $0x1  }
0x2dd: {  	v2 =	vadd.f32 v4, v2;
	_ =	sdelay $0x1  }
0x2de: {  	[tilespmem:s25+$0x180] =	vst v2;
	s25 =	sadd.s32 s24, s23  }
0x2df: {  	s24 =	sor.u32 s24, s22;
	v2 =	vld [tilespmem:s25+$0x180]  }
0x2e0: {  	v3 =	vld [tilespmem:s24+$0x200];
	_ =	sdelay $0x1  }
0x2e1: {  	v4 =	vld [tilespmem:s24+$0x1200];
	_ =	sdelay $0x2  }
0x2e2: {  	v2 =	vmul.f32 v3, v2;
	_ =	sdelay $0x1  }
0x2e3: {  	v2 =	vadd.f32 v4, v2  }
.Ltmp11:
0x2e4: {  	(pc) =	sbr.rel @p1 .LBB2_26-.Ltmp11, $4  }
0x2e5: {  	s24 =	sadd.s32 s26, s23;
	[tilespmem:s25+$0x180] =	vst v2  }
0x2e6: {  	s22 =	sor.u32 s26, s22;
	v3 =	vld [tilespmem:s24+$0x180]  }
0x2e7: {  	v4 =	vld [tilespmem:s22+$0x200]  }
0x2e8: {  	v2 =	vld [tilespmem:s22+$0x1200]  }
0x2e9: {  	(v2sf) =	vpush v1, $0xC;
	_ =	sdelay $0xe  }
0x2ea: {  	s19 =	spop (v2sf)  }
0x2eb: {  	s21 =	simm.s32 $0x0;
	v3 =	vmul.f32 v4, v3;
	s20 =	sshll.u32 s19, $0xA;
	s19 =	sshll.u32 s19, $0x7  }
0x2ec: {  	s22 =	simm.s32 $0x0;
	s20 =	sand.u32 $0xFFFFF000, s20;
	s19 =	sand.u32 $0x180, s19  }
0x2ed: {  	s21 =	sand.u32 $0x3FFFFC00, s21;
	v2 =	vadd.f32 v2, v3;
	s19 =	sor.u32 s19, s20;
	s20 =	simm.s32 $0x0  }
0x2ee: {  	s22 =	sand.u32 $0xFFFFFE00, s22;
	s21 =	sadd.s32 s21, s18;
	s23 =	sand.u32 $0x40, s20  }
0x2ef: {  	[tilespmem:s24+$0x180] =	vst v2;
	s22 =	sadd.s32 s19, s22;
	s26 =	sadd.s32 s23, s21  }
0x2f0: {  	s25 =	sor.u32 s23, s22;
	v2 =	vld [tilespmem:s26+$0x200]  }
0x2f1: {  	v3 =	vld [tilespmem:s25+$0x200];
	_ =	sdelay $0x1  }
0x2f2: {  	v4 =	vld [tilespmem:s25+$0x1200];
	_ =	sdelay $0x2  }
0x2f3: {  	v2 =	vmul.f32 v3, v2;
	_ =	sdelay $0x1  }
0x2f4: {  	v2 =	vadd.f32 v4, v2  }
0x2f5: {  	s28 =	sor.u32 $0x10, s23  }
0x2f6: {  	s29 =	sadd.s32 s28, s21;
	[tilespmem:s26+$0x200] =	vst v2  }
0x2f7: {  	s25 =	sor.u32 s28, s22;
	v2 =	vld [tilespmem:s29+$0x200]  }
0x2f8: {  	v3 =	vld [tilespmem:s25+$0x200];
	_ =	sdelay $0x1  }
0x2f9: {  	v4 =	vld [tilespmem:s25+$0x1200];
	_ =	sdelay $0x2  }
0x2fa: {  	v2 =	vmul.f32 v3, v2;
	_ =	sdelay $0x1  }
0x2fb: {  	v2 =	vadd.f32 v4, v2  }
0x2fc: {  	s30 =	sor.u32 $0x20, s23  }
0x2fd: {  	s31 =	sadd.s32 s30, s21;
	[tilespmem:s29+$0x200] =	vst v2  }
0x2fe: {  	s25 =	sor.u32 s30, s22;
	v2 =	vld [tilespmem:s31+$0x200]  }
0x2ff: {  	v3 =	vld [tilespmem:s25+$0x200];
	_ =	sdelay $0x1  }
0x300: {  	v4 =	vld [tilespmem:s25+$0x1200];
	_ =	sdelay $0x2  }
0x301: {  	v2 =	vmul.f32 v3, v2;
	_ =	sdelay $0x1  }
0x302: {  	v2 =	vadd.f32 v4, v2  }
0x303: {  	s23 =	sor.u32 $0x30, s23  }
0x304: {  	s24 =	sadd.s32 s23, s21;
	[tilespmem:s31+$0x200] =	vst v2  }
0x305: {  	s22 =	sor.u32 s23, s22;
	v3 =	vld [tilespmem:s24+$0x200]  }
0x306: {  	v4 =	vld [tilespmem:s22+$0x200]  }
0x307: {  	s21 =	simm.s32 $0x0;
	v2 =	vld [tilespmem:s22+$0x1200]  }
.LBB2_28:
0x308: {  	_ =	sdelay $0x2  }
0x309: {  	s21 =	sadd.s32 $0x4, s21;
	v3 =	vmul.f32 v4, v3  }
0x30a: {  	s22 =	sshll.u32 s21, $0x7;
	s23 =	sshll.u32 s21, $0x6;
	p1 =	slt.u32 s21, $0x3C  }
0x30b: {  	s20 =	sadd.s32 $0x40, s20;
	s22 =	sand.u32 $0x3FFFFC00, s22;
	s25 =	sand.u32 $0xFFFFFE00, s23;
	v2 =	vadd.f32 v2, v3  }
0x30c: {  	s26 =	sand.u32 $0x40, s20;
	s23 =	sadd.s32 s22, s18;
	s22 =	sadd.s32 s19, s25  }
0x30d: {  	s29 =	sor.u32 $0x10, s26;
	s25 =	sadd.s32 s26, s23;
	s28 =	sor.u32 s26, s22;
	[tilespmem:s24+$0x200] =	vst v2  }
0x30e: {  	s24 =	sor.u32 $0x20, s26;
	s26 =	sor.u32 $0x30, s26;
	v2 =	vld [tilespmem:s25+$0x200]  }
0x30f: {  	v3 =	vld [tilespmem:s28+$0x200];
	_ =	sdelay $0x1  }
0x310: {  	v4 =	vld [tilespmem:s28+$0x1200];
	_ =	sdelay $0x2  }
0x311: {  	v2 =	vmul.f32 v3, v2;
	_ =	sdelay $0x1  }
0x312: {  	v2 =	vadd.f32 v4, v2;
	_ =	sdelay $0x1  }
0x313: {  	[tilespmem:s25+$0x200] =	vst v2;
	s25 =	sadd.s32 s29, s23  }
0x314: {  	s28 =	sor.u32 s29, s22;
	v2 =	vld [tilespmem:s25+$0x200]  }
0x315: {  	v3 =	vld [tilespmem:s28+$0x200];
	_ =	sdelay $0x1  }
0x316: {  	v4 =	vld [tilespmem:s28+$0x1200];
	_ =	sdelay $0x2  }
0x317: {  	v2 =	vmul.f32 v3, v2;
	_ =	sdelay $0x1  }
0x318: {  	v2 =	vadd.f32 v4, v2;
	_ =	sdelay $0x1  }
0x319: {  	[tilespmem:s25+$0x200] =	vst v2;
	s25 =	sadd.s32 s24, s23  }
0x31a: {  	s24 =	sor.u32 s24, s22;
	v2 =	vld [tilespmem:s25+$0x200]  }
0x31b: {  	v3 =	vld [tilespmem:s24+$0x200];
	_ =	sdelay $0x1  }
0x31c: {  	v4 =	vld [tilespmem:s24+$0x1200];
	_ =	sdelay $0x2  }
0x31d: {  	v2 =	vmul.f32 v3, v2;
	_ =	sdelay $0x1  }
0x31e: {  	v2 =	vadd.f32 v4, v2  }
.Ltmp12:
0x31f: {  	(pc) =	sbr.rel @p1 .LBB2_28-.Ltmp12, $4  }
0x320: {  	s24 =	sadd.s32 s26, s23;
	[tilespmem:s25+$0x200] =	vst v2  }
0x321: {  	s22 =	sor.u32 s26, s22;
	v3 =	vld [tilespmem:s24+$0x200]  }
0x322: {  	v4 =	vld [tilespmem:s22+$0x200]  }
0x323: {  	v2 =	vld [tilespmem:s22+$0x1200]  }
0x324: {  	(v2sf) =	vpush v1, $0xD;
	_ =	sdelay $0xe  }
0x325: {  	s19 =	spop (v2sf)  }
0x326: {  	s21 =	simm.s32 $0x0;
	v3 =	vmul.f32 v4, v3;
	s20 =	sshll.u32 s19, $0xA;
	s19 =	sshll.u32 s19, $0x7  }
0x327: {  	s22 =	simm.s32 $0x0;
	s20 =	sand.u32 $0xFFFFF000, s20;
	s19 =	sand.u32 $0x180, s19  }
0x328: {  	s21 =	sand.u32 $0x3FFFFC00, s21;
	v2 =	vadd.f32 v2, v3;
	s19 =	sor.u32 s19, s20;
	s20 =	simm.s32 $0x0  }
0x329: {  	s22 =	sand.u32 $0xFFFFFE00, s22;
	s21 =	sadd.s32 s21, s18;
	s23 =	sand.u32 $0x40, s20  }
0x32a: {  	[tilespmem:s24+$0x200] =	vst v2;
	s22 =	sadd.s32 s19, s22;
	s26 =	sadd.s32 s23, s21  }
0x32b: {  	s25 =	sor.u32 s23, s22;
	v2 =	vld [tilespmem:s26+$0x280]  }
0x32c: {  	v3 =	vld [tilespmem:s25+$0x200];
	_ =	sdelay $0x1  }
0x32d: {  	v4 =	vld [tilespmem:s25+$0x1200];
	_ =	sdelay $0x2  }
0x32e: {  	v2 =	vmul.f32 v3, v2;
	_ =	sdelay $0x1  }
0x32f: {  	v2 =	vadd.f32 v4, v2  }
0x330: {  	s28 =	sor.u32 $0x10, s23  }
0x331: {  	s29 =	sadd.s32 s28, s21;
	[tilespmem:s26+$0x280] =	vst v2  }
0x332: {  	s25 =	sor.u32 s28, s22;
	v2 =	vld [tilespmem:s29+$0x280]  }
0x333: {  	v3 =	vld [tilespmem:s25+$0x200];
	_ =	sdelay $0x1  }
0x334: {  	v4 =	vld [tilespmem:s25+$0x1200];
	_ =	sdelay $0x2  }
0x335: {  	v2 =	vmul.f32 v3, v2;
	_ =	sdelay $0x1  }
0x336: {  	v2 =	vadd.f32 v4, v2  }
0x337: {  	s30 =	sor.u32 $0x20, s23  }
0x338: {  	s31 =	sadd.s32 s30, s21;
	[tilespmem:s29+$0x280] =	vst v2  }
0x339: {  	s25 =	sor.u32 s30, s22;
	v2 =	vld [tilespmem:s31+$0x280]  }
0x33a: {  	v3 =	vld [tilespmem:s25+$0x200];
	_ =	sdelay $0x1  }
0x33b: {  	v4 =	vld [tilespmem:s25+$0x1200];
	_ =	sdelay $0x2  }
0x33c: {  	v2 =	vmul.f32 v3, v2;
	_ =	sdelay $0x1  }
0x33d: {  	v2 =	vadd.f32 v4, v2  }
0x33e: {  	s23 =	sor.u32 $0x30, s23  }
0x33f: {  	s24 =	sadd.s32 s23, s21;
	[tilespmem:s31+$0x280] =	vst v2  }
0x340: {  	s22 =	sor.u32 s23, s22;
	v3 =	vld [tilespmem:s24+$0x280]  }
0x341: {  	v4 =	vld [tilespmem:s22+$0x200]  }
0x342: {  	s21 =	simm.s32 $0x0;
	v2 =	vld [tilespmem:s22+$0x1200]  }
.LBB2_30:
0x343: {  	_ =	sdelay $0x2  }
0x344: {  	s21 =	sadd.s32 $0x4, s21;
	v3 =	vmul.f32 v4, v3  }
0x345: {  	s22 =	sshll.u32 s21, $0x7;
	s23 =	sshll.u32 s21, $0x6;
	p1 =	slt.u32 s21, $0x3C  }
0x346: {  	s20 =	sadd.s32 $0x40, s20;
	s22 =	sand.u32 $0x3FFFFC00, s22;
	s25 =	sand.u32 $0xFFFFFE00, s23;
	v2 =	vadd.f32 v2, v3  }
0x347: {  	s26 =	sand.u32 $0x40, s20;
	s23 =	sadd.s32 s22, s18;
	s22 =	sadd.s32 s19, s25  }
0x348: {  	s29 =	sor.u32 $0x10, s26;
	s25 =	sadd.s32 s26, s23;
	s28 =	sor.u32 s26, s22;
	[tilespmem:s24+$0x280] =	vst v2  }
0x349: {  	s24 =	sor.u32 $0x20, s26;
	s26 =	sor.u32 $0x30, s26;
	v2 =	vld [tilespmem:s25+$0x280]  }
0x34a: {  	v3 =	vld [tilespmem:s28+$0x200];
	_ =	sdelay $0x1  }
0x34b: {  	v4 =	vld [tilespmem:s28+$0x1200];
	_ =	sdelay $0x2  }
0x34c: {  	v2 =	vmul.f32 v3, v2;
	_ =	sdelay $0x1  }
0x34d: {  	v2 =	vadd.f32 v4, v2;
	_ =	sdelay $0x1  }
0x34e: {  	[tilespmem:s25+$0x280] =	vst v2;
	s25 =	sadd.s32 s29, s23  }
0x34f: {  	s28 =	sor.u32 s29, s22;
	v2 =	vld [tilespmem:s25+$0x280]  }
0x350: {  	v3 =	vld [tilespmem:s28+$0x200];
	_ =	sdelay $0x1  }
0x351: {  	v4 =	vld [tilespmem:s28+$0x1200];
	_ =	sdelay $0x2  }
0x352: {  	v2 =	vmul.f32 v3, v2;
	_ =	sdelay $0x1  }
0x353: {  	v2 =	vadd.f32 v4, v2;
	_ =	sdelay $0x1  }
0x354: {  	[tilespmem:s25+$0x280] =	vst v2;
	s25 =	sadd.s32 s24, s23  }
0x355: {  	s24 =	sor.u32 s24, s22;
	v2 =	vld [tilespmem:s25+$0x280]  }
0x356: {  	v3 =	vld [tilespmem:s24+$0x200];
	_ =	sdelay $0x1  }
0x357: {  	v4 =	vld [tilespmem:s24+$0x1200];
	_ =	sdelay $0x2  }
0x358: {  	v2 =	vmul.f32 v3, v2;
	_ =	sdelay $0x1  }
0x359: {  	v2 =	vadd.f32 v4, v2  }
.Ltmp13:
0x35a: {  	(pc) =	sbr.rel @p1 .LBB2_30-.Ltmp13, $4  }
0x35b: {  	s24 =	sadd.s32 s26, s23;
	[tilespmem:s25+$0x280] =	vst v2  }
0x35c: {  	s22 =	sor.u32 s26, s22;
	v3 =	vld [tilespmem:s24+$0x280]  }
0x35d: {  	v4 =	vld [tilespmem:s22+$0x200]  }
0x35e: {  	v2 =	vld [tilespmem:s22+$0x1200]  }
0x35f: {  	(v2sf) =	vpush v1, $0xE;
	_ =	sdelay $0xe  }
0x360: {  	s19 =	spop (v2sf)  }
0x361: {  	s21 =	simm.s32 $0x0;
	v3 =	vmul.f32 v4, v3;
	s20 =	sshll.u32 s19, $0xA;
	s19 =	sshll.u32 s19, $0x7  }
0x362: {  	s22 =	simm.s32 $0x0;
	s20 =	sand.u32 $0xFFFFF000, s20;
	s19 =	sand.u32 $0x180, s19  }
0x363: {  	s21 =	sand.u32 $0x3FFFFC00, s21;
	v2 =	vadd.f32 v2, v3;
	s19 =	sor.u32 s19, s20;
	s20 =	simm.s32 $0x0  }
0x364: {  	s22 =	sand.u32 $0xFFFFFE00, s22;
	s21 =	sadd.s32 s21, s18;
	s23 =	sand.u32 $0x40, s20  }
0x365: {  	[tilespmem:s24+$0x280] =	vst v2;
	s22 =	sadd.s32 s19, s22;
	s26 =	sadd.s32 s23, s21  }
0x366: {  	s25 =	sor.u32 s23, s22;
	v2 =	vld [tilespmem:s26+$0x300]  }
0x367: {  	v3 =	vld [tilespmem:s25+$0x200];
	_ =	sdelay $0x1  }
0x368: {  	v4 =	vld [tilespmem:s25+$0x1200];
	_ =	sdelay $0x2  }
0x369: {  	v2 =	vmul.f32 v3, v2;
	_ =	sdelay $0x1  }
0x36a: {  	v2 =	vadd.f32 v4, v2  }
0x36b: {  	s28 =	sor.u32 $0x10, s23  }
0x36c: {  	s29 =	sadd.s32 s28, s21;
	[tilespmem:s26+$0x300] =	vst v2  }
0x36d: {  	s25 =	sor.u32 s28, s22;
	v2 =	vld [tilespmem:s29+$0x300]  }
0x36e: {  	v3 =	vld [tilespmem:s25+$0x200];
	_ =	sdelay $0x1  }
0x36f: {  	v4 =	vld [tilespmem:s25+$0x1200];
	_ =	sdelay $0x2  }
0x370: {  	v2 =	vmul.f32 v3, v2;
	_ =	sdelay $0x1  }
0x371: {  	v2 =	vadd.f32 v4, v2  }
0x372: {  	s30 =	sor.u32 $0x20, s23  }
0x373: {  	s31 =	sadd.s32 s30, s21;
	[tilespmem:s29+$0x300] =	vst v2  }
0x374: {  	s25 =	sor.u32 s30, s22;
	v2 =	vld [tilespmem:s31+$0x300]  }
0x375: {  	v3 =	vld [tilespmem:s25+$0x200];
	_ =	sdelay $0x1  }
0x376: {  	v4 =	vld [tilespmem:s25+$0x1200];
	_ =	sdelay $0x2  }
0x377: {  	v2 =	vmul.f32 v3, v2;
	_ =	sdelay $0x1  }
0x378: {  	v2 =	vadd.f32 v4, v2  }
0x379: {  	s23 =	sor.u32 $0x30, s23  }
0x37a: {  	s24 =	sadd.s32 s23, s21;
	[tilespmem:s31+$0x300] =	vst v2  }
0x37b: {  	s22 =	sor.u32 s23, s22;
	v3 =	vld [tilespmem:s24+$0x300]  }
0x37c: {  	v4 =	vld [tilespmem:s22+$0x200]  }
0x37d: {  	s21 =	simm.s32 $0x0;
	v2 =	vld [tilespmem:s22+$0x1200]  }
.LBB2_32:
0x37e: {  	_ =	sdelay $0x2  }
0x37f: {  	s21 =	sadd.s32 $0x4, s21;
	v3 =	vmul.f32 v4, v3  }
0x380: {  	s22 =	sshll.u32 s21, $0x7;
	s23 =	sshll.u32 s21, $0x6;
	p1 =	slt.u32 s21, $0x3C  }
0x381: {  	s20 =	sadd.s32 $0x40, s20;
	s22 =	sand.u32 $0x3FFFFC00, s22;
	s25 =	sand.u32 $0xFFFFFE00, s23;
	v2 =	vadd.f32 v2, v3  }
0x382: {  	s26 =	sand.u32 $0x40, s20;
	s23 =	sadd.s32 s22, s18;
	s22 =	sadd.s32 s19, s25  }
0x383: {  	s29 =	sor.u32 $0x10, s26;
	s25 =	sadd.s32 s26, s23;
	s28 =	sor.u32 s26, s22;
	[tilespmem:s24+$0x300] =	vst v2  }
0x384: {  	s24 =	sor.u32 $0x20, s26;
	s26 =	sor.u32 $0x30, s26;
	v2 =	vld [tilespmem:s25+$0x300]  }
0x385: {  	v3 =	vld [tilespmem:s28+$0x200];
	_ =	sdelay $0x1  }
0x386: {  	v4 =	vld [tilespmem:s28+$0x1200];
	_ =	sdelay $0x2  }
0x387: {  	v2 =	vmul.f32 v3, v2;
	_ =	sdelay $0x1  }
0x388: {  	v2 =	vadd.f32 v4, v2;
	_ =	sdelay $0x1  }
0x389: {  	[tilespmem:s25+$0x300] =	vst v2;
	s25 =	sadd.s32 s29, s23  }
0x38a: {  	s28 =	sor.u32 s29, s22;
	v2 =	vld [tilespmem:s25+$0x300]  }
0x38b: {  	v3 =	vld [tilespmem:s28+$0x200];
	_ =	sdelay $0x1  }
0x38c: {  	v4 =	vld [tilespmem:s28+$0x1200];
	_ =	sdelay $0x2  }
0x38d: {  	v2 =	vmul.f32 v3, v2;
	_ =	sdelay $0x1  }
0x38e: {  	v2 =	vadd.f32 v4, v2;
	_ =	sdelay $0x1  }
0x38f: {  	[tilespmem:s25+$0x300] =	vst v2;
	s25 =	sadd.s32 s24, s23  }
0x390: {  	s24 =	sor.u32 s24, s22;
	v2 =	vld [tilespmem:s25+$0x300]  }
0x391: {  	v3 =	vld [tilespmem:s24+$0x200];
	_ =	sdelay $0x1  }
0x392: {  	v4 =	vld [tilespmem:s24+$0x1200];
	_ =	sdelay $0x2  }
0x393: {  	v2 =	vmul.f32 v3, v2;
	_ =	sdelay $0x1  }
0x394: {  	v2 =	vadd.f32 v4, v2  }
.Ltmp14:
0x395: {  	(pc) =	sbr.rel @p1 .LBB2_32-.Ltmp14, $4  }
0x396: {  	s24 =	sadd.s32 s26, s23;
	[tilespmem:s25+$0x300] =	vst v2  }
0x397: {  	s22 =	sor.u32 s26, s22;
	v3 =	vld [tilespmem:s24+$0x300]  }
0x398: {  	v4 =	vld [tilespmem:s22+$0x200]  }
0x399: {  	v2 =	vld [tilespmem:s22+$0x1200]  }
0x39a: {  	(v2sf) =	vpush v1, $0xF;
	_ =	sdelay $0xe  }
0x39b: {  	s19 =	spop (v2sf)  }
0x39c: {  	s21 =	simm.s32 $0x0;
	v1 =	vmul.f32 v4, v3;
	s20 =	sshll.u32 s19, $0xA;
	s19 =	sshll.u32 s19, $0x7  }
0x39d: {  	s22 =	simm.s32 $0x0;
	s20 =	sand.u32 $0xFFFFF000, s20;
	s19 =	sand.u32 $0x180, s19  }
0x39e: {  	s21 =	sand.u32 $0x3FFFFC00, s21;
	v1 =	vadd.f32 v2, v1;
	s19 =	sor.u32 s19, s20;
	s20 =	simm.s32 $0x0  }
0x39f: {  	s22 =	sand.u32 $0xFFFFFE00, s22;
	s21 =	sadd.s32 s21, s18;
	s23 =	sand.u32 $0x40, s20  }
0x3a0: {  	[tilespmem:s24+$0x300] =	vst v1;
	s22 =	sadd.s32 s19, s22;
	s26 =	sadd.s32 s23, s21  }
0x3a1: {  	s25 =	sor.u32 s23, s22;
	v1 =	vld [tilespmem:s26+$0x380]  }
0x3a2: {  	v2 =	vld [tilespmem:s25+$0x200];
	_ =	sdelay $0x1  }
0x3a3: {  	v3 =	vld [tilespmem:s25+$0x1200];
	_ =	sdelay $0x2  }
0x3a4: {  	v1 =	vmul.f32 v2, v1;
	_ =	sdelay $0x1  }
0x3a5: {  	v1 =	vadd.f32 v3, v1  }
0x3a6: {  	s28 =	sor.u32 $0x10, s23  }
0x3a7: {  	s29 =	sadd.s32 s28, s21;
	[tilespmem:s26+$0x380] =	vst v1  }
0x3a8: {  	s25 =	sor.u32 s28, s22;
	v1 =	vld [tilespmem:s29+$0x380]  }
0x3a9: {  	v2 =	vld [tilespmem:s25+$0x200];
	_ =	sdelay $0x1  }
0x3aa: {  	v3 =	vld [tilespmem:s25+$0x1200];
	_ =	sdelay $0x2  }
0x3ab: {  	v1 =	vmul.f32 v2, v1;
	_ =	sdelay $0x1  }
0x3ac: {  	v1 =	vadd.f32 v3, v1  }
0x3ad: {  	s30 =	sor.u32 $0x20, s23  }
0x3ae: {  	s31 =	sadd.s32 s30, s21;
	[tilespmem:s29+$0x380] =	vst v1  }
0x3af: {  	s25 =	sor.u32 s30, s22;
	v1 =	vld [tilespmem:s31+$0x380]  }
0x3b0: {  	v2 =	vld [tilespmem:s25+$0x200];
	_ =	sdelay $0x1  }
0x3b1: {  	v3 =	vld [tilespmem:s25+$0x1200];
	_ =	sdelay $0x2  }
0x3b2: {  	v1 =	vmul.f32 v2, v1;
	_ =	sdelay $0x1  }
0x3b3: {  	v1 =	vadd.f32 v3, v1  }
0x3b4: {  	s23 =	sor.u32 $0x30, s23  }
0x3b5: {  	s24 =	sadd.s32 s23, s21;
	[tilespmem:s31+$0x380] =	vst v1  }
0x3b6: {  	s22 =	sor.u32 s23, s22;
	v1 =	vld [tilespmem:s24+$0x380]  }
0x3b7: {  	v3 =	vld [tilespmem:s22+$0x200]  }
0x3b8: {  	s21 =	simm.s32 $0x0;
	v2 =	vld [tilespmem:s22+$0x1200]  }
.LBB2_34:
0x3b9: {  	_ =	sdelay $0x2  }
0x3ba: {  	s21 =	sadd.s32 $0x4, s21;
	v1 =	vmul.f32 v3, v1  }
0x3bb: {  	s22 =	sshll.u32 s21, $0x7;
	s23 =	sshll.u32 s21, $0x6;
	p1 =	slt.u32 s21, $0x3C  }
0x3bc: {  	s20 =	sadd.s32 $0x40, s20;
	s22 =	sand.u32 $0x3FFFFC00, s22;
	s25 =	sand.u32 $0xFFFFFE00, s23;
	v1 =	vadd.f32 v2, v1  }
0x3bd: {  	s26 =	sand.u32 $0x40, s20;
	s23 =	sadd.s32 s22, s18;
	s22 =	sadd.s32 s19, s25  }
0x3be: {  	s29 =	sor.u32 $0x10, s26;
	s25 =	sadd.s32 s26, s23;
	s28 =	sor.u32 s26, s22;
	[tilespmem:s24+$0x380] =	vst v1  }
0x3bf: {  	s24 =	sor.u32 $0x20, s26;
	s26 =	sor.u32 $0x30, s26;
	v1 =	vld [tilespmem:s25+$0x380]  }
0x3c0: {  	v2 =	vld [tilespmem:s28+$0x200];
	_ =	sdelay $0x1  }
0x3c1: {  	v3 =	vld [tilespmem:s28+$0x1200];
	_ =	sdelay $0x2  }
0x3c2: {  	v1 =	vmul.f32 v2, v1;
	_ =	sdelay $0x1  }
0x3c3: {  	v1 =	vadd.f32 v3, v1;
	_ =	sdelay $0x1  }
0x3c4: {  	[tilespmem:s25+$0x380] =	vst v1;
	s25 =	sadd.s32 s29, s23  }
0x3c5: {  	s28 =	sor.u32 s29, s22;
	v1 =	vld [tilespmem:s25+$0x380]  }
0x3c6: {  	v2 =	vld [tilespmem:s28+$0x200];
	_ =	sdelay $0x1  }
0x3c7: {  	v3 =	vld [tilespmem:s28+$0x1200];
	_ =	sdelay $0x2  }
0x3c8: {  	v1 =	vmul.f32 v2, v1;
	_ =	sdelay $0x1  }
0x3c9: {  	v1 =	vadd.f32 v3, v1;
	_ =	sdelay $0x1  }
0x3ca: {  	[tilespmem:s25+$0x380] =	vst v1;
	s25 =	sadd.s32 s24, s23  }
0x3cb: {  	s24 =	sor.u32 s24, s22;
	v1 =	vld [tilespmem:s25+$0x380]  }
0x3cc: {  	v2 =	vld [tilespmem:s24+$0x200];
	_ =	sdelay $0x1  }
0x3cd: {  	v3 =	vld [tilespmem:s24+$0x1200];
	_ =	sdelay $0x2  }
0x3ce: {  	v1 =	vmul.f32 v2, v1;
	_ =	sdelay $0x1  }
0x3cf: {  	v1 =	vadd.f32 v3, v1  }
.Ltmp15:
0x3d0: {  	(pc) =	sbr.rel @p1 .LBB2_34-.Ltmp15, $4  }
0x3d1: {  	s24 =	sadd.s32 s26, s23;
	[tilespmem:s25+$0x380] =	vst v1  }
0x3d2: {  	s22 =	sor.u32 s26, s22;
	v1 =	vld [tilespmem:s24+$0x380]  }
0x3d3: {  	v3 =	vld [tilespmem:s22+$0x200]  }
0x3d4: {  	v2 =	vld [tilespmem:s22+$0x1200]  }
0x3d5: {  	_ =	sdelay $0x2  }
.Ltmp16:
0x3d6: {  	v1 =	vmul.f32 v3, v1;
	(pc) =	sbr.rel @p0 .LBB2_3-.Ltmp16, $3  }
0x3d7: {  	_ = 	snop  }
0x3d8: {  	v1 =	vadd.f32 v2, v1;
	_ =	sdelay $0x1  }
0x3d9: {  	s18 =	simm.s32 $0x1;
	p1 =	por $0x0, $0x0;
	[tilespmem:s24+$0x380] =	vst v1  }
0x3da: {  	s15 =	sadd.s32 $0x1, s15  }
0x3db: {  	p0 =	sne.s32 s15, $0x10  }
.Ltmp17:
0x3dc: {  	s16 =	sadd.s32 s5, s16;
	(pc) =	sbr.rel @p0 .LBB2_2-.Ltmp17, $4  }
0x3dd: {  	[hbm4b:s16+s6] =	stream.linear.scatter [tilespmem:s13], [sflag:$0x1], $0x8000, $0x38;
	[tilespmem:$0xA200] =	vst v63  }
0x3de: {  	_ =	swait.ge [sflag:s10], $0x8000  }
0x3df: {  	[sflag:s10] =	ssyncset.done $0x0  }
0x3e0: {  	[sflag:s10] =	ssyncadd.s32 $0xFFFF8000  }
0x3e1: {  	s14 =	sadd.s32 $0x1, s14  }
0x3e2: {  	p0 =	sne.s32 s14, s9  }
.Ltmp18:
0x3e3: {  	_ = 	snop;
	(pc) =	sbr.rel @p0 .LBB2_1-.Ltmp18, $1  }
0x3e4: {  	_ =	sdelay $0x3  }
0x3e5: {  	_ =	sfence.sel $0x180000  }
0x3e6: {  	[bflag:$0x0] =	sbarrier.arrive $0xFFFF  }
0x3e7: {  	p0 =	sne.s32 s2, $0x0;
	_ =	strace $0x90000047  }
0x3e8: {  	s0 =	sadd.s32 @!p0 $0x100000, s1;
	[bflag:$0x2] =	sbarrier.arrive $0xFFFF  }
0x3e9: {  	[sflag:s0] =	ssyncadd.tile.s32 @!p0 $0x1;
	_ =	shalt  }
.Lfunc_end2:
_tile_overlayer_lowered:
.L_overlay_start_2:
0x3ea: {  	(tag) =	ssettag $0x2  }
0x3eb: {  	s0 =	rddreg [dreg:$0x0];
	s2 =	stileid.u32  }
0x3ec: {  	s1 =	rddreg [dreg:$0x1];
	p0 =	sne.s32 s2, $0x0  }
0x3ed: {  	s3 =	rddreg [dreg:$0x2];
	[bflag:$0x3] =	sbarrier.arrive $0xFFFF;
	s2 =	simm.s32 @!p0 $0x1C01  }
0x3ee: {  	[timem:s3], [sflag:s2] =	dma.local @!p0 [hbm:s0], s1  }
0x3ef: {  	s0 =	simm.s32 @!p0 $0x1  }
0x3f0: {  	_ =	swait.ge @!p0 [sflag:s0], s1  }
0x3f1: {  	s1 =	ssub.s32 @!p0 $0x0, s1;
	[sflag:s0] =	ssyncset.done @!p0 $0x0  }
0x3f2: {  	[sflag:s0] =	ssyncadd.s32 @!p0 s1  }
0x3f3: {  	[bflag:$0x3] =	sbarrier.arrive $0xFFFF  }
0x3f4: {  	_ =	shalt  }

</sc_bundles>
